<compile_context>
chip_gen: v7x
topology: tpu7x:2x2x1
jax: 0.10.2.dev20260603
libtpu: 0.0.44.dev20260713+nightly
codegen_flags: <defaults>
</compile_context>

<pallas_src>
import dataclasses
import functools

import jax
import jax.numpy as jnp
from jax import lax
from jax.experimental import pallas as pl
from jax.experimental.pallas import tpu as pltpu
from jax.experimental.pallas import tpu_sc as plsc

NC = 2
NS = 16
NW = NC * NS
K = 128
CH = 16
ZCH = 64


def _mesh():
    return plsc.VectorSubcoreMesh(core_axis_name="c", subcore_axis_name="s")


def _no_layout_cp():
    cp = pltpu.CompilerParams()
    if "needs_layout_passes" in pltpu.CompilerParams.__dataclass_fields__:
        cp = dataclasses.replace(cp, needs_layout_passes=False)
    return cp


def _deg_pass(didx, np_pad):
    nblk = didx.shape[0] // (K * NW)
    ones_host = jnp.ones((K, 128), jnp.float32)
    zeros_host = jnp.zeros((ZCH, 128), jnp.float32)

    @functools.partial(
        pl.kernel,
        out_type=jax.ShapeDtypeStruct((NC, np_pad, 128), jnp.float32),
        mesh=_mesh(),
        scratch_types=[
            pltpu.VMEM((K,), jnp.int32),
            pltpu.VMEM((K, 128), jnp.float32),
            pltpu.VMEM((ZCH, 128), jnp.float32),
            pltpu.VMEM_SHARED((np_pad, 128), jnp.float32),
        ],
    )
    def kern(didx_hbm, ones_hbm, zeros_hbm, out_hbm, dbuf, ones_v, zbuf, acc):
        cid = lax.axis_index("c")
        sid = lax.axis_index("s")
        wid = sid * NC + cid
        pltpu.sync_copy(ones_hbm, ones_v)
        pltpu.sync_copy(zeros_hbm, zbuf)

        @pl.loop(0, np_pad // (ZCH * NS))
        def _(i):
            pltpu.sync_copy(zbuf, acc.at[pl.ds((i * NS + sid) * ZCH, ZCH)])

        plsc.subcore_barrier()
        base = wid * nblk * K

        @pl.loop(0, nblk)
        def _(b):
            pltpu.sync_copy(didx_hbm.at[pl.ds(base + b * K, K)], dbuf)
            pltpu.sync_copy(ones_v, acc.at[dbuf], add=True)

        plsc.subcore_barrier()
        rps = np_pad // NS
        pltpu.sync_copy(acc.at[pl.ds(sid * rps, rps)],
                        out_hbm.at[cid, pl.ds(sid * rps, rps)])

    return kern(didx, ones_host, zeros_host)


def _filter_pass(gidx, didx, aidx, a_pad, np_pad):
    ep = gidx.shape[0]
    nblk = ep // (K * NW)
    ept = nblk * K
    a = aidx.shape[0]
    zflags_host = jnp.zeros((np_pad,), jnp.int32)
    junkd_host = jnp.full((ept,), a_pad - 1, jnp.int32)
    junkg_host = jnp.zeros((ept,), jnp.int32)

    @functools.partial(
        pl.kernel,
        out_type=(
            jax.ShapeDtypeStruct((ep,), jnp.int32),
            jax.ShapeDtypeStruct((ep,), jnp.int32),
            jax.ShapeDtypeStruct((NW, 128), jnp.int32),
            jax.ShapeDtypeStruct((a,), jnp.int32),
        ),
        mesh=_mesh(),
        scratch_types=[
            pltpu.VMEM((K,), jnp.int32),
            pltpu.VMEM((K,), jnp.int32),
            pltpu.VMEM((a,), jnp.int32),
            pltpu.VMEM((a,), jnp.int32),
            pltpu.VMEM((np_pad,), jnp.int32),
            pltpu.VMEM((ept,), jnp.int32),
            pltpu.VMEM((ept,), jnp.int32),
            pltpu.VMEM((128,), jnp.int32),
        ],
        compiler_params=_no_layout_cp(),
    )
    def kern(gidx_hbm, didx_hbm, aidx_hbm, zflags_hbm, junkd_hbm, junkg_hbm,
             gout_hbm, dout_hbm, counts_hbm, smap_hbm,
             gbuf, dbuf, abuf, sbuf, flag_v, gcomp, dcomp, cbuf):
        cid = lax.axis_index("c")
        sid = lax.axis_index("s")
        wid = sid * NC + cid
        pltpu.sync_copy(zflags_hbm, flag_v)
        pltpu.sync_copy(aidx_hbm, abuf)
        pltpu.sync_copy(junkd_hbm, dcomp)
        pltpu.sync_copy(junkg_hbm, gcomp)

        @pl.loop(0, a // 16)
        def _(c):
            slots = lax.iota(jnp.int32, 16) + (c * 16 + 1)
            plsc.store_scatter(flag_v, [abuf[pl.ds(c * 16, 16)]], slots)

        @pl.when(wid == 0)
        def _():
            @pl.loop(0, a // 16)
            def _(c):
                sv = plsc.load_gather(flag_v, [abuf[pl.ds(c * 16, 16)]]) - 1
                sbuf[pl.ds(c * 16, 16)] = sv

            pltpu.sync_copy(sbuf, smap_hbm)

        base = wid * ept

        def blk_body(b, cnt):
            pltpu.sync_copy(gidx_hbm.at[pl.ds(base + b * K, K)], gbuf)
            pltpu.sync_copy(didx_hbm.at[pl.ds(base + b * K, K)], dbuf)

            def chunk(c, cnt):
                dv = dbuf[pl.ds(c * 16, 16)]
                gv = gbuf[pl.ds(c * 16, 16)]
                fl = plsc.load_gather(flag_v, [dv])
                mask = fl > 0
                plsc.store_compressed(dcomp.at[pl.ds(cnt, 16)], fl - 1,
                                      mask=mask)
                plsc.store_compressed(gcomp.at[pl.ds(cnt, 16)], gv, mask=mask)
                pc = plsc.all_reduce_population_count(mask)
                return cnt + lax.reduce_max(pc, axes=(0,))

            return lax.fori_loop(0, K // 16, chunk, cnt)

        cnt = lax.fori_loop(0, nblk, blk_body, jnp.int32(0))
        pltpu.sync_copy(dcomp, dout_hbm.at[pl.ds(base, ept)])
        pltpu.sync_copy(gcomp, gout_hbm.at[pl.ds(base, ept)])
        cvec = jnp.full((16,), cnt, jnp.int32)

        @pl.loop(0, 8)
        def _(j):
            cbuf[pl.ds(j * 16, 16)] = cvec

        pltpu.sync_copy(cbuf, counts_hbm.at[wid])

    return kern(gidx, didx, aidx, zflags_host, junkd_host, junkg_host)


def _edge_pass(table, gidx, didx, n_acc, counts=None):
    h = table.shape[1]
    nblk = gidx.shape[0] // (K * NW)
    zeros_host = jnp.zeros((ZCH, h), jnp.float32)
    dyn = counts is not None
    rps = n_acc // NS

    scratch = [
        pltpu.VMEM((K,), jnp.int32),
        pltpu.VMEM((K,), jnp.int32),
        pltpu.VMEM((K, h), jnp.float32),
        pltpu.VMEM((ZCH, h), jnp.float32),
        pltpu.VMEM_SHARED((n_acc, h), jnp.float32),
        pltpu.SemaphoreType.DMA,
    ]
    if dyn:
        scratch.append(pltpu.VMEM((128,), jnp.int32))

    @functools.partial(
        pl.kernel,
        out_type=jax.ShapeDtypeStruct((NC, n_acc, h), jnp.float32),
        mesh=_mesh(),
        scratch_types=scratch,
        compiler_params=_no_layout_cp() if dyn else None,
    )
    def kern(table_hbm, gidx_hbm, didx_hbm, zeros_hbm, *rest):
        if dyn:
            counts_hbm, out_hbm, gbuf, dbuf, rows, zbuf, acc, sem, cbuf = rest
        else:
            out_hbm, gbuf, dbuf, rows, zbuf, acc, sem = rest
        cid = lax.axis_index("c")
        sid = lax.axis_index("s")
        wid = sid * NC + cid
        pltpu.sync_copy(zeros_hbm, zbuf)

        for j in range(rps // ZCH):
            pltpu.sync_copy(zbuf, acc.at[pl.ds(sid * rps + j * ZCH, ZCH)])
        if rps % ZCH:
            r0 = (rps // ZCH) * ZCH
            pltpu.sync_copy(zbuf.at[pl.ds(0, rps % ZCH)],
                            acc.at[pl.ds(sid * rps + r0, rps % ZCH)])

        plsc.subcore_barrier()
        base = wid * nblk * K

        def block(b):
            off = base + b * K
            pltpu.sync_copy(gidx_hbm.at[pl.ds(off, K)], gbuf)
            pltpu.sync_copy(didx_hbm.at[pl.ds(off, K)], dbuf)
            pltpu.async_copy(table_hbm.at[gbuf], rows, sem).wait()
            pltpu.sync_copy(rows, acc.at[dbuf], add=True)

        if dyn:
            pltpu.sync_copy(counts_hbm.at[wid], cbuf)
            cnt = lax.reduce_max(cbuf[pl.ds(0, 16)], axes=(0,))
            nb = (cnt + (K - 1)) // K
            lax.fori_loop(0, nb, lambda b, c: (block(b), c)[1], 0)
        else:
            pl.loop(0, nblk)(block)

        plsc.subcore_barrier()
        pltpu.sync_copy(acc.at[pl.ds(sid * rps, rps)],
                        out_hbm.at[cid, pl.ds(sid * rps, rps)])

    if dyn:
        return kern(table, gidx, didx, zeros_host, counts)
    return kern(table, gidx, didx, zeros_host)


def _aspect_gather(hmat, aidx):
    a = aidx.shape[0]
    h = hmat.shape[1]
    apt = a // NW

    @functools.partial(
        pl.kernel,
        out_type=jax.ShapeDtypeStruct((a, h), jnp.float32),
        mesh=_mesh(),
        scratch_types=[
            pltpu.VMEM((apt,), jnp.int32),
            pltpu.VMEM((apt, h), jnp.float32),
            pltpu.SemaphoreType.DMA,
        ],
    )
    def kern(h_hbm, aidx_hbm, out_hbm, ibuf, rows, sem):
        cid = lax.axis_index("c")
        sid = lax.axis_index("s")
        wid = sid * NC + cid
        pltpu.sync_copy(aidx_hbm.at[pl.ds(wid * apt, apt)], ibuf)
        pltpu.async_copy(h_hbm.at[ibuf], rows, sem).wait()
        pltpu.sync_copy(rows, out_hbm.at[pl.ds(wid * apt, apt)])

    return kern(hmat, aidx)


def _dinv_kernel(degs):
    np_pad = degs.shape[1]

    def body(d_ref, o_ref):
        deg = d_ref[0, :, 0:1] + d_ref[1, :, 0:1]
        o_ref[...] = lax.rsqrt(jnp.maximum(deg, 1.0))

    return pl.pallas_call(
        body,
        out_shape=jax.ShapeDtypeStruct((np_pad, 1), jnp.float32),
    )(degs)


def _typed_transform(x, w, dinv, bn=2048):
    np_pad, d = x.shape
    t, _, h = w.shape

    nb = np_pad // bn

    def body(x_ref, w_ref, dv_ref, o_ref):
        o_ref[...] = dv_ref[...] * jnp.dot(
            x_ref[...], w_ref[0], preferred_element_type=jnp.float32)

    return pl.pallas_call(
        body,
        grid=(t, nb),
        in_specs=[
            pl.BlockSpec((bn, d), lambda ti, i: (i, 0)),
            pl.BlockSpec((1, d, h), lambda ti, i: (ti, 0, 0)),
            pl.BlockSpec((bn, 1), lambda ti, i: (i, 0)),
        ],
        out_specs=pl.BlockSpec((bn, h), lambda ti, i: (ti * nb + i, 0)),
        out_shape=jax.ShapeDtypeStruct((t * np_pad, h), jnp.float32),
    )(x, w, dinv)


def _root_matmul(x, w_root, b, bn=2048):
    np_pad, d = x.shape
    h = w_root.shape[1]

    def body(x_ref, w_ref, b_ref, o_ref):
        o_ref[...] = jnp.dot(
            x_ref[...], w_ref[...], preferred_element_type=jnp.float32
        ) + b_ref[...]

    return pl.pallas_call(
        body,
        grid=(np_pad // bn,),
        in_specs=[
            pl.BlockSpec((bn, d), lambda i: (i, 0)),
            pl.BlockSpec((d, h), lambda i: (0, 0)),
            pl.BlockSpec((1, h), lambda i: (0, 0)),
        ],
        out_specs=pl.BlockSpec((bn, h), lambda i: (i, 0)),
        out_shape=jax.ShapeDtypeStruct((np_pad, h), jnp.float32),
    )(x, w_root, b)


def _combine(acc, dinv, root, relu, bn=2048):
    np_pad, h = root.shape

    def body(a_ref, dv_ref, r_ref, o_ref):
        s = (a_ref[0] + a_ref[1]) * dv_ref[...] + r_ref[...]
        if relu:
            s = jnp.maximum(s, 0.0)
        o_ref[...] = s

    return pl.pallas_call(
        body,
        grid=(np_pad // bn,),
        in_specs=[
            pl.BlockSpec((2, bn, h), lambda i: (0, i, 0)),
            pl.BlockSpec((bn, 1), lambda i: (i, 0)),
            pl.BlockSpec((bn, h), lambda i: (i, 0)),
        ],
        out_specs=pl.BlockSpec((bn, h), lambda i: (i, 0)),
        out_shape=jax.ShapeDtypeStruct((np_pad, h), jnp.float32),
    )(acc, dinv, root)


def _aspect_combine(acc, dasp, asp_h1, w_root, b):
    a, h = asp_h1.shape

    def body(a_ref, d_ref, x_ref, w_ref, b_ref, o_ref):
        deg = d_ref[0:a, 0:1] + d_ref[a:2 * a, 0:1]
        dinv = lax.rsqrt(jnp.maximum(deg, 1.0))
        o_ref[...] = (a_ref[0] + a_ref[1]) * dinv + jnp.dot(
            x_ref[...], w_ref[...], preferred_element_type=jnp.float32
        ) + b_ref[...]

    return pl.pallas_call(
        body,
        out_shape=jax.ShapeDtypeStruct((a, h), jnp.float32),
    )(acc, dasp, asp_h1, w_root, b.reshape(1, h))


def _classifier(asp, wc, bc):
    a, h = asp.shape
    c = wc.shape[1]

    def body(x_ref, w_ref, b_ref, o_ref):
        o_ref[...] = jnp.dot(
            x_ref[...], w_ref[...], preferred_element_type=jnp.float32
        ) + b_ref[...]

    return pl.pallas_call(
        body,
        out_shape=jax.ShapeDtypeStruct((a, c), jnp.float32),
    )(asp, wc, bc.reshape(1, c))


def kernel(features, edge_index, aspect_indices, edge_types,
           W1, W1_root, b1, W2, W2_root, b2, Wc, bc):
    n, d = features.shape
    e = edge_index.shape[1]
    t = W1.shape[0]
    h = W1.shape[2]

    np_pad = -(-(n + 1) // (ZCH * NS)) * (ZCH * NS)
    e_pad = -(-e // (CH * K * NW)) * (CH * K * NW)

    src = edge_index[0].astype(jnp.int32)
    dst = edge_index[1].astype(jnp.int32)
    et = edge_types.astype(jnp.int32)
    pad = e_pad - e
    gidx = jnp.concatenate([et * np_pad + src,
                            jnp.zeros((pad,), jnp.int32)])
    didx = jnp.concatenate([dst, jnp.full((pad,), n, jnp.int32)])
    aidx = aspect_indices.astype(jnp.int32)

    x = jnp.pad(features, ((0, np_pad - n), (0, 0)))

    a = aidx.shape[0]
    a_pad = -(-(a + 1) // 128) * 128

    degs = _deg_pass(didx, np_pad)
    dinv = _dinv_kernel(degs)
    gidx2, didx2, counts2, smap = _filter_pass(gidx, didx, aidx, a_pad,
                                               np_pad)

    xts1 = _typed_transform(x, W1, dinv)
    acc1 = _edge_pass(xts1, gidx, didx, np_pad)
    root1 = _root_matmul(x, W1_root, b1.reshape(1, h))
    h1 = _combine(acc1, dinv, root1, relu=True)

    xts2 = _typed_transform(h1, W2, dinv)
    acc2 = _edge_pass(xts2, gidx2, didx2, a_pad, counts2)
    asp_h1 = _aspect_gather(h1, aidx)
    aidx2 = jnp.concatenate([aidx, aidx + np_pad])
    dasp = _aspect_gather(degs.reshape(NC * np_pad, 128), aidx2)
    h2a = _aspect_combine(acc2[:, :a], dasp, asp_h1, W2_root, b2)
    h2f = _aspect_gather(h2a, smap)
    return _classifier(h2f, Wc, bc)

# --- scband reference (transcript-rebuilt; emitter-appended) ---
"""Pipeline reference for scband-hafe-absa-model-36120674959480 (READ-ONLY COPY).

The authoritative reference and input builder live on the scoring server;
editing this copy changes nothing except your own understanding.
"""

import jax, jax.numpy as jnp
import numpy as np

N = 10000
E = 320000
D = 128
H = 128
C = 3
T = 4
A = 512


def setup_inputs(seed: int = 0) -> dict:
    key = jax.random.key(seed)
    ks = jax.random.split(key, 13)
    features = jax.random.normal(ks[0], (N, D), dtype=jnp.float32)
    edge_index = jax.random.randint(ks[1], (2, E), 0, N, dtype=jnp.int64)
    aspect_indices = jax.random.randint(ks[2], (A,), 0, N, dtype=jnp.int64)
    edge_types = jax.random.randint(ks[3], (E,), 0, T, dtype=jnp.int64)
    # TypeAwareGCNConv layer 1: per-edge-type weights + root weight + bias
    W1 = jax.random.normal(ks[4], (T, D, H), dtype=jnp.float32) * 0.05
    W1_root = jax.random.normal(ks[5], (D, H), dtype=jnp.float32) * 0.05
    b1 = jnp.zeros((H,), dtype=jnp.float32)
    # TypeAwareGCNConv layer 2
    W2 = jax.random.normal(ks[6], (T, H, H), dtype=jnp.float32) * 0.05
    W2_root = jax.random.normal(ks[7], (H, H), dtype=jnp.float32) * 0.05
    b2 = jnp.zeros((H,), dtype=jnp.float32)
    # classifier
    Wc = jax.random.normal(ks[8], (H, C), dtype=jnp.float32) * 0.05
    bc = jnp.zeros((C,), dtype=jnp.float32)
    return {
        "features": features,
        "edge_index": edge_index,
        "aspect_indices": aspect_indices,
        "edge_types": edge_types,
        "W1": W1, "W1_root": W1_root, "b1": b1,
        "W2": W2, "W2_root": W2_root, "b2": b2,
        "Wc": Wc, "bc": bc,
    }


def _type_aware_gcn(x, edge_index, edge_types, W, W_root, b):
    # per-edge-type linear transform (RGCN-style), GCN symmetric normalization
    src = edge_index[0]
    dst = edge_index[1]
    n = x.shape[0]
    xt = jnp.einsum('nd,tdh->tnh', x, W)        # [T, N, H]
    msg = xt[edge_types, src]                    # gather per-edge typed message [E, H]
    deg = jnp.zeros((n,), dtype=x.dtype).at[dst].add(1.0)
    deg = jnp.maximum(deg, 1.0)
    dinv = jax.lax.rsqrt(deg)
    norm = dinv[src] * dinv[dst]                 # [E]
    agg = jnp.zeros((n, W.shape[2]), dtype=x.dtype).at[dst].add(msg * norm[:, None])
    return agg + x @ W_root + b


def reference(features, edge_index, aspect_indices, edge_types,
              W1, W1_root, b1, W2, W2_root, b2, Wc, bc):
    # f3_preprocessed is False at init -> enhance_features skipped
    h = _type_aware_gcn(features, edge_index, edge_types, W1, W1_root, b1)
    h = jax.nn.relu(h)
    # dropout: identity in eval / deterministic reference
    h = _type_aware_gcn(h, edge_index, edge_types, W2, W2_root, b2)
    aspect_embeddings = h[aspect_indices]        # [A, H]
    logits = aspect_embeddings @ Wc + bc         # [A, C]
    return logits

if __name__ == "__main__":
    import jax
    _d = setup_inputs()
    print(jax.jit(kernel)(*tuple(_d.values())))

</pallas_src>

<mosaic_0001>
#map = affine_map<(d0, d1) -> (0)>
#map1 = affine_map<(d0, d1) -> (0, 0)>
#map2 = affine_map<(d0, d1) -> (0, 0, 0)>
module attributes {stable_mosaic.version = 14 : i64} {
  func.func @kern(%arg0: i32, %arg1: i32, %arg2: memref<327680xi32, #tpu.memory_space<hbm>>, %arg3: memref<128x128xf32, #tpu.memory_space<hbm>>, %arg4: memref<64x128xf32, #tpu.memory_space<hbm>>, %arg5: memref<2x10240x128xf32, #tpu.memory_space<hbm>>, %arg6: memref<128xi32, #tpu.memory_space<vmem>>, %arg7: memref<128x128xf32, #tpu.memory_space<vmem>>, %arg8: memref<64x128xf32, #tpu.memory_space<vmem>>, %arg9: memref<10240x128xf32, #tpu.memory_space<vmem_shared>>) attributes {dimension_semantics = [#tpu.dimension_semantics<core_parallel>, #tpu.dimension_semantics<subcore_parallel>], iteration_bounds = array<i64: 2, 16>, scalar_prefetch = 0 : i64, scratch_operands = 4 : i64, tpu.core_type = #tpu.core_type<sc_vector_subcore>, window_params = [{transform_indices = #map}, {transform_indices = #map1}, {transform_indices = #map1}, {transform_indices = #map2}]} {
    %mul3A = arith.constant 2 : i32
    %mul3A_0 = arith.muli %arg1, %mul3A : i32
    %add3A = arith.addi %mul3A_0, %arg0 : i32
    "tpu.region"() ({
      %run_scoped3A = tpu.sem_alloc : memref<!tpu.dma_semaphore, #tpu.memory_space<semaphore_mem>>
      tpu.enqueue_dma source(%arg3 : memref<128x128xf32, #tpu.memory_space<hbm>>) target(%arg7 : memref<128x128xf32, #tpu.memory_space<vmem>>) target_semaphore(%run_scoped3A : memref<!tpu.dma_semaphore, #tpu.memory_space<semaphore_mem>>)
      tpu.wait_dma2 semaphore(%run_scoped3A : memref<!tpu.dma_semaphore, #tpu.memory_space<semaphore_mem>>) src(%arg3 : memref<128x128xf32, #tpu.memory_space<hbm>>) dst(%arg7 : memref<128x128xf32, #tpu.memory_space<vmem>>)
      tpu.yield
    }) : () -> ()
    "tpu.region"() ({
      %run_scoped3A = tpu.sem_alloc : memref<!tpu.dma_semaphore, #tpu.memory_space<semaphore_mem>>
      tpu.enqueue_dma source(%arg4 : memref<64x128xf32, #tpu.memory_space<hbm>>) target(%arg8 : memref<64x128xf32, #tpu.memory_space<vmem>>) target_semaphore(%run_scoped3A : memref<!tpu.dma_semaphore, #tpu.memory_space<semaphore_mem>>)
      tpu.wait_dma2 semaphore(%run_scoped3A : memref<!tpu.dma_semaphore, #tpu.memory_space<semaphore_mem>>) src(%arg4 : memref<64x128xf32, #tpu.memory_space<hbm>>) dst(%arg8 : memref<64x128xf32, #tpu.memory_space<vmem>>)
      tpu.yield
    }) : () -> ()
    %scan3A = arith.constant 0 : i32
    %scan3A_1 = arith.constant 10 : i32
    %scan3A_2 = arith.addi %scan3A, %scan3A_1 : i32
    %scan3A_3 = arith.constant 1 : i32
    scf.for %scan3A_19 = %scan3A to %scan3A_2 step %scan3A_3  : i32 {
      %mul3A_20 = arith.constant 1 : i32
      %mul3A_21 = arith.muli %scan3A_19, %mul3A_20 : i32
      %add3A_22 = arith.constant 0 : i32
      %add3A_23 = arith.addi %add3A_22, %mul3A_21 : i32
      %mul3A_24 = arith.constant 16 : i32
      %mul3A_25 = arith.muli %add3A_23, %mul3A_24 : i32
      %add3A_26 = arith.addi %mul3A_25, %arg1 : i32
      %mul3A_27 = arith.constant 64 : i32
      %mul3A_28 = arith.muli %add3A_26, %mul3A_27 : i32
      "tpu.region"() ({
        %run_scoped3A = tpu.sem_alloc : memref<!tpu.dma_semaphore, #tpu.memory_space<semaphore_mem>>
        %dma_start3A = arith.constant 0 : i32
        %dma_start3A_29 = tpu.memref_slice %arg9[%mul3A_28, %dma_start3A] : memref<10240x128xf32, #tpu.memory_space<vmem_shared>> -> memref<64x128xf32, #tpu.memory_space<vmem_shared>>
        %dma_start3A_30 = arith.constant 0 : i32
        %dma_start3A_31 = tpu.memref_slice %arg9[%mul3A_28, %dma_start3A_30] : memref<10240x128xf32, #tpu.memory_space<vmem_shared>> -> memref<64x128xf32, #tpu.memory_space<vmem_shared>>
        tpu.enqueue_dma source(%arg8 : memref<64x128xf32, #tpu.memory_space<vmem>>) target(%dma_start3A_31 : memref<64x128xf32, #tpu.memory_space<vmem_shared>>) target_semaphore(%run_scoped3A : memref<!tpu.dma_semaphore, #tpu.memory_space<semaphore_mem>>)
        %dma_wait3A = arith.constant 0 : i32
        %dma_wait3A_32 = tpu.memref_slice %arg9[%mul3A_28, %dma_wait3A] : memref<10240x128xf32, #tpu.memory_space<vmem_shared>> -> memref<64x128xf32, #tpu.memory_space<vmem_shared>>
        %dma_wait3A_33 = arith.constant 0 : i32
        %dma_wait3A_34 = tpu.memref_slice %arg9[%mul3A_28, %dma_wait3A_33] : memref<10240x128xf32, #tpu.memory_space<vmem_shared>> -> memref<64x128xf32, #tpu.memory_space<vmem_shared>>
        tpu.wait_dma2 semaphore(%run_scoped3A : memref<!tpu.dma_semaphore, #tpu.memory_space<semaphore_mem>>) src(%arg8 : memref<64x128xf32, #tpu.memory_space<vmem>>) dst(%dma_wait3A_34 : memref<64x128xf32, #tpu.memory_space<vmem_shared>>)
        tpu.yield
      }) : () -> ()
    }
    %scan3A_4 = arith.constant 10 : i32
    %barrier3A = arith.constant 0 : index
    tpu.barrier barrier_id(%barrier3A)
    %mul3A_5 = arith.constant 80 : i32
    %mul3A_6 = arith.muli %add3A, %mul3A_5 : i32
    %mul3A_7 = arith.constant 128 : i32
    %mul3A_8 = arith.muli %mul3A_6, %mul3A_7 : i32
    %scan3A_9 = arith.constant 0 : i32
    %scan3A_10 = arith.constant 80 : i32
    %scan3A_11 = arith.addi %scan3A_9, %scan3A_10 : i32
    %scan3A_12 = arith.constant 1 : i32
    scf.for %scan3A_19 = %scan3A_9 to %scan3A_11 step %scan3A_12  : i32 {
      %mul3A_20 = arith.constant 1 : i32
      %mul3A_21 = arith.muli %scan3A_19, %mul3A_20 : i32
      %add3A_22 = arith.constant 0 : i32
      %add3A_23 = arith.addi %add3A_22, %mul3A_21 : i32
      %mul3A_24 = arith.constant 128 : i32
      %mul3A_25 = arith.muli %add3A_23, %mul3A_24 : i32
      %add3A_26 = arith.addi %mul3A_8, %mul3A_25 : i32
      "tpu.region"() ({
        %run_scoped3A = tpu.sem_alloc : memref<!tpu.dma_semaphore, #tpu.memory_space<semaphore_mem>>
        %dma_start3A = tpu.memref_slice %arg2[%add3A_26] : memref<327680xi32, #tpu.memory_space<hbm>> -> memref<128xi32, #tpu.memory_space<hbm>>
        %dma_start3A_27 = tpu.memref_slice %arg2[%add3A_26] : memref<327680xi32, #tpu.memory_space<hbm>> -> memref<128xi32, #tpu.memory_space<hbm>>
        tpu.enqueue_dma source(%dma_start3A_27 : memref<128xi32, #tpu.memory_space<hbm>>) target(%arg6 : memref<128xi32, #tpu.memory_space<vmem>>) target_semaphore(%run_scoped3A : memref<!tpu.dma_semaphore, #tpu.memory_space<semaphore_mem>>)
        %dma_wait3A = tpu.memref_slice %arg2[%add3A_26] : memref<327680xi32, #tpu.memory_space<hbm>> -> memref<128xi32, #tpu.memory_space<hbm>>
        %dma_wait3A_28 = tpu.memref_slice %arg2[%add3A_26] : memref<327680xi32, #tpu.memory_space<hbm>> -> memref<128xi32, #tpu.memory_space<hbm>>
        tpu.wait_dma2 semaphore(%run_scoped3A : memref<!tpu.dma_semaphore, #tpu.memory_space<semaphore_mem>>) src(%dma_wait3A_28 : memref<128xi32, #tpu.memory_space<hbm>>) dst(%arg6 : memref<128xi32, #tpu.memory_space<vmem>>)
        tpu.yield
      }) : () -> ()
      "tpu.region"() ({
        %run_scoped3A = tpu.sem_alloc : memref<!tpu.dma_semaphore, #tpu.memory_space<semaphore_mem>>
        %dma_start3A = arith.constant 0 : i32
        %dma_start3A_27 = arith.constant 0 : i32
        %dma_start3A_28 = tpu.memref_slice %arg9[%dma_start3A, %dma_start3A_27] : memref<10240x128xf32, #tpu.memory_space<vmem_shared>> -> memref<10240x128xf32, #tpu.memory_space<vmem_shared>>
        tpu.enqueue_indirect_dma source(%arg7 : memref<128x128xf32, #tpu.memory_space<vmem>>) target(%dma_start3A_28 : memref<10240x128xf32, #tpu.memory_space<vmem_shared>>) offsets(%arg6 : memref<128xi32, #tpu.memory_space<vmem>>) semaphore(%run_scoped3A : memref<!tpu.dma_semaphore, #tpu.memory_space<semaphore_mem>>) {add = true}
        %dma_wait3A = arith.constant 0 : i32
        %dma_wait3A_29 = arith.constant 0 : i32
        %dma_wait3A_30 = tpu.memref_slice %arg9[%dma_wait3A, %dma_wait3A_29] : memref<10240x128xf32, #tpu.memory_space<vmem_shared>> -> memref<10240x128xf32, #tpu.memory_space<vmem_shared>>
        tpu.wait_indirect_dma semaphore(%run_scoped3A : memref<!tpu.dma_semaphore, #tpu.memory_space<semaphore_mem>>) src(%arg7 : memref<128x128xf32, #tpu.memory_space<vmem>>) dst(%dma_wait3A_30 : memref<10240x128xf32, #tpu.memory_space<vmem_shared>>)
        tpu.yield
      }) : () -> ()
    }
    %scan3A_13 = arith.constant 80 : i32
    %barrier3A_14 = arith.constant 0 : index
    tpu.barrier barrier_id(%barrier3A_14)
    %mul3A_15 = arith.constant 640 : i32
    %mul3A_16 = arith.muli %arg1, %mul3A_15 : i32
    %mul3A_17 = arith.constant 640 : i32
    %mul3A_18 = arith.muli %arg1, %mul3A_17 : i32
    "tpu.region"() ({
      %run_scoped3A = tpu.sem_alloc : memref<!tpu.dma_semaphore, #tpu.memory_space<semaphore_mem>>
      %dma_start3A = arith.constant 0 : i32
      %dma_start3A_19 = tpu.memref_slice %arg5[%arg0, %mul3A_18, %dma_start3A] : memref<2x10240x128xf32, #tpu.memory_space<hbm>> -> memref<1x640x128xf32, #tpu.memory_space<hbm>>
      %dma_start3A_20 = tpu.memref_squeeze %dma_start3A_19 : memref<1x640x128xf32, #tpu.memory_space<hbm>> -> memref<640x128xf32, #tpu.memory_space<hbm>>
      %dma_start3A_21 = arith.constant 0 : i32
      %dma_start3A_22 = tpu.memref_slice %arg9[%mul3A_16, %dma_start3A_21] : memref<10240x128xf32, #tpu.memory_space<vmem_shared>> -> memref<640x128xf32, #tpu.memory_space<vmem_shared>>
      tpu.enqueue_dma source(%dma_start3A_22 : memref<640x128xf32, #tpu.memory_space<vmem_shared>>) target(%dma_start3A_20 : memref<640x128xf32, #tpu.memory_space<hbm>>) target_semaphore(%run_scoped3A : memref<!tpu.dma_semaphore, #tpu.memory_space<semaphore_mem>>)
      %dma_wait3A = arith.constant 0 : i32
      %dma_wait3A_23 = tpu.memref_slice %arg5[%arg0, %mul3A_18, %dma_wait3A] : memref<2x10240x128xf32, #tpu.memory_space<hbm>> -> memref<1x640x128xf32, #tpu.memory_space<hbm>>
      %dma_wait3A_24 = tpu.memref_squeeze %dma_wait3A_23 : memref<1x640x128xf32, #tpu.memory_space<hbm>> -> memref<640x128xf32, #tpu.memory_space<hbm>>
      %dma_wait3A_25 = arith.constant 0 : i32
      %dma_wait3A_26 = tpu.memref_slice %arg9[%mul3A_16, %dma_wait3A_25] : memref<10240x128xf32, #tpu.memory_space<vmem_shared>> -> memref<640x128xf32, #tpu.memory_space<vmem_shared>>
      tpu.wait_dma2 semaphore(%run_scoped3A : memref<!tpu.dma_semaphore, #tpu.memory_space<semaphore_mem>>) src(%dma_wait3A_26 : memref<640x128xf32, #tpu.memory_space<vmem_shared>>) dst(%dma_wait3A_24 : memref<640x128xf32, #tpu.memory_space<hbm>>)
      tpu.yield
    }) : () -> ()
    return
  }
}

#map = affine_map<(d0, d1) -> (0, 0)>
#map1 = affine_map<(d0, d1) -> (0)>
#map2 = affine_map<(d0, d1) -> (0, 0, 0)>
module attributes {stable_mosaic.version = 14 : i64} {
  func.func @kern(%arg0: i32, %arg1: i32, %arg2: memref<40960x128xf32, #tpu.memory_space<hbm>>, %arg3: memref<327680xi32, #tpu.memory_space<hbm>>, %arg4: memref<327680xi32, #tpu.memory_space<hbm>>, %arg5: memref<64x128xf32, #tpu.memory_space<hbm>>, %arg6: memref<2x10240x128xf32, #tpu.memory_space<hbm>>, %arg7: memref<128xi32, #tpu.memory_space<vmem>>, %arg8: memref<128xi32, #tpu.memory_space<vmem>>, %arg9: memref<128x128xf32, #tpu.memory_space<vmem>>, %arg10: memref<64x128xf32, #tpu.memory_space<vmem>>, %arg11: memref<10240x128xf32, #tpu.memory_space<vmem_shared>>, %arg12: memref<!tpu.dma_semaphore, #tpu.memory_space<semaphore_mem>>) attributes {dimension_semantics = [#tpu.dimension_semantics<core_parallel>, #tpu.dimension_semantics<subcore_parallel>], iteration_bounds = array<i64: 2, 16>, scalar_prefetch = 0 : i64, scratch_operands = 6 : i64, tpu.core_type = #tpu.core_type<sc_vector_subcore>, window_params = [{transform_indices = #map}, {transform_indices = #map1}, {transform_indices = #map1}, {transform_indices = #map}, {transform_indices = #map2}]} {
    %mul3A = arith.constant 2 : i32
    %mul3A_0 = arith.muli %arg1, %mul3A : i32
    %add3A = arith.addi %mul3A_0, %arg0 : i32
    "tpu.region"() ({
      %run_scoped3A = tpu.sem_alloc : memref<!tpu.dma_semaphore, #tpu.memory_space<semaphore_mem>>
      tpu.enqueue_dma source(%arg5 : memref<64x128xf32, #tpu.memory_space<hbm>>) target(%arg10 : memref<64x128xf32, #tpu.memory_space<vmem>>) target_semaphore(%run_scoped3A : memref<!tpu.dma_semaphore, #tpu.memory_space<semaphore_mem>>)
      tpu.wait_dma2 semaphore(%run_scoped3A : memref<!tpu.dma_semaphore, #tpu.memory_space<semaphore_mem>>) src(%arg5 : memref<64x128xf32, #tpu.memory_space<hbm>>) dst(%arg10 : memref<64x128xf32, #tpu.memory_space<vmem>>)
      tpu.yield
    }) : () -> ()
    %mul3A_1 = arith.constant 640 : i32
    %mul3A_2 = arith.muli %arg1, %mul3A_1 : i32
    %add3A_3 = arith.constant 0 : i32
    %add3A_4 = arith.addi %mul3A_2, %add3A_3 : i32
    "tpu.region"() ({
      %run_scoped3A = tpu.sem_alloc : memref<!tpu.dma_semaphore, #tpu.memory_space<semaphore_mem>>
      %dma_start3A = arith.constant 0 : i32
      %dma_start3A_54 = tpu.memref_slice %arg11[%add3A_4, %dma_start3A] : memref<10240x128xf32, #tpu.memory_space<vmem_shared>> -> memref<64x128xf32, #tpu.memory_space<vmem_shared>>
      %dma_start3A_55 = arith.constant 0 : i32
      %dma_start3A_56 = tpu.memref_slice %arg11[%add3A_4, %dma_start3A_55] : memref<10240x128xf32, #tpu.memory_space<vmem_shared>> -> memref<64x128xf32, #tpu.memory_space<vmem_shared>>
      tpu.enqueue_dma source(%arg10 : memref<64x128xf32, #tpu.memory_space<vmem>>) target(%dma_start3A_56 : memref<64x128xf32, #tpu.memory_space<vmem_shared>>) target_semaphore(%run_scoped3A : memref<!tpu.dma_semaphore, #tpu.memory_space<semaphore_mem>>)
      %dma_wait3A = arith.constant 0 : i32
      %dma_wait3A_57 = tpu.memref_slice %arg11[%add3A_4, %dma_wait3A] : memref<10240x128xf32, #tpu.memory_space<vmem_shared>> -> memref<64x128xf32, #tpu.memory_space<vmem_shared>>
      %dma_wait3A_58 = arith.constant 0 : i32
      %dma_wait3A_59 = tpu.memref_slice %arg11[%add3A_4, %dma_wait3A_58] : memref<10240x128xf32, #tpu.memory_space<vmem_shared>> -> memref<64x128xf32, #tpu.memory_space<vmem_shared>>
      tpu.wait_dma2 semaphore(%run_scoped3A : memref<!tpu.dma_semaphore, #tpu.memory_space<semaphore_mem>>) src(%arg10 : memref<64x128xf32, #tpu.memory_space<vmem>>) dst(%dma_wait3A_59 : memref<64x128xf32, #tpu.memory_space<vmem_shared>>)
      tpu.yield
    }) : () -> ()
    %mul3A_5 = arith.constant 640 : i32
    %mul3A_6 = arith.muli %arg1, %mul3A_5 : i32
    %add3A_7 = arith.constant 64 : i32
    %add3A_8 = arith.addi %mul3A_6, %add3A_7 : i32
    "tpu.region"() ({
      %run_scoped3A = tpu.sem_alloc : memref<!tpu.dma_semaphore, #tpu.memory_space<semaphore_mem>>
      %dma_start3A = arith.constant 0 : i32
      %dma_start3A_54 = tpu.memref_slice %arg11[%add3A_8, %dma_start3A] : memref<10240x128xf32, #tpu.memory_space<vmem_shared>> -> memref<64x128xf32, #tpu.memory_space<vmem_shared>>
      %dma_start3A_55 = arith.constant 0 : i32
      %dma_start3A_56 = tpu.memref_slice %arg11[%add3A_8, %dma_start3A_55] : memref<10240x128xf32, #tpu.memory_space<vmem_shared>> -> memref<64x128xf32, #tpu.memory_space<vmem_shared>>
      tpu.enqueue_dma source(%arg10 : memref<64x128xf32, #tpu.memory_space<vmem>>) target(%dma_start3A_56 : memref<64x128xf32, #tpu.memory_space<vmem_shared>>) target_semaphore(%run_scoped3A : memref<!tpu.dma_semaphore, #tpu.memory_space<semaphore_mem>>)
      %dma_wait3A = arith.constant 0 : i32
      %dma_wait3A_57 = tpu.memref_slice %arg11[%add3A_8, %dma_wait3A] : memref<10240x128xf32, #tpu.memory_space<vmem_shared>> -> memref<64x128xf32, #tpu.memory_space<vmem_shared>>
      %dma_wait3A_58 = arith.constant 0 : i32
      %dma_wait3A_59 = tpu.memref_slice %arg11[%add3A_8, %dma_wait3A_58] : memref<10240x128xf32, #tpu.memory_space<vmem_shared>> -> memref<64x128xf32, #tpu.memory_space<vmem_shared>>
      tpu.wait_dma2 semaphore(%run_scoped3A : memref<!tpu.dma_semaphore, #tpu.memory_space<semaphore_mem>>) src(%arg10 : memref<64x128xf32, #tpu.memory_space<vmem>>) dst(%dma_wait3A_59 : memref<64x128xf32, #tpu.memory_space<vmem_shared>>)
      tpu.yield
    }) : () -> ()
    %mul3A_9 = arith.constant 640 : i32
    %mul3A_10 = arith.muli %arg1, %mul3A_9 : i32
    %add3A_11 = arith.constant 128 : i32
    %add3A_12 = arith.addi %mul3A_10, %add3A_11 : i32
    "tpu.region"() ({
      %run_scoped3A = tpu.sem_alloc : memref<!tpu.dma_semaphore, #tpu.memory_space<semaphore_mem>>
      %dma_start3A = arith.constant 0 : i32
      %dma_start3A_54 = tpu.memref_slice %arg11[%add3A_12, %dma_start3A] : memref<10240x128xf32, #tpu.memory_space<vmem_shared>> -> memref<64x128xf32, #tpu.memory_space<vmem_shared>>
      %dma_start3A_55 = arith.constant 0 : i32
      %dma_start3A_56 = tpu.memref_slice %arg11[%add3A_12, %dma_start3A_55] : memref<10240x128xf32, #tpu.memory_space<vmem_shared>> -> memref<64x128xf32, #tpu.memory_space<vmem_shared>>
      tpu.enqueue_dma source(%arg10 : memref<64x128xf32, #tpu.memory_space<vmem>>) target(%dma_start3A_56 : memref<64x128xf32, #tpu.memory_space<vmem_shared>>) target_semaphore(%run_scoped3A : memref<!tpu.dma_semaphore, #tpu.memory_space<semaphore_mem>>)
      %dma_wait3A = arith.constant 0 : i32
      %dma_wait3A_57 = tpu.memref_slice %arg11[%add3A_12, %dma_wait3A] : memref<10240x128xf32, #tpu.memory_space<vmem_shared>> -> memref<64x128xf32, #tpu.memory_space<vmem_shared>>
      %dma_wait3A_58 = arith.constant 0 : i32
      %dma_wait3A_59 = tpu.memref_slice %arg11[%add3A_12, %dma_wait3A_58] : memref<10240x128xf32, #tpu.memory_space<vmem_shared>> -> memref<64x128xf32, #tpu.memory_space<vmem_shared>>
      tpu.wait_dma2 semaphore(%run_scoped3A : memref<!tpu.dma_semaphore, #tpu.memory_space<semaphore_mem>>) src(%arg10 : memref<64x128xf32, #tpu.memory_space<vmem>>) dst(%dma_wait3A_59 : memref<64x128xf32, #tpu.memory_space<vmem_shared>>)
      tpu.yield
    }) : () -> ()
    %mul3A_13 = arith.constant 640 : i32
    %mul3A_14 = arith.muli %arg1, %mul3A_13 : i32
    %add3A_15 = arith.constant 192 : i32
    %add3A_16 = arith.addi %mul3A_14, %add3A_15 : i32
    "tpu.region"() ({
      %run_scoped3A = tpu.sem_alloc : memref<!tpu.dma_semaphore, #tpu.memory_space<semaphore_mem>>
      %dma_start3A = arith.constant 0 : i32
      %dma_start3A_54 = tpu.memref_slice %arg11[%add3A_16, %dma_start3A] : memref<10240x128xf32, #tpu.memory_space<vmem_shared>> -> memref<64x128xf32, #tpu.memory_space<vmem_shared>>
      %dma_start3A_55 = arith.constant 0 : i32
      %dma_start3A_56 = tpu.memref_slice %arg11[%add3A_16, %dma_start3A_55] : memref<10240x128xf32, #tpu.memory_space<vmem_shared>> -> memref<64x128xf32, #tpu.memory_space<vmem_shared>>
      tpu.enqueue_dma source(%arg10 : memref<64x128xf32, #tpu.memory_space<vmem>>) target(%dma_start3A_56 : memref<64x128xf32, #tpu.memory_space<vmem_shared>>) target_semaphore(%run_scoped3A : memref<!tpu.dma_semaphore, #tpu.memory_space<semaphore_mem>>)
      %dma_wait3A = arith.constant 0 : i32
      %dma_wait3A_57 = tpu.memref_slice %arg11[%add3A_16, %dma_wait3A] : memref<10240x128xf32, #tpu.memory_space<vmem_shared>> -> memref<64x128xf32, #tpu.memory_space<vmem_shared>>
      %dma_wait3A_58 = arith.constant 0 : i32
      %dma_wait3A_59 = tpu.memref_slice %arg11[%add3A_16, %dma_wait3A_58] : memref<10240x128xf32, #tpu.memory_space<vmem_shared>> -> memref<64x128xf32, #tpu.memory_space<vmem_shared>>
      tpu.wait_dma2 semaphore(%run_scoped3A : memref<!tpu.dma_semaphore, #tpu.memory_space<semaphore_mem>>) src(%arg10 : memref<64x128xf32, #tpu.memory_space<vmem>>) dst(%dma_wait3A_59 : memref<64x128xf32, #tpu.memory_space<vmem_shared>>)
      tpu.yield
    }) : () -> ()
    %mul3A_17 = arith.constant 640 : i32
    %mul3A_18 = arith.muli %arg1, %mul3A_17 : i32
    %add3A_19 = arith.constant 256 : i32
    %add3A_20 = arith.addi %mul3A_18, %add3A_19 : i32
    "tpu.region"() ({
      %run_scoped3A = tpu.sem_alloc : memref<!tpu.dma_semaphore, #tpu.memory_space<semaphore_mem>>
      %dma_start3A = arith.constant 0 : i32
      %dma_start3A_54 = tpu.memref_slice %arg11[%add3A_20, %dma_start3A] : memref<10240x128xf32, #tpu.memory_space<vmem_shared>> -> memref<64x128xf32, #tpu.memory_space<vmem_shared>>
      %dma_start3A_55 = arith.constant 0 : i32
      %dma_start3A_56 = tpu.memref_slice %arg11[%add3A_20, %dma_start3A_55] : memref<10240x128xf32, #tpu.memory_space<vmem_shared>> -> memref<64x128xf32, #tpu.memory_space<vmem_shared>>
      tpu.enqueue_dma source(%arg10 : memref<64x128xf32, #tpu.memory_space<vmem>>) target(%dma_start3A_56 : memref<64x128xf32, #tpu.memory_space<vmem_shared>>) target_semaphore(%run_scoped3A : memref<!tpu.dma_semaphore, #tpu.memory_space<semaphore_mem>>)
      %dma_wait3A = arith.constant 0 : i32
      %dma_wait3A_57 = tpu.memref_slice %arg11[%add3A_20, %dma_wait3A] : memref<10240x128xf32, #tpu.memory_space<vmem_shared>> -> memref<64x128xf32, #tpu.memory_space<vmem_shared>>
      %dma_wait3A_58 = arith.constant 0 : i32
      %dma_wait3A_59 = tpu.memref_slice %arg11[%add3A_20, %dma_wait3A_58] : memref<10240x128xf32, #tpu.memory_space<vmem_shared>> -> memref<64x128xf32, #tpu.memory_space<vmem_shared>>
      tpu.wait_dma2 semaphore(%run_scoped3A : memref<!tpu.dma_semaphore, #tpu.memory_space<semaphore_mem>>) src(%arg10 : memref<64x128xf32, #tpu.memory_space<vmem>>) dst(%dma_wait3A_59 : memref<64x128xf32, #tpu.memory_space<vmem_shared>>)
      tpu.yield
    }) : () -> ()
    %mul3A_21 = arith.constant 640 : i32
    %mul3A_22 = arith.muli %arg1, %mul3A_21 : i32
    %add3A_23 = arith.constant 320 : i32
    %add3A_24 = arith.addi %mul3A_22, %add3A_23 : i32
    "tpu.region"() ({
      %run_scoped3A = tpu.sem_alloc : memref<!tpu.dma_semaphore, #tpu.memory_space<semaphore_mem>>
      %dma_start3A = arith.constant 0 : i32
      %dma_start3A_54 = tpu.memref_slice %arg11[%add3A_24, %dma_start3A] : memref<10240x128xf32, #tpu.memory_space<vmem_shared>> -> memref<64x128xf32, #tpu.memory_space<vmem_shared>>
      %dma_start3A_55 = arith.constant 0 : i32
      %dma_start3A_56 = tpu.memref_slice %arg11[%add3A_24, %dma_start3A_55] : memref<10240x128xf32, #tpu.memory_space<vmem_shared>> -> memref<64x128xf32, #tpu.memory_space<vmem_shared>>
      tpu.enqueue_dma source(%arg10 : memref<64x128xf32, #tpu.memory_space<vmem>>) target(%dma_start3A_56 : memref<64x128xf32, #tpu.memory_space<vmem_shared>>) target_semaphore(%run_scoped3A : memref<!tpu.dma_semaphore, #tpu.memory_space<semaphore_mem>>)
      %dma_wait3A = arith.constant 0 : i32
      %dma_wait3A_57 = tpu.memref_slice %arg11[%add3A_24, %dma_wait3A] : memref<10240x128xf32, #tpu.memory_space<vmem_shared>> -> memref<64x128xf32, #tpu.memory_space<vmem_shared>>
      %dma_wait3A_58 = arith.constant 0 : i32
      %dma_wait3A_59 = tpu.memref_slice %arg11[%add3A_24, %dma_wait3A_58] : memref<10240x128xf32, #tpu.memory_space<vmem_shared>> -> memref<64x128xf32, #tpu.memory_space<vmem_shared>>
      tpu.wait_dma2 semaphore(%run_scoped3A : memref<!tpu.dma_semaphore, #tpu.memory_space<semaphore_mem>>) src(%arg10 : memref<64x128xf32, #tpu.memory_space<vmem>>) dst(%dma_wait3A_59 : memref<64x128xf32, #tpu.memory_space<vmem_shared>>)
      tpu.yield
    }) : () -> ()
    %mul3A_25 = arith.constant 640 : i32
    %mul3A_26 = arith.muli %arg1, %mul3A_25 : i32
    %add3A_27 = arith.constant 384 : i32
    %add3A_28 = arith.addi %mul3A_26, %add3A_27 : i32
    "tpu.region"() ({
      %run_scoped3A = tpu.sem_alloc : memref<!tpu.dma_semaphore, #tpu.memory_space<semaphore_mem>>
      %dma_start3A = arith.constant 0 : i32
      %dma_start3A_54 = tpu.memref_slice %arg11[%add3A_28, %dma_start3A] : memref<10240x128xf32, #tpu.memory_space<vmem_shared>> -> memref<64x128xf32, #tpu.memory_space<vmem_shared>>
      %dma_start3A_55 = arith.constant 0 : i32
      %dma_start3A_56 = tpu.memref_slice %arg11[%add3A_28, %dma_start3A_55] : memref<10240x128xf32, #tpu.memory_space<vmem_shared>> -> memref<64x128xf32, #tpu.memory_space<vmem_shared>>
      tpu.enqueue_dma source(%arg10 : memref<64x128xf32, #tpu.memory_space<vmem>>) target(%dma_start3A_56 : memref<64x128xf32, #tpu.memory_space<vmem_shared>>) target_semaphore(%run_scoped3A : memref<!tpu.dma_semaphore, #tpu.memory_space<semaphore_mem>>)
      %dma_wait3A = arith.constant 0 : i32
      %dma_wait3A_57 = tpu.memref_slice %arg11[%add3A_28, %dma_wait3A] : memref<10240x128xf32, #tpu.memory_space<vmem_shared>> -> memref<64x128xf32, #tpu.memory_space<vmem_shared>>
      %dma_wait3A_58 = arith.constant 0 : i32
      %dma_wait3A_59 = tpu.memref_slice %arg11[%add3A_28, %dma_wait3A_58] : memref<10240x128xf32, #tpu.memory_space<vmem_shared>> -> memref<64x128xf32, #tpu.memory_space<vmem_shared>>
      tpu.wait_dma2 semaphore(%run_scoped3A : memref<!tpu.dma_semaphore, #tpu.memory_space<semaphore_mem>>) src(%arg10 : memref<64x128xf32, #tpu.memory_space<vmem>>) dst(%dma_wait3A_59 : memref<64x128xf32, #tpu.memory_space<vmem_shared>>)
      tpu.yield
    }) : () -> ()
    %mul3A_29 = arith.constant 640 : i32
    %mul3A_30 = arith.muli %arg1, %mul3A_29 : i32
    %add3A_31 = arith.constant 448 : i32
    %add3A_32 = arith.addi %mul3A_30, %add3A_31 : i32
    "tpu.region"() ({
      %run_scoped3A = tpu.sem_alloc : memref<!tpu.dma_semaphore, #tpu.memory_space<semaphore_mem>>
      %dma_start3A = arith.constant 0 : i32
      %dma_start3A_54 = tpu.memref_slice %arg11[%add3A_32, %dma_start3A] : memref<10240x128xf32, #tpu.memory_space<vmem_shared>> -> memref<64x128xf32, #tpu.memory_space<vmem_shared>>
      %dma_start3A_55 = arith.constant 0 : i32
      %dma_start3A_56 = tpu.memref_slice %arg11[%add3A_32, %dma_start3A_55] : memref<10240x128xf32, #tpu.memory_space<vmem_shared>> -> memref<64x128xf32, #tpu.memory_space<vmem_shared>>
      tpu.enqueue_dma source(%arg10 : memref<64x128xf32, #tpu.memory_space<vmem>>) target(%dma_start3A_56 : memref<64x128xf32, #tpu.memory_space<vmem_shared>>) target_semaphore(%run_scoped3A : memref<!tpu.dma_semaphore, #tpu.memory_space<semaphore_mem>>)
      %dma_wait3A = arith.constant 0 : i32
      %dma_wait3A_57 = tpu.memref_slice %arg11[%add3A_32, %dma_wait3A] : memref<10240x128xf32, #tpu.memory_space<vmem_shared>> -> memref<64x128xf32, #tpu.memory_space<vmem_shared>>
      %dma_wait3A_58 = arith.constant 0 : i32
      %dma_wait3A_59 = tpu.memref_slice %arg11[%add3A_32, %dma_wait3A_58] : memref<10240x128xf32, #tpu.memory_space<vmem_shared>> -> memref<64x128xf32, #tpu.memory_space<vmem_shared>>
      tpu.wait_dma2 semaphore(%run_scoped3A : memref<!tpu.dma_semaphore, #tpu.memory_space<semaphore_mem>>) src(%arg10 : memref<64x128xf32, #tpu.memory_space<vmem>>) dst(%dma_wait3A_59 : memref<64x128xf32, #tpu.memory_space<vmem_shared>>)
      tpu.yield
    }) : () -> ()
    %mul3A_33 = arith.constant 640 : i32
    %mul3A_34 = arith.muli %arg1, %mul3A_33 : i32
    %add3A_35 = arith.constant 512 : i32
    %add3A_36 = arith.addi %mul3A_34, %add3A_35 : i32
    "tpu.region"() ({
      %run_scoped3A = tpu.sem_alloc : memref<!tpu.dma_semaphore, #tpu.memory_space<semaphore_mem>>
      %dma_start3A = arith.constant 0 : i32
      %dma_start3A_54 = tpu.memref_slice %arg11[%add3A_36, %dma_start3A] : memref<10240x128xf32, #tpu.memory_space<vmem_shared>> -> memref<64x128xf32, #tpu.memory_space<vmem_shared>>
      %dma_start3A_55 = arith.constant 0 : i32
      %dma_start3A_56 = tpu.memref_slice %arg11[%add3A_36, %dma_start3A_55] : memref<10240x128xf32, #tpu.memory_space<vmem_shared>> -> memref<64x128xf32, #tpu.memory_space<vmem_shared>>
      tpu.enqueue_dma source(%arg10 : memref<64x128xf32, #tpu.memory_space<vmem>>) target(%dma_start3A_56 : memref<64x128xf32, #tpu.memory_space<vmem_shared>>) target_semaphore(%run_scoped3A : memref<!tpu.dma_semaphore, #tpu.memory_space<semaphore_mem>>)
      %dma_wait3A = arith.constant 0 : i32
      %dma_wait3A_57 = tpu.memref_slice %arg11[%add3A_36, %dma_wait3A] : memref<10240x128xf32, #tpu.memory_space<vmem_shared>> -> memref<64x128xf32, #tpu.memory_space<vmem_shared>>
      %dma_wait3A_58 = arith.constant 0 : i32
      %dma_wait3A_59 = tpu.memref_slice %arg11[%add3A_36, %dma_wait3A_58] : memref<10240x128xf32, #tpu.memory_space<vmem_shared>> -> memref<64x128xf32, #tpu.memory_space<vmem_shared>>
      tpu.wait_dma2 semaphore(%run_scoped3A : memref<!tpu.dma_semaphore, #tpu.memory_space<semaphore_mem>>) src(%arg10 : memref<64x128xf32, #tpu.memory_space<vmem>>) dst(%dma_wait3A_59 : memref<64x128xf32, #tpu.memory_space<vmem_shared>>)
      tpu.yield
    }) : () -> ()
    %mul3A_37 = arith.constant 640 : i32
    %mul3A_38 = arith.muli %arg1, %mul3A_37 : i32
    %add3A_39 = arith.constant 576 : i32
    %add3A_40 = arith.addi %mul3A_38, %add3A_39 : i32
    "tpu.region"() ({
      %run_scoped3A = tpu.sem_alloc : memref<!tpu.dma_semaphore, #tpu.memory_space<semaphore_mem>>
      %dma_start3A = arith.constant 0 : i32
      %dma_start3A_54 = tpu.memref_slice %arg11[%add3A_40, %dma_start3A] : memref<10240x128xf32, #tpu.memory_space<vmem_shared>> -> memref<64x128xf32, #tpu.memory_space<vmem_shared>>
      %dma_start3A_55 = arith.constant 0 : i32
      %dma_start3A_56 = tpu.memref_slice %arg11[%add3A_40, %dma_start3A_55] : memref<10240x128xf32, #tpu.memory_space<vmem_shared>> -> memref<64x128xf32, #tpu.memory_space<vmem_shared>>
      tpu.enqueue_dma source(%arg10 : memref<64x128xf32, #tpu.memory_space<vmem>>) target(%dma_start3A_56 : memref<64x128xf32, #tpu.memory_space<vmem_shared>>) target_semaphore(%run_scoped3A : memref<!tpu.dma_semaphore, #tpu.memory_space<semaphore_mem>>)
      %dma_wait3A = arith.constant 0 : i32
      %dma_wait3A_57 = tpu.memref_slice %arg11[%add3A_40, %dma_wait3A] : memref<10240x128xf32, #tpu.memory_space<vmem_shared>> -> memref<64x128xf32, #tpu.memory_space<vmem_shared>>
      %dma_wait3A_58 = arith.constant 0 : i32
      %dma_wait3A_59 = tpu.memref_slice %arg11[%add3A_40, %dma_wait3A_58] : memref<10240x128xf32, #tpu.memory_space<vmem_shared>> -> memref<64x128xf32, #tpu.memory_space<vmem_shared>>
      tpu.wait_dma2 semaphore(%run_scoped3A : memref<!tpu.dma_semaphore, #tpu.memory_space<semaphore_mem>>) src(%arg10 : memref<64x128xf32, #tpu.memory_space<vmem>>) dst(%dma_wait3A_59 : memref<64x128xf32, #tpu.memory_space<vmem_shared>>)
      tpu.yield
    }) : () -> ()
    %barrier3A = arith.constant 0 : index
    tpu.barrier barrier_id(%barrier3A)
    %mul3A_41 = arith.constant 80 : i32
    %mul3A_42 = arith.muli %add3A, %mul3A_41 : i32
    %mul3A_43 = arith.constant 128 : i32
    %mul3A_44 = arith.muli %mul3A_42, %mul3A_43 : i32
    %scan3A = arith.constant 0 : i32
    %scan3A_45 = arith.constant 80 : i32
    %scan3A_46 = arith.addi %scan3A, %scan3A_45 : i32
    %scan3A_47 = arith.constant 1 : i32
    scf.for %scan3A_54 = %scan3A to %scan3A_46 step %scan3A_47  : i32 {
      %mul3A_55 = arith.constant 1 : i32
      %mul3A_56 = arith.muli %scan3A_54, %mul3A_55 : i32
      %add3A_57 = arith.constant 0 : i32
      %add3A_58 = arith.addi %add3A_57, %mul3A_56 : i32
      %mul3A_59 = arith.constant 128 : i32
      %mul3A_60 = arith.muli %add3A_58, %mul3A_59 : i32
      %add3A_61 = arith.addi %mul3A_44, %mul3A_60 : i32
      "tpu.region"() ({
        %run_scoped3A = tpu.sem_alloc : memref<!tpu.dma_semaphore, #tpu.memory_space<semaphore_mem>>
        %dma_start3A_66 = tpu.memref_slice %arg3[%add3A_61] : memref<327680xi32, #tpu.memory_space<hbm>> -> memref<128xi32, #tpu.memory_space<hbm>>
        %dma_start3A_67 = tpu.memref_slice %arg3[%add3A_61] : memref<327680xi32, #tpu.memory_space<hbm>> -> memref<128xi32, #tpu.memory_space<hbm>>
        tpu.enqueue_dma source(%dma_start3A_67 : memref<128xi32, #tpu.memory_space<hbm>>) target(%arg7 : memref<128xi32, #tpu.memory_space<vmem>>) target_semaphore(%run_scoped3A : memref<!tpu.dma_semaphore, #tpu.memory_space<semaphore_mem>>)
        %dma_wait3A_68 = tpu.memref_slice %arg3[%add3A_61] : memref<327680xi32, #tpu.memory_space<hbm>> -> memref<128xi32, #tpu.memory_space<hbm>>
        %dma_wait3A_69 = tpu.memref_slice %arg3[%add3A_61] : memref<327680xi32, #tpu.memory_space<hbm>> -> memref<128xi32, #tpu.memory_space<hbm>>
        tpu.wait_dma2 semaphore(%run_scoped3A : memref<!tpu.dma_semaphore, #tpu.memory_space<semaphore_mem>>) src(%dma_wait3A_69 : memref<128xi32, #tpu.memory_space<hbm>>) dst(%arg7 : memref<128xi32, #tpu.memory_space<vmem>>)
        tpu.yield
      }) : () -> ()
      "tpu.region"() ({
        %run_scoped3A = tpu.sem_alloc : memref<!tpu.dma_semaphore, #tpu.memory_space<semaphore_mem>>
        %dma_start3A_66 = tpu.memref_slice %arg4[%add3A_61] : memref<327680xi32, #tpu.memory_space<hbm>> -> memref<128xi32, #tpu.memory_space<hbm>>
        %dma_start3A_67 = tpu.memref_slice %arg4[%add3A_61] : memref<327680xi32, #tpu.memory_space<hbm>> -> memref<128xi32, #tpu.memory_space<hbm>>
        tpu.enqueue_dma source(%dma_start3A_67 : memref<128xi32, #tpu.memory_space<hbm>>) target(%arg8 : memref<128xi32, #tpu.memory_space<vmem>>) target_semaphore(%run_scoped3A : memref<!tpu.dma_semaphore, #tpu.memory_space<semaphore_mem>>)
        %dma_wait3A_68 = tpu.memref_slice %arg4[%add3A_61] : memref<327680xi32, #tpu.memory_space<hbm>> -> memref<128xi32, #tpu.memory_space<hbm>>
        %dma_wait3A_69 = tpu.memref_slice %arg4[%add3A_61] : memref<327680xi32, #tpu.memory_space<hbm>> -> memref<128xi32, #tpu.memory_space<hbm>>
        tpu.wait_dma2 semaphore(%run_scoped3A : memref<!tpu.dma_semaphore, #tpu.memory_space<semaphore_mem>>) src(%dma_wait3A_69 : memref<128xi32, #tpu.memory_space<hbm>>) dst(%arg8 : memref<128xi32, #tpu.memory_space<vmem>>)
        tpu.yield
      }) : () -> ()
      %dma_start3A = arith.constant 0 : i32
      %dma_start3A_62 = arith.constant 0 : i32
      %dma_start3A_63 = tpu.memref_slice %arg2[%dma_start3A, %dma_start3A_62] : memref<40960x128xf32, #tpu.memory_space<hbm>> -> memref<40960x128xf32, #tpu.memory_space<hbm>>
      tpu.enqueue_indirect_dma source(%dma_start3A_63 : memref<40960x128xf32, #tpu.memory_space<hbm>>) target(%arg9 : memref<128x128xf32, #tpu.memory_space<vmem>>) offsets(%arg7 : memref<128xi32, #tpu.memory_space<vmem>>) semaphore(%arg12 : memref<!tpu.dma_semaphore, #tpu.memory_space<semaphore_mem>>)
      %dma_wait3A = arith.constant 0 : i32
      %dma_wait3A_64 = arith.constant 0 : i32
      %dma_wait3A_65 = tpu.memref_slice %arg2[%dma_wait3A, %dma_wait3A_64] : memref<40960x128xf32, #tpu.memory_space<hbm>> -> memref<40960x128xf32, #tpu.memory_space<hbm>>
      tpu.wait_indirect_dma semaphore(%arg12 : memref<!tpu.dma_semaphore, #tpu.memory_space<semaphore_mem>>) src(%dma_wait3A_65 : memref<40960x128xf32, #tpu.memory_space<hbm>>) dst(%arg9 : memref<128x128xf32, #tpu.memory_space<vmem>>)
      "tpu.region"() ({
        %run_scoped3A = tpu.sem_alloc : memref<!tpu.dma_semaphore, #tpu.memory_space<semaphore_mem>>
        %dma_start3A_66 = arith.constant 0 : i32
        %dma_start3A_67 = arith.constant 0 : i32
        %dma_start3A_68 = tpu.memref_slice %arg11[%dma_start3A_66, %dma_start3A_67] : memref<10240x128xf32, #tpu.memory_space<vmem_shared>> -> memref<10240x128xf32, #tpu.memory_space<vmem_shared>>
        tpu.enqueue_indirect_dma source(%arg9 : memref<128x128xf32, #tpu.memory_space<vmem>>) target(%dma_start3A_68 : memref<10240x128xf32, #tpu.memory_space<vmem_shared>>) offsets(%arg8 : memref<128xi32, #tpu.memory_space<vmem>>) semaphore(%run_scoped3A : memref<!tpu.dma_semaphore, #tpu.memory_space<semaphore_mem>>) {add = true}
        %dma_wait3A_69 = arith.constant 0 : i32
        %dma_wait3A_70 = arith.constant 0 : i32
        %dma_wait3A_71 = tpu.memref_slice %arg11[%dma_wait3A_69, %dma_wait3A_70] : memref<10240x128xf32, #tpu.memory_space<vmem_shared>> -> memref<10240x128xf32, #tpu.memory_space<vmem_shared>>
        tpu.wait_indirect_dma semaphore(%run_scoped3A : memref<!tpu.dma_semaphore, #tpu.memory_space<semaphore_mem>>) src(%arg9 : memref<128x128xf32, #tpu.memory_space<vmem>>) dst(%dma_wait3A_71 : memref<10240x128xf32, #tpu.memory_space<vmem_shared>>)
        tpu.yield
      }) : () -> ()
    }
    %scan3A_48 = arith.constant 80 : i32
    %barrier3A_49 = arith.constant 0 : index
    tpu.barrier barrier_id(%barrier3A_49)
    %mul3A_50 = arith.constant 640 : i32
    %mul3A_51 = arith.muli %arg1, %mul3A_50 : i32
    %mul3A_52 = arith.constant 640 : i32
    %mul3A_53 = arith.muli %arg1, %mul3A_52 : i32
    "tpu.region"() ({
      %run_scoped3A = tpu.sem_alloc : memref<!tpu.dma_semaphore, #tpu.memory_space<semaphore_mem>>
      %dma_start3A = arith.constant 0 : i32
      %dma_start3A_54 = tpu.memref_slice %arg6[%arg0, %mul3A_53, %dma_start3A] : memref<2x10240x128xf32, #tpu.memory_space<hbm>> -> memref<1x640x128xf32, #tpu.memory_space<hbm>>
      %dma_start3A_55 = tpu.memref_squeeze %dma_start3A_54 : memref<1x640x128xf32, #tpu.memory_space<hbm>> -> memref<640x128xf32, #tpu.memory_space<hbm>>
      %dma_start3A_56 = arith.constant 0 : i32
      %dma_start3A_57 = tpu.memref_slice %arg11[%mul3A_51, %dma_start3A_56] : memref<10240x128xf32, #tpu.memory_space<vmem_shared>> -> memref<640x128xf32, #tpu.memory_space<vmem_shared>>
      tpu.enqueue_dma source(%dma_start3A_57 : memref<640x128xf32, #tpu.memory_space<vmem_shared>>) target(%dma_start3A_55 : memref<640x128xf32, #tpu.memory_space<hbm>>) target_semaphore(%run_scoped3A : memref<!tpu.dma_semaphore, #tpu.memory_space<semaphore_mem>>)
      %dma_wait3A = arith.constant 0 : i32
      %dma_wait3A_58 = tpu.memref_slice %arg6[%arg0, %mul3A_53, %dma_wait3A] : memref<2x10240x128xf32, #tpu.memory_space<hbm>> -> memref<1x640x128xf32, #tpu.memory_space<hbm>>
      %dma_wait3A_59 = tpu.memref_squeeze %dma_wait3A_58 : memref<1x640x128xf32, #tpu.memory_space<hbm>> -> memref<640x128xf32, #tpu.memory_space<hbm>>
      %dma_wait3A_60 = arith.constant 0 : i32
      %dma_wait3A_61 = tpu.memref_slice %arg11[%mul3A_51, %dma_wait3A_60] : memref<10240x128xf32, #tpu.memory_space<vmem_shared>> -> memref<640x128xf32, #tpu.memory_space<vmem_shared>>
      tpu.wait_dma2 semaphore(%run_scoped3A : memref<!tpu.dma_semaphore, #tpu.memory_space<semaphore_mem>>) src(%dma_wait3A_61 : memref<640x128xf32, #tpu.memory_space<vmem_shared>>) dst(%dma_wait3A_59 : memref<640x128xf32, #tpu.memory_space<hbm>>)
      tpu.yield
    }) : () -> ()
    return
  }
}

#map = affine_map<(d0, d1) -> (0, 0)>
#map1 = affine_map<(d0, d1) -> (0)>
#map2 = affine_map<(d0, d1) -> (0, 0, 0)>
module attributes {stable_mosaic.version = 14 : i64} {
  func.func @kern(%arg0: i32, %arg1: i32, %arg2: memref<40960x128xf32, #tpu.memory_space<hbm>>, %arg3: memref<327680xi32, #tpu.memory_space<hbm>>, %arg4: memref<327680xi32, #tpu.memory_space<hbm>>, %arg5: memref<64x128xf32, #tpu.memory_space<hbm>>, %arg6: memref<32x128xi32, #tpu.memory_space<hbm>>, %arg7: memref<2x640x128xf32, #tpu.memory_space<hbm>>, %arg8: memref<128xi32, #tpu.memory_space<vmem>>, %arg9: memref<128xi32, #tpu.memory_space<vmem>>, %arg10: memref<128x128xf32, #tpu.memory_space<vmem>>, %arg11: memref<64x128xf32, #tpu.memory_space<vmem>>, %arg12: memref<640x128xf32, #tpu.memory_space<vmem_shared>>, %arg13: memref<!tpu.dma_semaphore, #tpu.memory_space<semaphore_mem>>, %arg14: memref<128xi32, #tpu.memory_space<vmem>>) attributes {dimension_semantics = [#tpu.dimension_semantics<core_parallel>, #tpu.dimension_semantics<subcore_parallel>], iteration_bounds = array<i64: 2, 16>, scalar_prefetch = 0 : i64, scratch_operands = 7 : i64, tpu.core_type = #tpu.core_type<sc_vector_subcore>, window_params = [{transform_indices = #map}, {transform_indices = #map1}, {transform_indices = #map1}, {transform_indices = #map}, {transform_indices = #map}, {transform_indices = #map2}]} {
    %mul3A = arith.constant 2 : i32
    %mul3A_0 = arith.muli %arg1, %mul3A : i32
    %add3A = arith.addi %mul3A_0, %arg0 : i32
    "tpu.region"() ({
      %run_scoped3A = tpu.sem_alloc : memref<!tpu.dma_semaphore, #tpu.memory_space<semaphore_mem>>
      tpu.enqueue_dma source(%arg5 : memref<64x128xf32, #tpu.memory_space<hbm>>) target(%arg11 : memref<64x128xf32, #tpu.memory_space<vmem>>) target_semaphore(%run_scoped3A : memref<!tpu.dma_semaphore, #tpu.memory_space<semaphore_mem>>)
      tpu.wait_dma2 semaphore(%run_scoped3A : memref<!tpu.dma_semaphore, #tpu.memory_space<semaphore_mem>>) src(%arg5 : memref<64x128xf32, #tpu.memory_space<hbm>>) dst(%arg11 : memref<64x128xf32, #tpu.memory_space<vmem>>)
      tpu.yield
    }) : () -> ()
    %mul3A_1 = arith.constant 40 : i32
    %mul3A_2 = arith.muli %arg1, %mul3A_1 : i32
    %add3A_3 = arith.constant 0 : i32
    %add3A_4 = arith.addi %mul3A_2, %add3A_3 : i32
    "tpu.region"() ({
      %run_scoped3A = tpu.sem_alloc : memref<!tpu.dma_semaphore, #tpu.memory_space<semaphore_mem>>
      %dma_start3A = arith.constant 0 : i32
      %dma_start3A_49 = arith.constant 0 : i32
      %dma_start3A_50 = tpu.memref_slice %arg11[%dma_start3A, %dma_start3A_49] : memref<64x128xf32, #tpu.memory_space<vmem>> -> memref<40x128xf32, #tpu.memory_space<vmem>>
      %dma_start3A_51 = arith.constant 0 : i32
      %dma_start3A_52 = tpu.memref_slice %arg12[%add3A_4, %dma_start3A_51] : memref<640x128xf32, #tpu.memory_space<vmem_shared>> -> memref<40x128xf32, #tpu.memory_space<vmem_shared>>
      %dma_start3A_53 = arith.constant 0 : i32
      %dma_start3A_54 = tpu.memref_slice %arg12[%add3A_4, %dma_start3A_53] : memref<640x128xf32, #tpu.memory_space<vmem_shared>> -> memref<40x128xf32, #tpu.memory_space<vmem_shared>>
      %dma_start3A_55 = arith.constant 0 : i32
      %dma_start3A_56 = arith.constant 0 : i32
      %dma_start3A_57 = tpu.memref_slice %arg11[%dma_start3A_55, %dma_start3A_56] : memref<64x128xf32, #tpu.memory_space<vmem>> -> memref<40x128xf32, #tpu.memory_space<vmem>>
      tpu.enqueue_dma source(%dma_start3A_57 : memref<40x128xf32, #tpu.memory_space<vmem>>) target(%dma_start3A_54 : memref<40x128xf32, #tpu.memory_space<vmem_shared>>) target_semaphore(%run_scoped3A : memref<!tpu.dma_semaphore, #tpu.memory_space<semaphore_mem>>)
      %dma_wait3A = arith.constant 0 : i32
      %dma_wait3A_58 = arith.constant 0 : i32
      %dma_wait3A_59 = tpu.memref_slice %arg11[%dma_wait3A, %dma_wait3A_58] : memref<64x128xf32, #tpu.memory_space<vmem>> -> memref<40x128xf32, #tpu.memory_space<vmem>>
      %dma_wait3A_60 = arith.constant 0 : i32
      %dma_wait3A_61 = tpu.memref_slice %arg12[%add3A_4, %dma_wait3A_60] : memref<640x128xf32, #tpu.memory_space<vmem_shared>> -> memref<40x128xf32, #tpu.memory_space<vmem_shared>>
      %dma_wait3A_62 = arith.constant 0 : i32
      %dma_wait3A_63 = tpu.memref_slice %arg12[%add3A_4, %dma_wait3A_62] : memref<640x128xf32, #tpu.memory_space<vmem_shared>> -> memref<40x128xf32, #tpu.memory_space<vmem_shared>>
      %dma_wait3A_64 = arith.constant 0 : i32
      %dma_wait3A_65 = arith.constant 0 : i32
      %dma_wait3A_66 = tpu.memref_slice %arg11[%dma_wait3A_64, %dma_wait3A_65] : memref<64x128xf32, #tpu.memory_space<vmem>> -> memref<40x128xf32, #tpu.memory_space<vmem>>
      tpu.wait_dma2 semaphore(%run_scoped3A : memref<!tpu.dma_semaphore, #tpu.memory_space<semaphore_mem>>) src(%dma_wait3A_66 : memref<40x128xf32, #tpu.memory_space<vmem>>) dst(%dma_wait3A_63 : memref<40x128xf32, #tpu.memory_space<vmem_shared>>)
      tpu.yield
    }) : () -> ()
    %barrier3A = arith.constant 0 : index
    tpu.barrier barrier_id(%barrier3A)
    %mul3A_5 = arith.constant 80 : i32
    %mul3A_6 = arith.muli %add3A, %mul3A_5 : i32
    %mul3A_7 = arith.constant 128 : i32
    %mul3A_8 = arith.muli %mul3A_6, %mul3A_7 : i32
    "tpu.region"() ({
      %run_scoped3A = tpu.sem_alloc : memref<!tpu.dma_semaphore, #tpu.memory_space<semaphore_mem>>
      %dma_start3A = arith.constant 0 : i32
      %dma_start3A_49 = tpu.memref_slice %arg6[%add3A, %dma_start3A] : memref<32x128xi32, #tpu.memory_space<hbm>> -> memref<1x128xi32, #tpu.memory_space<hbm>>
      %dma_start3A_50 = tpu.memref_squeeze %dma_start3A_49 : memref<1x128xi32, #tpu.memory_space<hbm>> -> memref<128xi32, #tpu.memory_space<hbm>>
      %dma_start3A_51 = arith.constant 0 : i32
      %dma_start3A_52 = tpu.memref_slice %arg6[%add3A, %dma_start3A_51] : memref<32x128xi32, #tpu.memory_space<hbm>> -> memref<1x128xi32, #tpu.memory_space<hbm>>
      %dma_start3A_53 = tpu.memref_squeeze %dma_start3A_52 : memref<1x128xi32, #tpu.memory_space<hbm>> -> memref<128xi32, #tpu.memory_space<hbm>>
      tpu.enqueue_dma source(%dma_start3A_53 : memref<128xi32, #tpu.memory_space<hbm>>) target(%arg14 : memref<128xi32, #tpu.memory_space<vmem>>) target_semaphore(%run_scoped3A : memref<!tpu.dma_semaphore, #tpu.memory_space<semaphore_mem>>)
      %dma_wait3A = arith.constant 0 : i32
      %dma_wait3A_54 = tpu.memref_slice %arg6[%add3A, %dma_wait3A] : memref<32x128xi32, #tpu.memory_space<hbm>> -> memref<1x128xi32, #tpu.memory_space<hbm>>
      %dma_wait3A_55 = tpu.memref_squeeze %dma_wait3A_54 : memref<1x128xi32, #tpu.memory_space<hbm>> -> memref<128xi32, #tpu.memory_space<hbm>>
      %dma_wait3A_56 = arith.constant 0 : i32
      %dma_wait3A_57 = tpu.memref_slice %arg6[%add3A, %dma_wait3A_56] : memref<32x128xi32, #tpu.memory_space<hbm>> -> memref<1x128xi32, #tpu.memory_space<hbm>>
      %dma_wait3A_58 = tpu.memref_squeeze %dma_wait3A_57 : memref<1x128xi32, #tpu.memory_space<hbm>> -> memref<128xi32, #tpu.memory_space<hbm>>
      tpu.wait_dma2 semaphore(%run_scoped3A : memref<!tpu.dma_semaphore, #tpu.memory_space<semaphore_mem>>) src(%dma_wait3A_58 : memref<128xi32, #tpu.memory_space<hbm>>) dst(%arg14 : memref<128xi32, #tpu.memory_space<vmem>>)
      tpu.yield
    }) : () -> ()
    %get3A = arith.constant 0 : index
    %get3A_9 = tpu.vector_load %arg14[%get3A] {strides = array<i32>} : memref<128xi32, #tpu.memory_space<vmem>>, vector<16xi32>,
    %reduce_max3A = arith.constant true
    %reduce_max3A_10 = vector.broadcast %reduce_max3A : i1 to vector<16xi1>
    %reduce_max3A_11 = arith.constant -2147483648 : i32
    %reduce_max3A_12 = vector.broadcast %reduce_max3A_11 : i32 to vector<16xi32>
    %reduce_max3A_13 = arith.xori %get3A_9, %reduce_max3A_12 : vector<16xi32>
    %reduce_max3A_14 = tpu.scan <max>, %reduce_max3A_13 masked %reduce_max3A_10 : vector<16xi32>, vector<16xi1> -> vector<16xi32>
    %reduce_max3A_15 = arith.xori %reduce_max3A_14, %reduce_max3A_12 : vector<16xi32>
    %reduce_max3A_16 = vector.extract %reduce_max3A_15[15] : i32 from vector<16xi32>
    %add3A_17 = arith.constant 127 : i32
    %add3A_18 = arith.addi %reduce_max3A_16, %add3A_17 : i32
    %jit3A = arith.constant 128 : i32
    %div3A = arith.divsi %add3A_18, %jit3A : i32
    %sign3A = arith.constant 0 : i32
    %sign3A_19 = arith.cmpi sgt, %add3A_18, %sign3A : i32
    %sign3A_20 = arith.extui %sign3A_19 : i1 to i32
    %sign3A_21 = arith.constant 0 : i32
    %sign3A_22 = arith.cmpi slt, %add3A_18, %sign3A_21 : i32
    %sign3A_23 = arith.extui %sign3A_22 : i1 to i32
    %sign3A_24 = arith.subi %sign3A_20, %sign3A_23 : i32
    %sign3A_25 = arith.constant 0 : i32
    %sign3A_26 = arith.cmpi sgt, %jit3A, %sign3A_25 : i32
    %sign3A_27 = arith.extui %sign3A_26 : i1 to i32
    %sign3A_28 = arith.constant 0 : i32
    %sign3A_29 = arith.cmpi slt, %jit3A, %sign3A_28 : i32
    %sign3A_30 = arith.extui %sign3A_29 : i1 to i32
    %sign3A_31 = arith.subi %sign3A_27, %sign3A_30 : i32
    %ne3A = arith.cmpi ne, %sign3A_24, %sign3A_31 : i32
    %rem3A = arith.remsi %add3A_18, %jit3A : i32
    %ne3A_32 = arith.constant 0 : i32
    %ne3A_33 = arith.cmpi ne, %rem3A, %ne3A_32 : i32
    %and3A = arith.andi %ne3A, %ne3A_33 : i1
    %sub3A = arith.constant 1 : i32
    %sub3A_34 = arith.subi %div3A, %sub3A : i32
    %select_n3A = arith.select %and3A, %sub3A_34, %div3A : i32
    %while3A = arith.constant 0 : i32
    %while3A_35 = arith.constant 0 : i32
    %while3A_36 = arith.subi %select_n3A, %while3A_35 : i32
    %while3A_37 = arith.addi %while3A_35, %while3A_36 : i32
    %while3A_38 = arith.constant 1 : i32
    %while3A_39 = arith.divsi %while3A_36, %while3A_38 : i32
    %while3A_40 = arith.muli %while3A_39, %while3A_38 : i32
    %while3A_41 = arith.addi %while3A_35, %while3A_40 : i32
    %while3A_42 = arith.constant 1 : i32
    scf.for %while3A_49 = %while3A_35 to %while3A_41 step %while3A_42  : i32 {
      %mul3A_50 = arith.constant 128 : i32
      %mul3A_51 = arith.muli %while3A_49, %mul3A_50 : i32
      %add3A_52 = arith.addi %mul3A_8, %mul3A_51 : i32
      "tpu.region"() ({
        %run_scoped3A = tpu.sem_alloc : memref<!tpu.dma_semaphore, #tpu.memory_space<semaphore_mem>>
        %dma_start3A_57 = tpu.memref_slice %arg3[%add3A_52] : memref<327680xi32, #tpu.memory_space<hbm>> -> memref<128xi32, #tpu.memory_space<hbm>>
        %dma_start3A_58 = tpu.memref_slice %arg3[%add3A_52] : memref<327680xi32, #tpu.memory_space<hbm>> -> memref<128xi32, #tpu.memory_space<hbm>>
        tpu.enqueue_dma source(%dma_start3A_58 : memref<128xi32, #tpu.memory_space<hbm>>) target(%arg8 : memref<128xi32, #tpu.memory_space<vmem>>) target_semaphore(%run_scoped3A : memref<!tpu.dma_semaphore, #tpu.memory_space<semaphore_mem>>)
        %dma_wait3A_59 = tpu.memref_slice %arg3[%add3A_52] : memref<327680xi32, #tpu.memory_space<hbm>> -> memref<128xi32, #tpu.memory_space<hbm>>
        %dma_wait3A_60 = tpu.memref_slice %arg3[%add3A_52] : memref<327680xi32, #tpu.memory_space<hbm>> -> memref<128xi32, #tpu.memory_space<hbm>>
        tpu.wait_dma2 semaphore(%run_scoped3A : memref<!tpu.dma_semaphore, #tpu.memory_space<semaphore_mem>>) src(%dma_wait3A_60 : memref<128xi32, #tpu.memory_space<hbm>>) dst(%arg8 : memref<128xi32, #tpu.memory_space<vmem>>)
        tpu.yield
      }) : () -> ()
      "tpu.region"() ({
        %run_scoped3A = tpu.sem_alloc : memref<!tpu.dma_semaphore, #tpu.memory_space<semaphore_mem>>
        %dma_start3A_57 = tpu.memref_slice %arg4[%add3A_52] : memref<327680xi32, #tpu.memory_space<hbm>> -> memref<128xi32, #tpu.memory_space<hbm>>
        %dma_start3A_58 = tpu.memref_slice %arg4[%add3A_52] : memref<327680xi32, #tpu.memory_space<hbm>> -> memref<128xi32, #tpu.memory_space<hbm>>
        tpu.enqueue_dma source(%dma_start3A_58 : memref<128xi32, #tpu.memory_space<hbm>>) target(%arg9 : memref<128xi32, #tpu.memory_space<vmem>>) target_semaphore(%run_scoped3A : memref<!tpu.dma_semaphore, #tpu.memory_space<semaphore_mem>>)
        %dma_wait3A_59 = tpu.memref_slice %arg4[%add3A_52] : memref<327680xi32, #tpu.memory_space<hbm>> -> memref<128xi32, #tpu.memory_space<hbm>>
        %dma_wait3A_60 = tpu.memref_slice %arg4[%add3A_52] : memref<327680xi32, #tpu.memory_space<hbm>> -> memref<128xi32, #tpu.memory_space<hbm>>
        tpu.wait_dma2 semaphore(%run_scoped3A : memref<!tpu.dma_semaphore, #tpu.memory_space<semaphore_mem>>) src(%dma_wait3A_60 : memref<128xi32, #tpu.memory_space<hbm>>) dst(%arg9 : memref<128xi32, #tpu.memory_space<vmem>>)
        tpu.yield
      }) : () -> ()
      %dma_start3A = arith.constant 0 : i32
      %dma_start3A_53 = arith.constant 0 : i32
      %dma_start3A_54 = tpu.memref_slice %arg2[%dma_start3A, %dma_start3A_53] : memref<40960x128xf32, #tpu.memory_space<hbm>> -> memref<40960x128xf32, #tpu.memory_space<hbm>>
      tpu.enqueue_indirect_dma source(%dma_start3A_54 : memref<40960x128xf32, #tpu.memory_space<hbm>>) target(%arg10 : memref<128x128xf32, #tpu.memory_space<vmem>>) offsets(%arg8 : memref<128xi32, #tpu.memory_space<vmem>>) semaphore(%arg13 : memref<!tpu.dma_semaphore, #tpu.memory_space<semaphore_mem>>)
      %dma_wait3A = arith.constant 0 : i32
      %dma_wait3A_55 = arith.constant 0 : i32
      %dma_wait3A_56 = tpu.memref_slice %arg2[%dma_wait3A, %dma_wait3A_55] : memref<40960x128xf32, #tpu.memory_space<hbm>> -> memref<40960x128xf32, #tpu.memory_space<hbm>>
      tpu.wait_indirect_dma semaphore(%arg13 : memref<!tpu.dma_semaphore, #tpu.memory_space<semaphore_mem>>) src(%dma_wait3A_56 : memref<40960x128xf32, #tpu.memory_space<hbm>>) dst(%arg10 : memref<128x128xf32, #tpu.memory_space<vmem>>)
      "tpu.region"() ({
        %run_scoped3A = tpu.sem_alloc : memref<!tpu.dma_semaphore, #tpu.memory_space<semaphore_mem>>
        %dma_start3A_57 = arith.constant 0 : i32
        %dma_start3A_58 = arith.constant 0 : i32
        %dma_start3A_59 = tpu.memref_slice %arg12[%dma_start3A_57, %dma_start3A_58] : memref<640x128xf32, #tpu.memory_space<vmem_shared>> -> memref<640x128xf32, #tpu.memory_space<vmem_shared>>
        tpu.enqueue_indirect_dma source(%arg10 : memref<128x128xf32, #tpu.memory_space<vmem>>) target(%dma_start3A_59 : memref<640x128xf32, #tpu.memory_space<vmem_shared>>) offsets(%arg9 : memref<128xi32, #tpu.memory_space<vmem>>) semaphore(%run_scoped3A : memref<!tpu.dma_semaphore, #tpu.memory_space<semaphore_mem>>) {add = true}
        %dma_wait3A_60 = arith.constant 0 : i32
        %dma_wait3A_61 = arith.constant 0 : i32
        %dma_wait3A_62 = tpu.memref_slice %arg12[%dma_wait3A_60, %dma_wait3A_61] : memref<640x128xf32, #tpu.memory_space<vmem_shared>> -> memref<640x128xf32, #tpu.memory_space<vmem_shared>>
        tpu.wait_indirect_dma semaphore(%run_scoped3A : memref<!tpu.dma_semaphore, #tpu.memory_space<semaphore_mem>>) src(%arg10 : memref<128x128xf32, #tpu.memory_space<vmem>>) dst(%dma_wait3A_62 : memref<640x128xf32, #tpu.memory_space<vmem_shared>>)
        tpu.yield
      }) : () -> ()
    }
    %while3A_43 = arith.constant 1 : i32
    scf.for %while3A_49 = %while3A_41 to %while3A_37 step %while3A_43  : i32 {
      %mul3A_50 = arith.constant 128 : i32
      %mul3A_51 = arith.muli %while3A_49, %mul3A_50 : i32
      %add3A_52 = arith.addi %mul3A_8, %mul3A_51 : i32
      "tpu.region"() ({
        %run_scoped3A = tpu.sem_alloc : memref<!tpu.dma_semaphore, #tpu.memory_space<semaphore_mem>>
        %dma_start3A_57 = tpu.memref_slice %arg3[%add3A_52] : memref<327680xi32, #tpu.memory_space<hbm>> -> memref<128xi32, #tpu.memory_space<hbm>>
        %dma_start3A_58 = tpu.memref_slice %arg3[%add3A_52] : memref<327680xi32, #tpu.memory_space<hbm>> -> memref<128xi32, #tpu.memory_space<hbm>>
        tpu.enqueue_dma source(%dma_start3A_58 : memref<128xi32, #tpu.memory_space<hbm>>) target(%arg8 : memref<128xi32, #tpu.memory_space<vmem>>) target_semaphore(%run_scoped3A : memref<!tpu.dma_semaphore, #tpu.memory_space<semaphore_mem>>)
        %dma_wait3A_59 = tpu.memref_slice %arg3[%add3A_52] : memref<327680xi32, #tpu.memory_space<hbm>> -> memref<128xi32, #tpu.memory_space<hbm>>
        %dma_wait3A_60 = tpu.memref_slice %arg3[%add3A_52] : memref<327680xi32, #tpu.memory_space<hbm>> -> memref<128xi32, #tpu.memory_space<hbm>>
        tpu.wait_dma2 semaphore(%run_scoped3A : memref<!tpu.dma_semaphore, #tpu.memory_space<semaphore_mem>>) src(%dma_wait3A_60 : memref<128xi32, #tpu.memory_space<hbm>>) dst(%arg8 : memref<128xi32, #tpu.memory_space<vmem>>)
        tpu.yield
      }) : () -> ()
      "tpu.region"() ({
        %run_scoped3A = tpu.sem_alloc : memref<!tpu.dma_semaphore, #tpu.memory_space<semaphore_mem>>
        %dma_start3A_57 = tpu.memref_slice %arg4[%add3A_52] : memref<327680xi32, #tpu.memory_space<hbm>> -> memref<128xi32, #tpu.memory_space<hbm>>
        %dma_start3A_58 = tpu.memref_slice %arg4[%add3A_52] : memref<327680xi32, #tpu.memory_space<hbm>> -> memref<128xi32, #tpu.memory_space<hbm>>
        tpu.enqueue_dma source(%dma_start3A_58 : memref<128xi32, #tpu.memory_space<hbm>>) target(%arg9 : memref<128xi32, #tpu.memory_space<vmem>>) target_semaphore(%run_scoped3A : memref<!tpu.dma_semaphore, #tpu.memory_space<semaphore_mem>>)
        %dma_wait3A_59 = tpu.memref_slice %arg4[%add3A_52] : memref<327680xi32, #tpu.memory_space<hbm>> -> memref<128xi32, #tpu.memory_space<hbm>>
        %dma_wait3A_60 = tpu.memref_slice %arg4[%add3A_52] : memref<327680xi32, #tpu.memory_space<hbm>> -> memref<128xi32, #tpu.memory_space<hbm>>
        tpu.wait_dma2 semaphore(%run_scoped3A : memref<!tpu.dma_semaphore, #tpu.memory_space<semaphore_mem>>) src(%dma_wait3A_60 : memref<128xi32, #tpu.memory_space<hbm>>) dst(%arg9 : memref<128xi32, #tpu.memory_space<vmem>>)
        tpu.yield
      }) : () -> ()
      %dma_start3A = arith.constant 0 : i32
      %dma_start3A_53 = arith.constant 0 : i32
      %dma_start3A_54 = tpu.memref_slice %arg2[%dma_start3A, %dma_start3A_53] : memref<40960x128xf32, #tpu.memory_space<hbm>> -> memref<40960x128xf32, #tpu.memory_space<hbm>>
      tpu.enqueue_indirect_dma source(%dma_start3A_54 : memref<40960x128xf32, #tpu.memory_space<hbm>>) target(%arg10 : memref<128x128xf32, #tpu.memory_space<vmem>>) offsets(%arg8 : memref<128xi32, #tpu.memory_space<vmem>>) semaphore(%arg13 : memref<!tpu.dma_semaphore, #tpu.memory_space<semaphore_mem>>)
      %dma_wait3A = arith.constant 0 : i32
      %dma_wait3A_55 = arith.constant 0 : i32
      %dma_wait3A_56 = tpu.memref_slice %arg2[%dma_wait3A, %dma_wait3A_55] : memref<40960x128xf32, #tpu.memory_space<hbm>> -> memref<40960x128xf32, #tpu.memory_space<hbm>>
      tpu.wait_indirect_dma semaphore(%arg13 : memref<!tpu.dma_semaphore, #tpu.memory_space<semaphore_mem>>) src(%dma_wait3A_56 : memref<40960x128xf32, #tpu.memory_space<hbm>>) dst(%arg10 : memref<128x128xf32, #tpu.memory_space<vmem>>)
      "tpu.region"() ({
        %run_scoped3A = tpu.sem_alloc : memref<!tpu.dma_semaphore, #tpu.memory_space<semaphore_mem>>
        %dma_start3A_57 = arith.constant 0 : i32
        %dma_start3A_58 = arith.constant 0 : i32
        %dma_start3A_59 = tpu.memref_slice %arg12[%dma_start3A_57, %dma_start3A_58] : memref<640x128xf32, #tpu.memory_space<vmem_shared>> -> memref<640x128xf32, #tpu.memory_space<vmem_shared>>
        tpu.enqueue_indirect_dma source(%arg10 : memref<128x128xf32, #tpu.memory_space<vmem>>) target(%dma_start3A_59 : memref<640x128xf32, #tpu.memory_space<vmem_shared>>) offsets(%arg9 : memref<128xi32, #tpu.memory_space<vmem>>) semaphore(%run_scoped3A : memref<!tpu.dma_semaphore, #tpu.memory_space<semaphore_mem>>) {add = true}
        %dma_wait3A_60 = arith.constant 0 : i32
        %dma_wait3A_61 = arith.constant 0 : i32
        %dma_wait3A_62 = tpu.memref_slice %arg12[%dma_wait3A_60, %dma_wait3A_61] : memref<640x128xf32, #tpu.memory_space<vmem_shared>> -> memref<640x128xf32, #tpu.memory_space<vmem_shared>>
        tpu.wait_indirect_dma semaphore(%run_scoped3A : memref<!tpu.dma_semaphore, #tpu.memory_space<semaphore_mem>>) src(%arg10 : memref<128x128xf32, #tpu.memory_space<vmem>>) dst(%dma_wait3A_62 : memref<640x128xf32, #tpu.memory_space<vmem_shared>>)
        tpu.yield
      }) : () -> ()
    }
    %barrier3A_44 = arith.constant 0 : index
    tpu.barrier barrier_id(%barrier3A_44)
    %mul3A_45 = arith.constant 40 : i32
    %mul3A_46 = arith.muli %arg1, %mul3A_45 : i32
    %mul3A_47 = arith.constant 40 : i32
    %mul3A_48 = arith.muli %arg1, %mul3A_47 : i32
    "tpu.region"() ({
      %run_scoped3A = tpu.sem_alloc : memref<!tpu.dma_semaphore, #tpu.memory_space<semaphore_mem>>
      %dma_start3A = arith.constant 0 : i32
      %dma_start3A_49 = tpu.memref_slice %arg7[%arg0, %mul3A_48, %dma_start3A] : memref<2x640x128xf32, #tpu.memory_space<hbm>> -> memref<1x40x128xf32, #tpu.memory_space<hbm>>
      %dma_start3A_50 = tpu.memref_squeeze %dma_start3A_49 : memref<1x40x128xf32, #tpu.memory_space<hbm>> -> memref<40x128xf32, #tpu.memory_space<hbm>>
      %dma_start3A_51 = arith.constant 0 : i32
      %dma_start3A_52 = tpu.memref_slice %arg12[%mul3A_46, %dma_start3A_51] : memref<640x128xf32, #tpu.memory_space<vmem_shared>> -> memref<40x128xf32, #tpu.memory_space<vmem_shared>>
      tpu.enqueue_dma source(%dma_start3A_52 : memref<40x128xf32, #tpu.memory_space<vmem_shared>>) target(%dma_start3A_50 : memref<40x128xf32, #tpu.memory_space<hbm>>) target_semaphore(%run_scoped3A : memref<!tpu.dma_semaphore, #tpu.memory_space<semaphore_mem>>)
      %dma_wait3A = arith.constant 0 : i32
      %dma_wait3A_53 = tpu.memref_slice %arg7[%arg0, %mul3A_48, %dma_wait3A] : memref<2x640x128xf32, #tpu.memory_space<hbm>> -> memref<1x40x128xf32, #tpu.memory_space<hbm>>
      %dma_wait3A_54 = tpu.memref_squeeze %dma_wait3A_53 : memref<1x40x128xf32, #tpu.memory_space<hbm>> -> memref<40x128xf32, #tpu.memory_space<hbm>>
      %dma_wait3A_55 = arith.constant 0 : i32
      %dma_wait3A_56 = tpu.memref_slice %arg12[%mul3A_46, %dma_wait3A_55] : memref<640x128xf32, #tpu.memory_space<vmem_shared>> -> memref<40x128xf32, #tpu.memory_space<vmem_shared>>
      tpu.wait_dma2 semaphore(%run_scoped3A : memref<!tpu.dma_semaphore, #tpu.memory_space<semaphore_mem>>) src(%dma_wait3A_56 : memref<40x128xf32, #tpu.memory_space<vmem_shared>>) dst(%dma_wait3A_54 : memref<40x128xf32, #tpu.memory_space<hbm>>)
      tpu.yield
    }) : () -> ()
    return
  }
}

#map = affine_map<(d0, d1) -> (0)>
#map1 = affine_map<(d0, d1) -> (0, 0)>
module attributes {stable_mosaic.version = 14 : i64} {
  func.func @kern(%arg0: i32, %arg1: i32, %arg2: memref<327680xi32, #tpu.memory_space<hbm>>, %arg3: memref<327680xi32, #tpu.memory_space<hbm>>, %arg4: memref<512xi32, #tpu.memory_space<hbm>>, %arg5: memref<10240xi32, #tpu.memory_space<hbm>>, %arg6: memref<10240xi32, #tpu.memory_space<hbm>>, %arg7: memref<10240xi32, #tpu.memory_space<hbm>>, %arg8: memref<327680xi32, #tpu.memory_space<hbm>>, %arg9: memref<327680xi32, #tpu.memory_space<hbm>>, %arg10: memref<32x128xi32, #tpu.memory_space<hbm>>, %arg11: memref<512xi32, #tpu.memory_space<hbm>>, %arg12: memref<128xi32, #tpu.memory_space<vmem>>, %arg13: memref<128xi32, #tpu.memory_space<vmem>>, %arg14: memref<512xi32, #tpu.memory_space<vmem>>, %arg15: memref<512xi32, #tpu.memory_space<vmem>>, %arg16: memref<10240xi32, #tpu.memory_space<vmem>>, %arg17: memref<10240xi32, #tpu.memory_space<vmem>>, %arg18: memref<10240xi32, #tpu.memory_space<vmem>>, %arg19: memref<128xi32, #tpu.memory_space<vmem>>) attributes {dimension_semantics = [#tpu.dimension_semantics<core_parallel>, #tpu.dimension_semantics<subcore_parallel>], iteration_bounds = array<i64: 2, 16>, scalar_prefetch = 0 : i64, scratch_operands = 8 : i64, tpu.core_type = #tpu.core_type<sc_vector_subcore>, window_params = [{transform_indices = #map}, {transform_indices = #map}, {transform_indices = #map}, {transform_indices = #map}, {transform_indices = #map}, {transform_indices = #map}, {transform_indices = #map}, {transform_indices = #map}, {transform_indices = #map1}, {transform_indices = #map}]} {
    %mul3A = arith.constant 2 : i32
    %mul3A_0 = arith.muli %arg1, %mul3A : i32
    %add3A = arith.addi %mul3A_0, %arg0 : i32
    "tpu.region"() ({
      %run_scoped3A = tpu.sem_alloc : memref<!tpu.dma_semaphore, #tpu.memory_space<semaphore_mem>>
      tpu.enqueue_dma source(%arg5 : memref<10240xi32, #tpu.memory_space<hbm>>) target(%arg16 : memref<10240xi32, #tpu.memory_space<vmem>>) target_semaphore(%run_scoped3A : memref<!tpu.dma_semaphore, #tpu.memory_space<semaphore_mem>>)
      tpu.wait_dma2 semaphore(%run_scoped3A : memref<!tpu.dma_semaphore, #tpu.memory_space<semaphore_mem>>) src(%arg5 : memref<10240xi32, #tpu.memory_space<hbm>>) dst(%arg16 : memref<10240xi32, #tpu.memory_space<vmem>>)
      tpu.yield
    }) : () -> ()
    "tpu.region"() ({
      %run_scoped3A = tpu.sem_alloc : memref<!tpu.dma_semaphore, #tpu.memory_space<semaphore_mem>>
      tpu.enqueue_dma source(%arg4 : memref<512xi32, #tpu.memory_space<hbm>>) target(%arg14 : memref<512xi32, #tpu.memory_space<vmem>>) target_semaphore(%run_scoped3A : memref<!tpu.dma_semaphore, #tpu.memory_space<semaphore_mem>>)
      tpu.wait_dma2 semaphore(%run_scoped3A : memref<!tpu.dma_semaphore, #tpu.memory_space<semaphore_mem>>) src(%arg4 : memref<512xi32, #tpu.memory_space<hbm>>) dst(%arg14 : memref<512xi32, #tpu.memory_space<vmem>>)
      tpu.yield
    }) : () -> ()
    "tpu.region"() ({
      %run_scoped3A = tpu.sem_alloc : memref<!tpu.dma_semaphore, #tpu.memory_space<semaphore_mem>>
      tpu.enqueue_dma source(%arg6 : memref<10240xi32, #tpu.memory_space<hbm>>) target(%arg18 : memref<10240xi32, #tpu.memory_space<vmem>>) target_semaphore(%run_scoped3A : memref<!tpu.dma_semaphore, #tpu.memory_space<semaphore_mem>>)
      tpu.wait_dma2 semaphore(%run_scoped3A : memref<!tpu.dma_semaphore, #tpu.memory_space<semaphore_mem>>) src(%arg6 : memref<10240xi32, #tpu.memory_space<hbm>>) dst(%arg18 : memref<10240xi32, #tpu.memory_space<vmem>>)
      tpu.yield
    }) : () -> ()
    "tpu.region"() ({
      %run_scoped3A = tpu.sem_alloc : memref<!tpu.dma_semaphore, #tpu.memory_space<semaphore_mem>>
      tpu.enqueue_dma source(%arg7 : memref<10240xi32, #tpu.memory_space<hbm>>) target(%arg17 : memref<10240xi32, #tpu.memory_space<vmem>>) target_semaphore(%run_scoped3A : memref<!tpu.dma_semaphore, #tpu.memory_space<semaphore_mem>>)
      tpu.wait_dma2 semaphore(%run_scoped3A : memref<!tpu.dma_semaphore, #tpu.memory_space<semaphore_mem>>) src(%arg7 : memref<10240xi32, #tpu.memory_space<hbm>>) dst(%arg17 : memref<10240xi32, #tpu.memory_space<vmem>>)
      tpu.yield
    }) : () -> ()
    %scan3A = arith.constant 0 : i32
    %scan3A_1 = arith.constant 32 : i32
    %scan3A_2 = arith.addi %scan3A, %scan3A_1 : i32
    %scan3A_3 = arith.constant 1 : i32
    scf.for %scan3A_21 = %scan3A to %scan3A_2 step %scan3A_3  : i32 {
      %mul3A_22 = arith.constant 1 : i32
      %mul3A_23 = arith.muli %scan3A_21, %mul3A_22 : i32
      %add3A_24 = arith.constant 0 : i32
      %add3A_25 = arith.addi %add3A_24, %mul3A_23 : i32
      %iota3A = tpu.iota {dimensions = array<i32: 0>} : vector<16xi32>
      %mul3A_26 = arith.constant 16 : i32
      %mul3A_27 = arith.muli %add3A_25, %mul3A_26 : i32
      %add3A_28 = arith.constant 1 : i32
      %add3A_29 = arith.addi %mul3A_27, %add3A_28 : i32
      %add3A_30 = vector.broadcast %add3A_29 : i32 to vector<16xi32>
      %add3A_31 = arith.addi %iota3A, %add3A_30 : vector<16xi32>
      %mul3A_32 = arith.constant 16 : i32
      %mul3A_33 = arith.muli %add3A_25, %mul3A_32 : i32
      %get3A = arith.index_cast %mul3A_33 : i32 to index
      %get3A_34 = tpu.vector_load %arg14[%get3A] {strides = array<i32>} : memref<512xi32, #tpu.memory_space<vmem>>, vector<16xi32>,
      tpu.vector_store_idx %arg16[%get3A_34], %add3A_31 : memref<10240xi32, #tpu.memory_space<vmem>>[vector<16xi32>], vector<16xi32>,
    }
    %scan3A_4 = arith.constant 32 : i32
    %eq3A = arith.constant 0 : i32
    %eq3A_5 = arith.cmpi eq, %add3A, %eq3A : i32
    %convert_element_type3A = arith.extui %eq3A_5 : i1 to i32
    %cond3A = arith.constant 0 : i32
    %cond3A_6 = arith.cmpi ne, %convert_element_type3A, %cond3A : i32
    scf.if %cond3A_6 {
      %scan3A_21 = arith.constant 0 : i32
      %scan3A_22 = arith.constant 32 : i32
      %scan3A_23 = arith.addi %scan3A_21, %scan3A_22 : i32
      %scan3A_24 = arith.constant 1 : i32
      scf.for %scan3A_26 = %scan3A_21 to %scan3A_23 step %scan3A_24  : i32 {
        %mul3A_27 = arith.constant 1 : i32
        %mul3A_28 = arith.muli %scan3A_26, %mul3A_27 : i32
        %add3A_29 = arith.constant 0 : i32
        %add3A_30 = arith.addi %add3A_29, %mul3A_28 : i32
        %mul3A_31 = arith.constant 16 : i32
        %mul3A_32 = arith.muli %add3A_30, %mul3A_31 : i32
        %get3A = arith.index_cast %mul3A_32 : i32 to index
        %get3A_33 = tpu.vector_load %arg14[%get3A] {strides = array<i32>} : memref<512xi32, #tpu.memory_space<vmem>>, vector<16xi32>,
        %gather3A = tpu.vector_load_idx %arg16[%get3A_33] : memref<10240xi32, #tpu.memory_space<vmem>>[vector<16xi32>], vector<16xi32>,
        %sub3A = arith.constant 1 : i32
        %sub3A_34 = vector.broadcast %sub3A : i32 to vector<16xi32>
        %sub3A_35 = arith.subi %gather3A, %sub3A_34 : vector<16xi32>
        %mul3A_36 = arith.constant 16 : i32
        %mul3A_37 = arith.muli %add3A_30, %mul3A_36 : i32
        %swap3A = arith.index_cast %mul3A_37 : i32 to index
        %swap3A_38 = tpu.vector_load %arg15[%swap3A] {strides = array<i32>} : memref<512xi32, #tpu.memory_space<vmem>>, vector<16xi32>,
        tpu.vector_store %arg15[%swap3A], %sub3A_35 {strides = array<i32>} : memref<512xi32, #tpu.memory_space<vmem>>, vector<16xi32>,
      }
      %scan3A_25 = arith.constant 32 : i32
      "tpu.region"() ({
        %run_scoped3A = tpu.sem_alloc : memref<!tpu.dma_semaphore, #tpu.memory_space<semaphore_mem>>
        tpu.enqueue_dma source(%arg15 : memref<512xi32, #tpu.memory_space<vmem>>) target(%arg11 : memref<512xi32, #tpu.memory_space<hbm>>) target_semaphore(%run_scoped3A : memref<!tpu.dma_semaphore, #tpu.memory_space<semaphore_mem>>)
        tpu.wait_dma2 semaphore(%run_scoped3A : memref<!tpu.dma_semaphore, #tpu.memory_space<semaphore_mem>>) src(%arg15 : memref<512xi32, #tpu.memory_space<vmem>>) dst(%arg11 : memref<512xi32, #tpu.memory_space<hbm>>)
        tpu.yield
      }) : () -> ()
    } else {
    }
    %mul3A_7 = arith.constant 10240 : i32
    %mul3A_8 = arith.muli %add3A, %mul3A_7 : i32
    %scan3A_9 = arith.constant 0 : i32
    %scan3A_10 = arith.constant 0 : i32
    %scan3A_11 = arith.constant 80 : i32
    %scan3A_12 = arith.addi %scan3A_10, %scan3A_11 : i32
    %scan3A_13 = arith.constant 1 : i32
    %scan3A_14 = scf.for %scan3A_21 = %scan3A_10 to %scan3A_12 step %scan3A_13 iter_args(%scan3A_22 = %scan3A_9) -> (i32)  : i32 {
      %mul3A_23 = arith.constant 128 : i32
      %mul3A_24 = arith.muli %scan3A_21, %mul3A_23 : i32
      %add3A_25 = arith.addi %mul3A_8, %mul3A_24 : i32
      "tpu.region"() ({
        %run_scoped3A = tpu.sem_alloc : memref<!tpu.dma_semaphore, #tpu.memory_space<semaphore_mem>>
        %dma_start3A = tpu.memref_slice %arg2[%add3A_25] : memref<327680xi32, #tpu.memory_space<hbm>> -> memref<128xi32, #tpu.memory_space<hbm>>
        %dma_start3A_35 = tpu.memref_slice %arg2[%add3A_25] : memref<327680xi32, #tpu.memory_space<hbm>> -> memref<128xi32, #tpu.memory_space<hbm>>
        tpu.enqueue_dma source(%dma_start3A_35 : memref<128xi32, #tpu.memory_space<hbm>>) target(%arg12 : memref<128xi32, #tpu.memory_space<vmem>>) target_semaphore(%run_scoped3A : memref<!tpu.dma_semaphore, #tpu.memory_space<semaphore_mem>>)
        %dma_wait3A = tpu.memref_slice %arg2[%add3A_25] : memref<327680xi32, #tpu.memory_space<hbm>> -> memref<128xi32, #tpu.memory_space<hbm>>
        %dma_wait3A_36 = tpu.memref_slice %arg2[%add3A_25] : memref<327680xi32, #tpu.memory_space<hbm>> -> memref<128xi32, #tpu.memory_space<hbm>>
        tpu.wait_dma2 semaphore(%run_scoped3A : memref<!tpu.dma_semaphore, #tpu.memory_space<semaphore_mem>>) src(%dma_wait3A_36 : memref<128xi32, #tpu.memory_space<hbm>>) dst(%arg12 : memref<128xi32, #tpu.memory_space<vmem>>)
        tpu.yield
      }) : () -> ()
      %mul3A_26 = arith.constant 128 : i32
      %mul3A_27 = arith.muli %scan3A_21, %mul3A_26 : i32
      %add3A_28 = arith.addi %mul3A_8, %mul3A_27 : i32
      "tpu.region"() ({
        %run_scoped3A = tpu.sem_alloc : memref<!tpu.dma_semaphore, #tpu.memory_space<semaphore_mem>>
        %dma_start3A = tpu.memref_slice %arg3[%add3A_28] : memref<327680xi32, #tpu.memory_space<hbm>> -> memref<128xi32, #tpu.memory_space<hbm>>
        %dma_start3A_35 = tpu.memref_slice %arg3[%add3A_28] : memref<327680xi32, #tpu.memory_space<hbm>> -> memref<128xi32, #tpu.memory_space<hbm>>
        tpu.enqueue_dma source(%dma_start3A_35 : memref<128xi32, #tpu.memory_space<hbm>>) target(%arg13 : memref<128xi32, #tpu.memory_space<vmem>>) target_semaphore(%run_scoped3A : memref<!tpu.dma_semaphore, #tpu.memory_space<semaphore_mem>>)
        %dma_wait3A = tpu.memref_slice %arg3[%add3A_28] : memref<327680xi32, #tpu.memory_space<hbm>> -> memref<128xi32, #tpu.memory_space<hbm>>
        %dma_wait3A_36 = tpu.memref_slice %arg3[%add3A_28] : memref<327680xi32, #tpu.memory_space<hbm>> -> memref<128xi32, #tpu.memory_space<hbm>>
        tpu.wait_dma2 semaphore(%run_scoped3A : memref<!tpu.dma_semaphore, #tpu.memory_space<semaphore_mem>>) src(%dma_wait3A_36 : memref<128xi32, #tpu.memory_space<hbm>>) dst(%arg13 : memref<128xi32, #tpu.memory_space<vmem>>)
        tpu.yield
      }) : () -> ()
      %scan3A_29 = arith.constant 0 : i32
      %scan3A_30 = arith.constant 8 : i32
      %scan3A_31 = arith.addi %scan3A_29, %scan3A_30 : i32
      %scan3A_32 = arith.constant 1 : i32
      %scan3A_33 = scf.for %scan3A_35 = %scan3A_29 to %scan3A_31 step %scan3A_32 iter_args(%scan3A_36 = %scan3A_22) -> (i32)  : i32 {
        %mul3A_37 = arith.constant 16 : i32
        %mul3A_38 = arith.muli %scan3A_35, %mul3A_37 : i32
        %get3A = arith.index_cast %mul3A_38 : i32 to index
        %get3A_39 = tpu.vector_load %arg13[%get3A] {strides = array<i32>} : memref<128xi32, #tpu.memory_space<vmem>>, vector<16xi32>,
        %mul3A_40 = arith.constant 16 : i32
        %mul3A_41 = arith.muli %scan3A_35, %mul3A_40 : i32
        %get3A_42 = arith.index_cast %mul3A_41 : i32 to index
        %get3A_43 = tpu.vector_load %arg12[%get3A_42] {strides = array<i32>} : memref<128xi32, #tpu.memory_space<vmem>>, vector<16xi32>,
        %gather3A = tpu.vector_load_idx %arg16[%get3A_39] : memref<10240xi32, #tpu.memory_space<vmem>>[vector<16xi32>], vector<16xi32>,
        %gt3A = arith.constant 0 : i32
        %gt3A_44 = vector.broadcast %gt3A : i32 to vector<16xi32>
        %gt3A_45 = arith.cmpi sgt, %gather3A, %gt3A_44 : vector<16xi32>
        %sub3A = arith.constant 1 : i32
        %sub3A_46 = vector.broadcast %sub3A : i32 to vector<16xi32>
        %sub3A_47 = arith.subi %gather3A, %sub3A_46 : vector<16xi32>
        %swap3A = arith.index_cast %scan3A_36 : i32 to index
        %swap3A_48 = tpu.vector_load %arg18[%swap3A] masked %gt3A_45 {strides = array<i32>} : memref<10240xi32, #tpu.memory_space<vmem>>, vector<16xi32>, vector<16xi1>
        tpu.vector_store %arg18[%swap3A], %sub3A_47 masked %gt3A_45 {strides = array<i32>} : memref<10240xi32, #tpu.memory_space<vmem>>, vector<16xi32>, vector<16xi1>
        %swap3A_49 = arith.index_cast %scan3A_36 : i32 to index
        %swap3A_50 = tpu.vector_load %arg17[%swap3A_49] masked %gt3A_45 {strides = array<i32>} : memref<10240xi32, #tpu.memory_space<vmem>>, vector<16xi32>, vector<16xi1>
        tpu.vector_store %arg17[%swap3A_49], %get3A_43 masked %gt3A_45 {strides = array<i32>} : memref<10240xi32, #tpu.memory_space<vmem>>, vector<16xi32>, vector<16xi1>
        %all_reduce_population_count3A = tpu.all_reduce %gt3A_45 {dim = 0 : i64, kind = #tpu.reduction_kind<sum>} : vector<16xi1> -> vector<16xi32>
        %reduce_max3A = arith.constant true
        %reduce_max3A_51 = vector.broadcast %reduce_max3A : i1 to vector<16xi1>
        %reduce_max3A_52 = arith.constant -2147483648 : i32
        %reduce_max3A_53 = vector.broadcast %reduce_max3A_52 : i32 to vector<16xi32>
        %reduce_max3A_54 = arith.xori %all_reduce_population_count3A, %reduce_max3A_53 : vector<16xi32>
        %reduce_max3A_55 = tpu.scan <max>, %reduce_max3A_54 masked %reduce_max3A_51 : vector<16xi32>, vector<16xi1> -> vector<16xi32>
        %reduce_max3A_56 = arith.xori %reduce_max3A_55, %reduce_max3A_53 : vector<16xi32>
        %reduce_max3A_57 = vector.extract %reduce_max3A_56[15] : i32 from vector<16xi32>
        %add3A_58 = arith.addi %scan3A_36, %reduce_max3A_57 : i32
        scf.yield %add3A_58 : i32
      }
      %scan3A_34 = arith.constant 8 : i32
      scf.yield %scan3A_33 : i32
    }
    %scan3A_15 = arith.constant 80 : i32
    "tpu.region"() ({
      %run_scoped3A = tpu.sem_alloc : memref<!tpu.dma_semaphore, #tpu.memory_space<semaphore_mem>>
      %dma_start3A = tpu.memref_slice %arg9[%mul3A_8] : memref<327680xi32, #tpu.memory_space<hbm>> -> memref<10240xi32, #tpu.memory_space<hbm>>
      %dma_start3A_21 = tpu.memref_slice %arg9[%mul3A_8] : memref<327680xi32, #tpu.memory_space<hbm>> -> memref<10240xi32, #tpu.memory_space<hbm>>
      tpu.enqueue_dma source(%arg18 : memref<10240xi32, #tpu.memory_space<vmem>>) target(%dma_start3A_21 : memref<10240xi32, #tpu.memory_space<hbm>>) target_semaphore(%run_scoped3A : memref<!tpu.dma_semaphore, #tpu.memory_space<semaphore_mem>>)
      %dma_wait3A = tpu.memref_slice %arg9[%mul3A_8] : memref<327680xi32, #tpu.memory_space<hbm>> -> memref<10240xi32, #tpu.memory_space<hbm>>
      %dma_wait3A_22 = tpu.memref_slice %arg9[%mul3A_8] : memref<327680xi32, #tpu.memory_space<hbm>> -> memref<10240xi32, #tpu.memory_space<hbm>>
      tpu.wait_dma2 semaphore(%run_scoped3A : memref<!tpu.dma_semaphore, #tpu.memory_space<semaphore_mem>>) src(%arg18 : memref<10240xi32, #tpu.memory_space<vmem>>) dst(%dma_wait3A_22 : memref<10240xi32, #tpu.memory_space<hbm>>)
      tpu.yield
    }) : () -> ()
    "tpu.region"() ({
      %run_scoped3A = tpu.sem_alloc : memref<!tpu.dma_semaphore, #tpu.memory_space<semaphore_mem>>
      %dma_start3A = tpu.memref_slice %arg8[%mul3A_8] : memref<327680xi32, #tpu.memory_space<hbm>> -> memref<10240xi32, #tpu.memory_space<hbm>>
      %dma_start3A_21 = tpu.memref_slice %arg8[%mul3A_8] : memref<327680xi32, #tpu.memory_space<hbm>> -> memref<10240xi32, #tpu.memory_space<hbm>>
      tpu.enqueue_dma source(%arg17 : memref<10240xi32, #tpu.memory_space<vmem>>) target(%dma_start3A_21 : memref<10240xi32, #tpu.memory_space<hbm>>) target_semaphore(%run_scoped3A : memref<!tpu.dma_semaphore, #tpu.memory_space<semaphore_mem>>)
      %dma_wait3A = tpu.memref_slice %arg8[%mul3A_8] : memref<327680xi32, #tpu.memory_space<hbm>> -> memref<10240xi32, #tpu.memory_space<hbm>>
      %dma_wait3A_22 = tpu.memref_slice %arg8[%mul3A_8] : memref<327680xi32, #tpu.memory_space<hbm>> -> memref<10240xi32, #tpu.memory_space<hbm>>
      tpu.wait_dma2 semaphore(%run_scoped3A : memref<!tpu.dma_semaphore, #tpu.memory_space<semaphore_mem>>) src(%arg17 : memref<10240xi32, #tpu.memory_space<vmem>>) dst(%dma_wait3A_22 : memref<10240xi32, #tpu.memory_space<hbm>>)
      tpu.yield
    }) : () -> ()
    %broadcast_in_dim3A = vector.broadcast %scan3A_14 : i32 to vector<16xi32>
    %scan3A_16 = arith.constant 0 : i32
    %scan3A_17 = arith.constant 8 : i32
    %scan3A_18 = arith.addi %scan3A_16, %scan3A_17 : i32
    %scan3A_19 = arith.constant 1 : i32
    scf.for %scan3A_21 = %scan3A_16 to %scan3A_18 step %scan3A_19  : i32 {
      %mul3A_22 = arith.constant 1 : i32
      %mul3A_23 = arith.muli %scan3A_21, %mul3A_22 : i32
      %add3A_24 = arith.constant 0 : i32
      %add3A_25 = arith.addi %add3A_24, %mul3A_23 : i32
      %mul3A_26 = arith.constant 16 : i32
      %mul3A_27 = arith.muli %add3A_25, %mul3A_26 : i32
      %swap3A = arith.index_cast %mul3A_27 : i32 to index
      %swap3A_28 = tpu.vector_load %arg19[%swap3A] {strides = array<i32>} : memref<128xi32, #tpu.memory_space<vmem>>, vector<16xi32>,
      tpu.vector_store %arg19[%swap3A], %broadcast_in_dim3A {strides = array<i32>} : memref<128xi32, #tpu.memory_space<vmem>>, vector<16xi32>,
    }
    %scan3A_20 = arith.constant 8 : i32
    "tpu.region"() ({
      %run_scoped3A = tpu.sem_alloc : memref<!tpu.dma_semaphore, #tpu.memory_space<semaphore_mem>>
      %dma_start3A = arith.constant 0 : i32
      %dma_start3A_21 = tpu.memref_slice %arg10[%add3A, %dma_start3A] : memref<32x128xi32, #tpu.memory_space<hbm>> -> memref<1x128xi32, #tpu.memory_space<hbm>>
      %dma_start3A_22 = tpu.memref_squeeze %dma_start3A_21 : memref<1x128xi32, #tpu.memory_space<hbm>> -> memref<128xi32, #tpu.memory_space<hbm>>
      %dma_start3A_23 = arith.constant 0 : i32
      %dma_start3A_24 = tpu.memref_slice %arg10[%add3A, %dma_start3A_23] : memref<32x128xi32, #tpu.memory_space<hbm>> -> memref<1x128xi32, #tpu.memory_space<hbm>>
      %dma_start3A_25 = tpu.memref_squeeze %dma_start3A_24 : memref<1x128xi32, #tpu.memory_space<hbm>> -> memref<128xi32, #tpu.memory_space<hbm>>
      tpu.enqueue_dma source(%arg19 : memref<128xi32, #tpu.memory_space<vmem>>) target(%dma_start3A_25 : memref<128xi32, #tpu.memory_space<hbm>>) target_semaphore(%run_scoped3A : memref<!tpu.dma_semaphore, #tpu.memory_space<semaphore_mem>>)
      %dma_wait3A = arith.constant 0 : i32
      %dma_wait3A_26 = tpu.memref_slice %arg10[%add3A, %dma_wait3A] : memref<32x128xi32, #tpu.memory_space<hbm>> -> memref<1x128xi32, #tpu.memory_space<hbm>>
      %dma_wait3A_27 = tpu.memref_squeeze %dma_wait3A_26 : memref<1x128xi32, #tpu.memory_space<hbm>> -> memref<128xi32, #tpu.memory_space<hbm>>
      %dma_wait3A_28 = arith.constant 0 : i32
      %dma_wait3A_29 = tpu.memref_slice %arg10[%add3A, %dma_wait3A_28] : memref<32x128xi32, #tpu.memory_space<hbm>> -> memref<1x128xi32, #tpu.memory_space<hbm>>
      %dma_wait3A_30 = tpu.memref_squeeze %dma_wait3A_29 : memref<1x128xi32, #tpu.memory_space<hbm>> -> memref<128xi32, #tpu.memory_space<hbm>>
      tpu.wait_dma2 semaphore(%run_scoped3A : memref<!tpu.dma_semaphore, #tpu.memory_space<semaphore_mem>>) src(%arg19 : memref<128xi32, #tpu.memory_space<vmem>>) dst(%dma_wait3A_30 : memref<128xi32, #tpu.memory_space<hbm>>)
      tpu.yield
    }) : () -> ()
    return
  }
}

#map = affine_map<(d0, d1) -> (0, 0)>
#map1 = affine_map<(d0, d1) -> (0)>
module attributes {stable_mosaic.version = 14 : i64} {
  func.func @kern(%arg0: i32, %arg1: i32, %arg2: memref<20480x128xf32, #tpu.memory_space<hbm>>, %arg3: memref<1024xi32, #tpu.memory_space<hbm>>, %arg4: memref<1024x128xf32, #tpu.memory_space<hbm>>, %arg5: memref<32xi32, #tpu.memory_space<vmem>>, %arg6: memref<32x128xf32, #tpu.memory_space<vmem>>, %arg7: memref<!tpu.dma_semaphore, #tpu.memory_space<semaphore_mem>>) attributes {dimension_semantics = [#tpu.dimension_semantics<core_parallel>, #tpu.dimension_semantics<subcore_parallel>], iteration_bounds = array<i64: 2, 16>, scalar_prefetch = 0 : i64, scratch_operands = 3 : i64, tpu.core_type = #tpu.core_type<sc_vector_subcore>, window_params = [{transform_indices = #map}, {transform_indices = #map1}, {transform_indices = #map}]} {
    %mul3A = arith.constant 2 : i32
    %mul3A_0 = arith.muli %arg1, %mul3A : i32
    %add3A = arith.addi %mul3A_0, %arg0 : i32
    %mul3A_1 = arith.constant 32 : i32
    %mul3A_2 = arith.muli %add3A, %mul3A_1 : i32
    "tpu.region"() ({
      %run_scoped3A = tpu.sem_alloc : memref<!tpu.dma_semaphore, #tpu.memory_space<semaphore_mem>>
      %dma_start3A_9 = tpu.memref_slice %arg3[%mul3A_2] : memref<1024xi32, #tpu.memory_space<hbm>> -> memref<32xi32, #tpu.memory_space<hbm>>
      %dma_start3A_10 = tpu.memref_slice %arg3[%mul3A_2] : memref<1024xi32, #tpu.memory_space<hbm>> -> memref<32xi32, #tpu.memory_space<hbm>>
      tpu.enqueue_dma source(%dma_start3A_10 : memref<32xi32, #tpu.memory_space<hbm>>) target(%arg5 : memref<32xi32, #tpu.memory_space<vmem>>) target_semaphore(%run_scoped3A : memref<!tpu.dma_semaphore, #tpu.memory_space<semaphore_mem>>)
      %dma_wait3A_11 = tpu.memref_slice %arg3[%mul3A_2] : memref<1024xi32, #tpu.memory_space<hbm>> -> memref<32xi32, #tpu.memory_space<hbm>>
      %dma_wait3A_12 = tpu.memref_slice %arg3[%mul3A_2] : memref<1024xi32, #tpu.memory_space<hbm>> -> memref<32xi32, #tpu.memory_space<hbm>>
      tpu.wait_dma2 semaphore(%run_scoped3A : memref<!tpu.dma_semaphore, #tpu.memory_space<semaphore_mem>>) src(%dma_wait3A_12 : memref<32xi32, #tpu.memory_space<hbm>>) dst(%arg5 : memref<32xi32, #tpu.memory_space<vmem>>)
      tpu.yield
    }) : () -> ()
    %dma_start3A = arith.constant 0 : i32
    %dma_start3A_3 = arith.constant 0 : i32
    %dma_start3A_4 = tpu.memref_slice %arg2[%dma_start3A, %dma_start3A_3] : memref<20480x128xf32, #tpu.memory_space<hbm>> -> memref<20480x128xf32, #tpu.memory_space<hbm>>
    tpu.enqueue_indirect_dma source(%dma_start3A_4 : memref<20480x128xf32, #tpu.memory_space<hbm>>) target(%arg6 : memref<32x128xf32, #tpu.memory_space<vmem>>) offsets(%arg5 : memref<32xi32, #tpu.memory_space<vmem>>) semaphore(%arg7 : memref<!tpu.dma_semaphore, #tpu.memory_space<semaphore_mem>>)
    %dma_wait3A = arith.constant 0 : i32
    %dma_wait3A_5 = arith.constant 0 : i32
    %dma_wait3A_6 = tpu.memref_slice %arg2[%dma_wait3A, %dma_wait3A_5] : memref<20480x128xf32, #tpu.memory_space<hbm>> -> memref<20480x128xf32, #tpu.memory_space<hbm>>
    tpu.wait_indirect_dma semaphore(%arg7 : memref<!tpu.dma_semaphore, #tpu.memory_space<semaphore_mem>>) src(%dma_wait3A_6 : memref<20480x128xf32, #tpu.memory_space<hbm>>) dst(%arg6 : memref<32x128xf32, #tpu.memory_space<vmem>>)
    %mul3A_7 = arith.constant 32 : i32
    %mul3A_8 = arith.muli %add3A, %mul3A_7 : i32
    "tpu.region"() ({
      %run_scoped3A = tpu.sem_alloc : memref<!tpu.dma_semaphore, #tpu.memory_space<semaphore_mem>>
      %dma_start3A_9 = arith.constant 0 : i32
      %dma_start3A_10 = tpu.memref_slice %arg4[%mul3A_8, %dma_start3A_9] : memref<1024x128xf32, #tpu.memory_space<hbm>> -> memref<32x128xf32, #tpu.memory_space<hbm>>
      %dma_start3A_11 = arith.constant 0 : i32
      %dma_start3A_12 = tpu.memref_slice %arg4[%mul3A_8, %dma_start3A_11] : memref<1024x128xf32, #tpu.memory_space<hbm>> -> memref<32x128xf32, #tpu.memory_space<hbm>>
      tpu.enqueue_dma source(%arg6 : memref<32x128xf32, #tpu.memory_space<vmem>>) target(%dma_start3A_12 : memref<32x128xf32, #tpu.memory_space<hbm>>) target_semaphore(%run_scoped3A : memref<!tpu.dma_semaphore, #tpu.memory_space<semaphore_mem>>)
      %dma_wait3A_13 = arith.constant 0 : i32
      %dma_wait3A_14 = tpu.memref_slice %arg4[%mul3A_8, %dma_wait3A_13] : memref<1024x128xf32, #tpu.memory_space<hbm>> -> memref<32x128xf32, #tpu.memory_space<hbm>>
      %dma_wait3A_15 = arith.constant 0 : i32
      %dma_wait3A_16 = tpu.memref_slice %arg4[%mul3A_8, %dma_wait3A_15] : memref<1024x128xf32, #tpu.memory_space<hbm>> -> memref<32x128xf32, #tpu.memory_space<hbm>>
      tpu.wait_dma2 semaphore(%run_scoped3A : memref<!tpu.dma_semaphore, #tpu.memory_space<semaphore_mem>>) src(%arg6 : memref<32x128xf32, #tpu.memory_space<vmem>>) dst(%dma_wait3A_16 : memref<32x128xf32, #tpu.memory_space<hbm>>)
      tpu.yield
    }) : () -> ()
    return
  }
}

#map = affine_map<(d0, d1) -> (0, 0)>
#map1 = affine_map<(d0, d1) -> (0)>
module attributes {stable_mosaic.version = 14 : i64} {
  func.func @kern(%arg0: i32, %arg1: i32, %arg2: memref<10240x128xf32, #tpu.memory_space<hbm>>, %arg3: memref<512xi32, #tpu.memory_space<hbm>>, %arg4: memref<512x128xf32, #tpu.memory_space<hbm>>, %arg5: memref<16xi32, #tpu.memory_space<vmem>>, %arg6: memref<16x128xf32, #tpu.memory_space<vmem>>, %arg7: memref<!tpu.dma_semaphore, #tpu.memory_space<semaphore_mem>>) attributes {dimension_semantics = [#tpu.dimension_semantics<core_parallel>, #tpu.dimension_semantics<subcore_parallel>], iteration_bounds = array<i64: 2, 16>, scalar_prefetch = 0 : i64, scratch_operands = 3 : i64, tpu.core_type = #tpu.core_type<sc_vector_subcore>, window_params = [{transform_indices = #map}, {transform_indices = #map1}, {transform_indices = #map}]} {
    %mul3A = arith.constant 2 : i32
    %mul3A_0 = arith.muli %arg1, %mul3A : i32
    %add3A = arith.addi %mul3A_0, %arg0 : i32
    %mul3A_1 = arith.constant 16 : i32
    %mul3A_2 = arith.muli %add3A, %mul3A_1 : i32
    "tpu.region"() ({
      %run_scoped3A = tpu.sem_alloc : memref<!tpu.dma_semaphore, #tpu.memory_space<semaphore_mem>>
      %dma_start3A_9 = tpu.memref_slice %arg3[%mul3A_2] : memref<512xi32, #tpu.memory_space<hbm>> -> memref<16xi32, #tpu.memory_space<hbm>>
      %dma_start3A_10 = tpu.memref_slice %arg3[%mul3A_2] : memref<512xi32, #tpu.memory_space<hbm>> -> memref<16xi32, #tpu.memory_space<hbm>>
      tpu.enqueue_dma source(%dma_start3A_10 : memref<16xi32, #tpu.memory_space<hbm>>) target(%arg5 : memref<16xi32, #tpu.memory_space<vmem>>) target_semaphore(%run_scoped3A : memref<!tpu.dma_semaphore, #tpu.memory_space<semaphore_mem>>)
      %dma_wait3A_11 = tpu.memref_slice %arg3[%mul3A_2] : memref<512xi32, #tpu.memory_space<hbm>> -> memref<16xi32, #tpu.memory_space<hbm>>
      %dma_wait3A_12 = tpu.memref_slice %arg3[%mul3A_2] : memref<512xi32, #tpu.memory_space<hbm>> -> memref<16xi32, #tpu.memory_space<hbm>>
      tpu.wait_dma2 semaphore(%run_scoped3A : memref<!tpu.dma_semaphore, #tpu.memory_space<semaphore_mem>>) src(%dma_wait3A_12 : memref<16xi32, #tpu.memory_space<hbm>>) dst(%arg5 : memref<16xi32, #tpu.memory_space<vmem>>)
      tpu.yield
    }) : () -> ()
    %dma_start3A = arith.constant 0 : i32
    %dma_start3A_3 = arith.constant 0 : i32
    %dma_start3A_4 = tpu.memref_slice %arg2[%dma_start3A, %dma_start3A_3] : memref<10240x128xf32, #tpu.memory_space<hbm>> -> memref<10240x128xf32, #tpu.memory_space<hbm>>
    tpu.enqueue_indirect_dma source(%dma_start3A_4 : memref<10240x128xf32, #tpu.memory_space<hbm>>) target(%arg6 : memref<16x128xf32, #tpu.memory_space<vmem>>) offsets(%arg5 : memref<16xi32, #tpu.memory_space<vmem>>) semaphore(%arg7 : memref<!tpu.dma_semaphore, #tpu.memory_space<semaphore_mem>>)
    %dma_wait3A = arith.constant 0 : i32
    %dma_wait3A_5 = arith.constant 0 : i32
    %dma_wait3A_6 = tpu.memref_slice %arg2[%dma_wait3A, %dma_wait3A_5] : memref<10240x128xf32, #tpu.memory_space<hbm>> -> memref<10240x128xf32, #tpu.memory_space<hbm>>
    tpu.wait_indirect_dma semaphore(%arg7 : memref<!tpu.dma_semaphore, #tpu.memory_space<semaphore_mem>>) src(%dma_wait3A_6 : memref<10240x128xf32, #tpu.memory_space<hbm>>) dst(%arg6 : memref<16x128xf32, #tpu.memory_space<vmem>>)
    %mul3A_7 = arith.constant 16 : i32
    %mul3A_8 = arith.muli %add3A, %mul3A_7 : i32
    "tpu.region"() ({
      %run_scoped3A = tpu.sem_alloc : memref<!tpu.dma_semaphore, #tpu.memory_space<semaphore_mem>>
      %dma_start3A_9 = arith.constant 0 : i32
      %dma_start3A_10 = tpu.memref_slice %arg4[%mul3A_8, %dma_start3A_9] : memref<512x128xf32, #tpu.memory_space<hbm>> -> memref<16x128xf32, #tpu.memory_space<hbm>>
      %dma_start3A_11 = arith.constant 0 : i32
      %dma_start3A_12 = tpu.memref_slice %arg4[%mul3A_8, %dma_start3A_11] : memref<512x128xf32, #tpu.memory_space<hbm>> -> memref<16x128xf32, #tpu.memory_space<hbm>>
      tpu.enqueue_dma source(%arg6 : memref<16x128xf32, #tpu.memory_space<vmem>>) target(%dma_start3A_12 : memref<16x128xf32, #tpu.memory_space<hbm>>) target_semaphore(%run_scoped3A : memref<!tpu.dma_semaphore, #tpu.memory_space<semaphore_mem>>)
      %dma_wait3A_13 = arith.constant 0 : i32
      %dma_wait3A_14 = tpu.memref_slice %arg4[%mul3A_8, %dma_wait3A_13] : memref<512x128xf32, #tpu.memory_space<hbm>> -> memref<16x128xf32, #tpu.memory_space<hbm>>
      %dma_wait3A_15 = arith.constant 0 : i32
      %dma_wait3A_16 = tpu.memref_slice %arg4[%mul3A_8, %dma_wait3A_15] : memref<512x128xf32, #tpu.memory_space<hbm>> -> memref<16x128xf32, #tpu.memory_space<hbm>>
      tpu.wait_dma2 semaphore(%run_scoped3A : memref<!tpu.dma_semaphore, #tpu.memory_space<semaphore_mem>>) src(%arg6 : memref<16x128xf32, #tpu.memory_space<vmem>>) dst(%dma_wait3A_16 : memref<16x128xf32, #tpu.memory_space<hbm>>)
      tpu.yield
    }) : () -> ()
    return
  }
}

#map = affine_map<(d0, d1) -> (0, 0)>
#map1 = affine_map<(d0, d1) -> (0)>
module attributes {stable_mosaic.version = 14 : i64} {
  func.func @kern(%arg0: i32, %arg1: i32, %arg2: memref<512x128xf32, #tpu.memory_space<hbm>>, %arg3: memref<512xi32, #tpu.memory_space<hbm>>, %arg4: memref<512x128xf32, #tpu.memory_space<hbm>>, %arg5: memref<16xi32, #tpu.memory_space<vmem>>, %arg6: memref<16x128xf32, #tpu.memory_space<vmem>>, %arg7: memref<!tpu.dma_semaphore, #tpu.memory_space<semaphore_mem>>) attributes {dimension_semantics = [#tpu.dimension_semantics<core_parallel>, #tpu.dimension_semantics<subcore_parallel>], iteration_bounds = array<i64: 2, 16>, scalar_prefetch = 0 : i64, scratch_operands = 3 : i64, tpu.core_type = #tpu.core_type<sc_vector_subcore>, window_params = [{transform_indices = #map}, {transform_indices = #map1}, {transform_indices = #map}]} {
    %mul3A = arith.constant 2 : i32
    %mul3A_0 = arith.muli %arg1, %mul3A : i32
    %add3A = arith.addi %mul3A_0, %arg0 : i32
    %mul3A_1 = arith.constant 16 : i32
    %mul3A_2 = arith.muli %add3A, %mul3A_1 : i32
    "tpu.region"() ({
      %run_scoped3A = tpu.sem_alloc : memref<!tpu.dma_semaphore, #tpu.memory_space<semaphore_mem>>
      %dma_start3A_9 = tpu.memref_slice %arg3[%mul3A_2] : memref<512xi32, #tpu.memory_space<hbm>> -> memref<16xi32, #tpu.memory_space<hbm>>
      %dma_start3A_10 = tpu.memref_slice %arg3[%mul3A_2] : memref<512xi32, #tpu.memory_space<hbm>> -> memref<16xi32, #tpu.memory_space<hbm>>
      tpu.enqueue_dma source(%dma_start3A_10 : memref<16xi32, #tpu.memory_space<hbm>>) target(%arg5 : memref<16xi32, #tpu.memory_space<vmem>>) target_semaphore(%run_scoped3A : memref<!tpu.dma_semaphore, #tpu.memory_space<semaphore_mem>>)
      %dma_wait3A_11 = tpu.memref_slice %arg3[%mul3A_2] : memref<512xi32, #tpu.memory_space<hbm>> -> memref<16xi32, #tpu.memory_space<hbm>>
      %dma_wait3A_12 = tpu.memref_slice %arg3[%mul3A_2] : memref<512xi32, #tpu.memory_space<hbm>> -> memref<16xi32, #tpu.memory_space<hbm>>
      tpu.wait_dma2 semaphore(%run_scoped3A : memref<!tpu.dma_semaphore, #tpu.memory_space<semaphore_mem>>) src(%dma_wait3A_12 : memref<16xi32, #tpu.memory_space<hbm>>) dst(%arg5 : memref<16xi32, #tpu.memory_space<vmem>>)
      tpu.yield
    }) : () -> ()
    %dma_start3A = arith.constant 0 : i32
    %dma_start3A_3 = arith.constant 0 : i32
    %dma_start3A_4 = tpu.memref_slice %arg2[%dma_start3A, %dma_start3A_3] : memref<512x128xf32, #tpu.memory_space<hbm>> -> memref<512x128xf32, #tpu.memory_space<hbm>>
    tpu.enqueue_indirect_dma source(%dma_start3A_4 : memref<512x128xf32, #tpu.memory_space<hbm>>) target(%arg6 : memref<16x128xf32, #tpu.memory_space<vmem>>) offsets(%arg5 : memref<16xi32, #tpu.memory_space<vmem>>) semaphore(%arg7 : memref<!tpu.dma_semaphore, #tpu.memory_space<semaphore_mem>>)
    %dma_wait3A = arith.constant 0 : i32
    %dma_wait3A_5 = arith.constant 0 : i32
    %dma_wait3A_6 = tpu.memref_slice %arg2[%dma_wait3A, %dma_wait3A_5] : memref<512x128xf32, #tpu.memory_space<hbm>> -> memref<512x128xf32, #tpu.memory_space<hbm>>
    tpu.wait_indirect_dma semaphore(%arg7 : memref<!tpu.dma_semaphore, #tpu.memory_space<semaphore_mem>>) src(%dma_wait3A_6 : memref<512x128xf32, #tpu.memory_space<hbm>>) dst(%arg6 : memref<16x128xf32, #tpu.memory_space<vmem>>)
    %mul3A_7 = arith.constant 16 : i32
    %mul3A_8 = arith.muli %add3A, %mul3A_7 : i32
    "tpu.region"() ({
      %run_scoped3A = tpu.sem_alloc : memref<!tpu.dma_semaphore, #tpu.memory_space<semaphore_mem>>
      %dma_start3A_9 = arith.constant 0 : i32
      %dma_start3A_10 = tpu.memref_slice %arg4[%mul3A_8, %dma_start3A_9] : memref<512x128xf32, #tpu.memory_space<hbm>> -> memref<16x128xf32, #tpu.memory_space<hbm>>
      %dma_start3A_11 = arith.constant 0 : i32
      %dma_start3A_12 = tpu.memref_slice %arg4[%mul3A_8, %dma_start3A_11] : memref<512x128xf32, #tpu.memory_space<hbm>> -> memref<16x128xf32, #tpu.memory_space<hbm>>
      tpu.enqueue_dma source(%arg6 : memref<16x128xf32, #tpu.memory_space<vmem>>) target(%dma_start3A_12 : memref<16x128xf32, #tpu.memory_space<hbm>>) target_semaphore(%run_scoped3A : memref<!tpu.dma_semaphore, #tpu.memory_space<semaphore_mem>>)
      %dma_wait3A_13 = arith.constant 0 : i32
      %dma_wait3A_14 = tpu.memref_slice %arg4[%mul3A_8, %dma_wait3A_13] : memref<512x128xf32, #tpu.memory_space<hbm>> -> memref<16x128xf32, #tpu.memory_space<hbm>>
      %dma_wait3A_15 = arith.constant 0 : i32
      %dma_wait3A_16 = tpu.memref_slice %arg4[%mul3A_8, %dma_wait3A_15] : memref<512x128xf32, #tpu.memory_space<hbm>> -> memref<16x128xf32, #tpu.memory_space<hbm>>
      tpu.wait_dma2 semaphore(%run_scoped3A : memref<!tpu.dma_semaphore, #tpu.memory_space<semaphore_mem>>) src(%arg6 : memref<16x128xf32, #tpu.memory_space<vmem>>) dst(%dma_wait3A_16 : memref<16x128xf32, #tpu.memory_space<hbm>>)
      tpu.yield
    }) : () -> ()
    return
  }
}

module attributes {stable_mosaic.version = 14 : i64} {
  func.func @body(%arg0: i32, %arg1: i32, %arg2: memref<2048x128xf32, #tpu.memory_space<vmem>>, %arg3: memref<1x128x128xf32, #tpu.memory_space<vmem>>, %arg4: memref<2048x1xf32, #tpu.memory_space<vmem>>, %arg5: memref<2048x128xf32, #tpu.memory_space<vmem>>) attributes {dimension_semantics = [#tpu.dimension_semantics<arbitrary>, #tpu.dimension_semantics<arbitrary>], iteration_bounds = array<i64: 4, 5>, scalar_prefetch = 0 : i64, scratch_operands = 0 : i64, tpu.core_type = #tpu.core_type<tc>, window_params = [{transform_indices = @transform_0, window_bounds = array<i64: 2048, 128>}, {transform_indices = @transform_1, window_bounds = array<i64: 1, 128, 128>}, {transform_indices = @transform_2, window_bounds = array<i64: 2048, 1>}, {transform_indices = @transform_3, window_bounds = array<i64: 2048, 128>}]} {
    %get3A = arith.constant 0 : index
    %get3A_0 = arith.constant 0 : index
    %get3A_1 = vector.load %arg4[%get3A, %get3A_0] : memref<2048x1xf32, #tpu.memory_space<vmem>>, vector<2048x1xf32>
    %get3A_2 = arith.constant 0 : index
    %get3A_3 = arith.constant 0 : index
    %get3A_4 = vector.load %arg2[%get3A_2, %get3A_3] : memref<2048x128xf32, #tpu.memory_space<vmem>>, vector<2048x128xf32>
    %get3A_5 = arith.constant 0 : index
    %get3A_6 = arith.constant 0 : index
    %get3A_7 = arith.constant 0 : index
    %get3A_8 = vector.load %arg3[%get3A_5, %get3A_6, %get3A_7] : memref<1x128x128xf32, #tpu.memory_space<vmem>>, vector<1x128x128xf32>
    %get3A_9 = vector.shape_cast %get3A_8 : vector<1x128x128xf32> to vector<128x128xf32>
    %dot_general3A = arith.constant dense<0.000000e+00> : vector<2048x128xf32>
    %dot_general3A_10 = tpu.matmul %get3A_4, %get3A_9, %dot_general3A {dimension_numbers = #tpu.dot_dimension_numbers<[1], [0], [0], [1], [0, 0, 1, 1], [], []>, transpose_lhs_hint = false} : vector<2048x128xf32>, vector<128x128xf32>, vector<2048x128xf32> -> vector<2048x128xf32>
    %mul3A = vector.broadcast %get3A_1 : vector<2048x1xf32> to vector<2048x128xf32>
    %mul3A_11 = arith.mulf %mul3A, %dot_general3A_10 : vector<2048x128xf32>
    %swap3A = arith.constant 0 : index
    %swap3A_12 = arith.constant 0 : index
    %swap3A_13 = vector.load %arg5[%swap3A, %swap3A_12] : memref<2048x128xf32, #tpu.memory_space<vmem>>, vector<2048x128xf32>
    tpu.vector_store %arg5[%swap3A, %swap3A_12], %mul3A_11 {strides = array<i32>} : memref<2048x128xf32, #tpu.memory_space<vmem>>, vector<2048x128xf32>,
    return
  }
  func.func @transform_0(%arg0: i32, %arg1: i32) -> (i32, i32) {
    %c0_i32 = arith.constant 0 : i32
    %c0_i32_0 = arith.constant 0 : i32
    return %arg1, %c0_i32 : i32, i32
  }
  func.func @transform_1(%arg0: i32, %arg1: i32) -> (i32, i32, i32) {
    %c0_i32 = arith.constant 0 : i32
    %c0_i32_0 = arith.constant 0 : i32
    %c0_i32_1 = arith.constant 0 : i32
    return %arg0, %c0_i32, %c0_i32_0 : i32, i32, i32
  }
  func.func @transform_2(%arg0: i32, %arg1: i32) -> (i32, i32) {
    %c0_i32 = arith.constant 0 : i32
    %c0_i32_0 = arith.constant 0 : i32
    return %arg1, %c0_i32 : i32, i32
  }
  func.func @transform_3(%arg0: i32, %arg1: i32) -> (i32, i32) {
    %mul3A = arith.constant 5 : i32
    %mul3A_0 = arith.muli %arg0, %mul3A : i32
    %add3A = arith.addi %mul3A_0, %arg1 : i32
    %c0_i32 = arith.constant 0 : i32
    %c0_i32_1 = arith.constant 0 : i32
    return %add3A, %c0_i32 : i32, i32
  }
}

module attributes {stable_mosaic.version = 14 : i64} {
  func.func @body(%arg0: memref<2x10240x128xf32, #tpu.memory_space<vmem>>, %arg1: memref<10240x1xf32, #tpu.memory_space<vmem>>) attributes {dimension_semantics = [], scalar_prefetch = 0 : i64, scratch_operands = 0 : i64, tpu.core_type = #tpu.core_type<tc>} {
    %get3A = arith.constant 0 : index
    %get3A_0 = arith.constant 0 : index
    %get3A_1 = arith.constant 0 : index
    %get3A_2 = vector.load %arg0[%get3A, %get3A_0, %get3A_1] : memref<2x10240x128xf32, #tpu.memory_space<vmem>>, vector<1x10240x1xf32>
    %get3A_3 = vector.shape_cast %get3A_2 : vector<1x10240x1xf32> to vector<10240x1xf32>
    %get3A_4 = arith.constant 1 : index
    %get3A_5 = arith.constant 0 : index
    %get3A_6 = arith.constant 0 : index
    %get3A_7 = vector.load %arg0[%get3A_4, %get3A_5, %get3A_6] : memref<2x10240x128xf32, #tpu.memory_space<vmem>>, vector<1x10240x1xf32>
    %get3A_8 = vector.shape_cast %get3A_7 : vector<1x10240x1xf32> to vector<10240x1xf32>
    %add3A = arith.addf %get3A_3, %get3A_8 : vector<10240x1xf32>
    %max3A = arith.constant 1.000000e+00 : f32
    %max3A_9 = vector.broadcast %max3A : f32 to vector<10240x1xf32>
    %max3A_10 = arith.maximumf %add3A, %max3A_9 : vector<10240x1xf32>
    %rsqrt3A = math.rsqrt %max3A_10 : vector<10240x1xf32>
    %swap3A = arith.constant 0 : index
    %swap3A_11 = arith.constant 0 : index
    %swap3A_12 = vector.load %arg1[%swap3A, %swap3A_11] : memref<10240x1xf32, #tpu.memory_space<vmem>>, vector<10240x1xf32>
    tpu.vector_store %arg1[%swap3A, %swap3A_11], %rsqrt3A {strides = array<i32>} : memref<10240x1xf32, #tpu.memory_space<vmem>>, vector<10240x1xf32>,
    return
  }
}

module attributes {stable_mosaic.version = 14 : i64} {
  func.func @body(%arg0: i32, %arg1: memref<2048x128xf32, #tpu.memory_space<vmem>>, %arg2: memref<128x128xf32, #tpu.memory_space<vmem>>, %arg3: memref<1x128xf32, #tpu.memory_space<vmem>>, %arg4: memref<2048x128xf32, #tpu.memory_space<vmem>>) attributes {dimension_semantics = [#tpu.dimension_semantics<arbitrary>], iteration_bounds = array<i64: 5>, scalar_prefetch = 0 : i64, scratch_operands = 0 : i64, tpu.core_type = #tpu.core_type<tc>, window_params = [{transform_indices = @transform_0, window_bounds = array<i64: 2048, 128>}, {pipeline_mode = #tpu.pipeline_mode<synchronous>, transform_indices = @transform_1, window_bounds = array<i64: 128, 128>}, {pipeline_mode = #tpu.pipeline_mode<synchronous>, transform_indices = @transform_2, window_bounds = array<i64: 1, 128>}, {transform_indices = @transform_3, window_bounds = array<i64: 2048, 128>}]} {
    %get3A = arith.constant 0 : index
    %get3A_0 = arith.constant 0 : index
    %get3A_1 = vector.load %arg1[%get3A, %get3A_0] : memref<2048x128xf32, #tpu.memory_space<vmem>>, vector<2048x128xf32>
    %get3A_2 = arith.constant 0 : index
    %get3A_3 = arith.constant 0 : index
    %get3A_4 = vector.load %arg2[%get3A_2, %get3A_3] : memref<128x128xf32, #tpu.memory_space<vmem>>, vector<128x128xf32>
    %dot_general3A = arith.constant dense<0.000000e+00> : vector<2048x128xf32>
    %dot_general3A_5 = tpu.matmul %get3A_1, %get3A_4, %dot_general3A {dimension_numbers = #tpu.dot_dimension_numbers<[1], [0], [0], [1], [0, 0, 1, 1], [], []>, transpose_lhs_hint = false} : vector<2048x128xf32>, vector<128x128xf32>, vector<2048x128xf32> -> vector<2048x128xf32>
    %get3A_6 = arith.constant 0 : index
    %get3A_7 = arith.constant 0 : index
    %get3A_8 = vector.load %arg3[%get3A_6, %get3A_7] : memref<1x128xf32, #tpu.memory_space<vmem>>, vector<1x128xf32>
    %add3A = vector.broadcast %get3A_8 : vector<1x128xf32> to vector<2048x128xf32>
    %add3A_9 = arith.addf %dot_general3A_5, %add3A : vector<2048x128xf32>
    %swap3A = arith.constant 0 : index
    %swap3A_10 = arith.constant 0 : index
    %swap3A_11 = vector.load %arg4[%swap3A, %swap3A_10] : memref<2048x128xf32, #tpu.memory_space<vmem>>, vector<2048x128xf32>
    tpu.vector_store %arg4[%swap3A, %swap3A_10], %add3A_9 {strides = array<i32>} : memref<2048x128xf32, #tpu.memory_space<vmem>>, vector<2048x128xf32>,
    return
  }
  func.func @transform_0(%arg0: i32) -> (i32, i32) {
    %c0_i32 = arith.constant 0 : i32
    %c0_i32_0 = arith.constant 0 : i32
    return %arg0, %c0_i32 : i32, i32
  }
  func.func @transform_1(%arg0: i32) -> (i32, i32) {
    %c0_i32 = arith.constant 0 : i32
    %c0_i32_0 = arith.constant 0 : i32
    %c0_i32_1 = arith.constant 0 : i32
    return %c0_i32, %c0_i32_0 : i32, i32
  }
  func.func @transform_2(%arg0: i32) -> (i32, i32) {
    %c0_i32 = arith.constant 0 : i32
    %c0_i32_0 = arith.constant 0 : i32
    %c0_i32_1 = arith.constant 0 : i32
    return %c0_i32, %c0_i32_0 : i32, i32
  }
  func.func @transform_3(%arg0: i32) -> (i32, i32) {
    %c0_i32 = arith.constant 0 : i32
    %c0_i32_0 = arith.constant 0 : i32
    return %arg0, %c0_i32 : i32, i32
  }
}

module attributes {stable_mosaic.version = 14 : i64} {
  func.func @body(%arg0: i32, %arg1: memref<2x2048x128xf32, #tpu.memory_space<vmem>>, %arg2: memref<2048x1xf32, #tpu.memory_space<vmem>>, %arg3: memref<2048x128xf32, #tpu.memory_space<vmem>>, %arg4: memref<2048x128xf32, #tpu.memory_space<vmem>>) attributes {dimension_semantics = [#tpu.dimension_semantics<arbitrary>], iteration_bounds = array<i64: 5>, scalar_prefetch = 0 : i64, scratch_operands = 0 : i64, tpu.core_type = #tpu.core_type<tc>, window_params = [{transform_indices = @transform_0, window_bounds = array<i64: 2, 2048, 128>}, {transform_indices = @transform_1, window_bounds = array<i64: 2048, 1>}, {transform_indices = @transform_2, window_bounds = array<i64: 2048, 128>}, {transform_indices = @transform_3, window_bounds = array<i64: 2048, 128>}]} {
    %get3A = arith.constant 0 : index
    %get3A_0 = arith.constant 0 : index
    %get3A_1 = arith.constant 0 : index
    %get3A_2 = vector.load %arg1[%get3A, %get3A_0, %get3A_1] : memref<2x2048x128xf32, #tpu.memory_space<vmem>>, vector<1x2048x128xf32>
    %get3A_3 = vector.shape_cast %get3A_2 : vector<1x2048x128xf32> to vector<2048x128xf32>
    %get3A_4 = arith.constant 1 : index
    %get3A_5 = arith.constant 0 : index
    %get3A_6 = arith.constant 0 : index
    %get3A_7 = vector.load %arg1[%get3A_4, %get3A_5, %get3A_6] : memref<2x2048x128xf32, #tpu.memory_space<vmem>>, vector<1x2048x128xf32>
    %get3A_8 = vector.shape_cast %get3A_7 : vector<1x2048x128xf32> to vector<2048x128xf32>
    %add3A = arith.addf %get3A_3, %get3A_8 : vector<2048x128xf32>
    %get3A_9 = arith.constant 0 : index
    %get3A_10 = arith.constant 0 : index
    %get3A_11 = vector.load %arg2[%get3A_9, %get3A_10] : memref<2048x1xf32, #tpu.memory_space<vmem>>, vector<2048x1xf32>
    %mul3A = vector.broadcast %get3A_11 : vector<2048x1xf32> to vector<2048x128xf32>
    %mul3A_12 = arith.mulf %add3A, %mul3A : vector<2048x128xf32>
    %get3A_13 = arith.constant 0 : index
    %get3A_14 = arith.constant 0 : index
    %get3A_15 = vector.load %arg3[%get3A_13, %get3A_14] : memref<2048x128xf32, #tpu.memory_space<vmem>>, vector<2048x128xf32>
    %add3A_16 = arith.addf %mul3A_12, %get3A_15 : vector<2048x128xf32>
    %max3A = arith.constant 0.000000e+00 : f32
    %max3A_17 = vector.broadcast %max3A : f32 to vector<2048x128xf32>
    %max3A_18 = arith.maximumf %add3A_16, %max3A_17 : vector<2048x128xf32>
    %swap3A = arith.constant 0 : index
    %swap3A_19 = arith.constant 0 : index
    %swap3A_20 = vector.load %arg4[%swap3A, %swap3A_19] : memref<2048x128xf32, #tpu.memory_space<vmem>>, vector<2048x128xf32>
    tpu.vector_store %arg4[%swap3A, %swap3A_19], %max3A_18 {strides = array<i32>} : memref<2048x128xf32, #tpu.memory_space<vmem>>, vector<2048x128xf32>,
    return
  }
  func.func @transform_0(%arg0: i32) -> (i32, i32, i32) {
    %c0_i32 = arith.constant 0 : i32
    %c0_i32_0 = arith.constant 0 : i32
    %c0_i32_1 = arith.constant 0 : i32
    return %c0_i32, %arg0, %c0_i32_0 : i32, i32, i32
  }
  func.func @transform_1(%arg0: i32) -> (i32, i32) {
    %c0_i32 = arith.constant 0 : i32
    %c0_i32_0 = arith.constant 0 : i32
    return %arg0, %c0_i32 : i32, i32
  }
  func.func @transform_2(%arg0: i32) -> (i32, i32) {
    %c0_i32 = arith.constant 0 : i32
    %c0_i32_0 = arith.constant 0 : i32
    return %arg0, %c0_i32 : i32, i32
  }
  func.func @transform_3(%arg0: i32) -> (i32, i32) {
    %c0_i32 = arith.constant 0 : i32
    %c0_i32_0 = arith.constant 0 : i32
    return %arg0, %c0_i32 : i32, i32
  }
}

module attributes {stable_mosaic.version = 14 : i64} {
  func.func @body(%arg0: memref<2x512x128xf32, #tpu.memory_space<vmem>>, %arg1: memref<1024x128xf32, #tpu.memory_space<vmem>>, %arg2: memref<512x128xf32, #tpu.memory_space<vmem>>, %arg3: memref<128x128xf32, #tpu.memory_space<vmem>>, %arg4: memref<1x128xf32, #tpu.memory_space<vmem>>, %arg5: memref<512x128xf32, #tpu.memory_space<vmem>>) attributes {dimension_semantics = [], scalar_prefetch = 0 : i64, scratch_operands = 0 : i64, tpu.core_type = #tpu.core_type<tc>} {
    %get3A = arith.constant 0 : index
    %get3A_0 = arith.constant 0 : index
    %get3A_1 = vector.load %arg1[%get3A, %get3A_0] : memref<1024x128xf32, #tpu.memory_space<vmem>>, vector<512x1xf32>
    %get3A_2 = arith.constant 512 : index
    %get3A_3 = arith.constant 0 : index
    %get3A_4 = vector.load %arg1[%get3A_2, %get3A_3] : memref<1024x128xf32, #tpu.memory_space<vmem>>, vector<512x1xf32>
    %add3A = arith.addf %get3A_1, %get3A_4 : vector<512x1xf32>
    %max3A = arith.constant 1.000000e+00 : f32
    %max3A_5 = vector.broadcast %max3A : f32 to vector<512x1xf32>
    %max3A_6 = arith.maximumf %add3A, %max3A_5 : vector<512x1xf32>
    %rsqrt3A = math.rsqrt %max3A_6 : vector<512x1xf32>
    %get3A_7 = arith.constant 0 : index
    %get3A_8 = arith.constant 0 : index
    %get3A_9 = arith.constant 0 : index
    %get3A_10 = vector.load %arg0[%get3A_7, %get3A_8, %get3A_9] : memref<2x512x128xf32, #tpu.memory_space<vmem>>, vector<1x512x128xf32>
    %get3A_11 = vector.shape_cast %get3A_10 : vector<1x512x128xf32> to vector<512x128xf32>
    %get3A_12 = arith.constant 1 : index
    %get3A_13 = arith.constant 0 : index
    %get3A_14 = arith.constant 0 : index
    %get3A_15 = vector.load %arg0[%get3A_12, %get3A_13, %get3A_14] : memref<2x512x128xf32, #tpu.memory_space<vmem>>, vector<1x512x128xf32>
    %get3A_16 = vector.shape_cast %get3A_15 : vector<1x512x128xf32> to vector<512x128xf32>
    %add3A_17 = arith.addf %get3A_11, %get3A_16 : vector<512x128xf32>
    %mul3A = vector.broadcast %rsqrt3A : vector<512x1xf32> to vector<512x128xf32>
    %mul3A_18 = arith.mulf %add3A_17, %mul3A : vector<512x128xf32>
    %get3A_19 = arith.constant 0 : index
    %get3A_20 = arith.constant 0 : index
    %get3A_21 = vector.load %arg2[%get3A_19, %get3A_20] : memref<512x128xf32, #tpu.memory_space<vmem>>, vector<512x128xf32>
    %get3A_22 = arith.constant 0 : index
    %get3A_23 = arith.constant 0 : index
    %get3A_24 = vector.load %arg3[%get3A_22, %get3A_23] : memref<128x128xf32, #tpu.memory_space<vmem>>, vector<128x128xf32>
    %dot_general3A = arith.constant dense<0.000000e+00> : vector<512x128xf32>
    %dot_general3A_25 = tpu.matmul %get3A_21, %get3A_24, %dot_general3A {dimension_numbers = #tpu.dot_dimension_numbers<[1], [0], [0], [1], [0, 0, 1, 1], [], []>, transpose_lhs_hint = false} : vector<512x128xf32>, vector<128x128xf32>, vector<512x128xf32> -> vector<512x128xf32>
    %add3A_26 = arith.addf %mul3A_18, %dot_general3A_25 : vector<512x128xf32>
    %get3A_27 = arith.constant 0 : index
    %get3A_28 = arith.constant 0 : index
    %get3A_29 = vector.load %arg4[%get3A_27, %get3A_28] : memref<1x128xf32, #tpu.memory_space<vmem>>, vector<1x128xf32>
    %add3A_30 = vector.broadcast %get3A_29 : vector<1x128xf32> to vector<512x128xf32>
    %add3A_31 = arith.addf %add3A_26, %add3A_30 : vector<512x128xf32>
    %swap3A = arith.constant 0 : index
    %swap3A_32 = arith.constant 0 : index
    %swap3A_33 = vector.load %arg5[%swap3A, %swap3A_32] : memref<512x128xf32, #tpu.memory_space<vmem>>, vector<512x128xf32>
    tpu.vector_store %arg5[%swap3A, %swap3A_32], %add3A_31 {strides = array<i32>} : memref<512x128xf32, #tpu.memory_space<vmem>>, vector<512x128xf32>,
    return
  }
}

module attributes {stable_mosaic.version = 14 : i64} {
  func.func @body(%arg0: memref<512x128xf32, #tpu.memory_space<vmem>>, %arg1: memref<128x3xf32, #tpu.memory_space<vmem>>, %arg2: memref<1x3xf32, #tpu.memory_space<vmem>>, %arg3: memref<512x3xf32, #tpu.memory_space<vmem>>) attributes {dimension_semantics = [], scalar_prefetch = 0 : i64, scratch_operands = 0 : i64, tpu.core_type = #tpu.core_type<tc>} {
    %get3A = arith.constant 0 : index
    %get3A_0 = arith.constant 0 : index
    %get3A_1 = vector.load %arg0[%get3A, %get3A_0] : memref<512x128xf32, #tpu.memory_space<vmem>>, vector<512x128xf32>
    %get3A_2 = arith.constant 0 : index
    %get3A_3 = arith.constant 0 : index
    %get3A_4 = vector.load %arg1[%get3A_2, %get3A_3] : memref<128x3xf32, #tpu.memory_space<vmem>>, vector<128x3xf32>
    %dot_general3A = arith.constant dense<0.000000e+00> : vector<512x3xf32>
    %dot_general3A_5 = tpu.matmul %get3A_1, %get3A_4, %dot_general3A {dimension_numbers = #tpu.dot_dimension_numbers<[1], [0], [0], [1], [0, 0, 1, 1], [], []>, transpose_lhs_hint = false} : vector<512x128xf32>, vector<128x3xf32>, vector<512x3xf32> -> vector<512x3xf32>
    %get3A_6 = arith.constant 0 : index
    %get3A_7 = arith.constant 0 : index
    %get3A_8 = vector.load %arg2[%get3A_6, %get3A_7] : memref<1x3xf32, #tpu.memory_space<vmem>>, vector<1x3xf32>
    %add3A = vector.broadcast %get3A_8 : vector<1x3xf32> to vector<512x3xf32>
    %add3A_9 = arith.addf %dot_general3A_5, %add3A : vector<512x3xf32>
    %swap3A = arith.constant 0 : index
    %swap3A_10 = arith.constant 0 : index
    %swap3A_11 = vector.load %arg3[%swap3A, %swap3A_10] : memref<512x3xf32, #tpu.memory_space<vmem>>, vector<512x3xf32>
    tpu.vector_store %arg3[%swap3A, %swap3A_10], %add3A_9 {strides = array<i32>} : memref<512x3xf32, #tpu.memory_space<vmem>>, vector<512x3xf32>,
    return
  }
}

</mosaic_0001>

<sc_bundles>
// kernel: kernel.16.cloned.1.call-start
scs
__scs_entry_jumppad:
0x0: {  	(pc) =	sbr.rel $0x88, $3  }
0x1: {  	(tag) =	ssettag $0x0;
	lr =	simm.s32 $0x1  }
0x2: {  	[smem:$0x3F95] =	sst lr;
	_ =	strace $0xD0000000  }
0x3: {  	_ = 	snop  }
0x4: {  	_ = 	snop  }
0x5: {  	_ = 	snop  }
0x6: {  	_ = 	snop  }
0x7: {  	_ = 	snop  }
__scs_overlays_trampoline_lowered:
0x8: {  	[smem:$0x3FA4] =	sst s0  }
0x9: {  	[smem:$0x3FA5] =	sst s1  }
0xa: {  	[smem:$0x3FA6] =	sst s2  }
0xb: {  	[smem:$0x3FA7] =	sst s3  }
0xc: {  	[smem:$0x3FA8] =	sst s4  }
0xd: {  	[smem:$0x3FA9] =	sst s5  }
0xe: {  	[smem:$0x3FAA] =	sst s6  }
0xf: {  	[smem:$0x3FAB] =	sst s7  }
0x10: {  	[smem:$0x3FAC] =	sst s8  }
0x11: {  	[smem:$0x3FAD] =	sst s9;
	s0 =	simm.s32 @!p0 $0x0  }
0x12: {  	s1 =	sld [smem:$0x3F93];
	s0 =	simm.s32 @p0 $0x1  }
0x13: {  	[smem:$0x3FAE] =	sst s0;
	s0 =	simm.s32 @!p1 $0x0  }
0x14: {  	s2 =	sld [smem:$0x3F92];
	s0 =	simm.s32 @p1 $0x1  }
0x15: {  	[smem:$0x3FAF] =	sst s0;
	s0 =	simm.s32 @!p2 $0x0  }
0x16: {  	s3 =	sld [smem:$0x3FDB];
	s0 =	simm.s32 @p2 $0x1  }
0x17: {  	s4 =	simm.s32 $0x1BF5;
	[smem:$0x3FB1] =	sst s0  }
0x18: {  	s0 =	sld [smem:$0x3F94];
	_ =	swait.ge [sflag:s4], $0x0  }
0x19: {  	s7 =	sld [smem:$0x3F95]  }
0x1a: {  	s8 =	sadd.s32 $0xFFFFE003, lr  }
0x1b: {  	s9 =	sadd.s32 $0xFFFFFEF7, lr;
	s5 =	simm.s32 $0xFFFFFFFF;
	p2 =	slt.u32 s8, $0xFFFFF086  }
0x1c: {  	p1 =	slt.u32 s9, $0xF7A;
	s5 =	simm.s32 @!p2 $0x0  }
0x1d: {  	s5 =	simm.s32 @p1 $0x1;
	p0 =	seq.s32 s7, s2  }
0x1e: {  	s7 =	smul.u32 @!p0 $0xF7A, s2;
	p2 =	seq.s32 @!p0 s5, $0x0  }
0x1f: {  	s9 =	smul.u32 $0xF7A, s1;
	s8 =	simm.s32 @!p0 $0x1BF5;
	p2 =	por !p2, p0  }
0x20: {  	[sflag:s8] =	ssyncset.s32 @!p0 $0xFFFFF086;
	s6 =	sadd.s32 @!p0 s3, s7;
	s7 =	simm.s32 @!p0 $0x108  }
0x21: {  	s3 =	sadd.s32 s3, s9;
	s6 =	sadd.s32 @!p0 $0x88, s6;
	s7 =	simm.s32 @p2 $0x1082  }
0x22: {  	[simem:s7], [sflag:s8] =	dma.local @!p0 [hbm:s6], $0xF7A  }
0x23: {  	s9 =	sor.u32 $0xD0000000, s2;
	s6 =	simm.s32 $0x108;
	_ =	swait.ge @!p0 [sflag:s8], $0x0  }
0x24: {  	s3 =	sadd.s32 $0x88, s3;
	s6 =	simm.s32 @!p1 $0x1082;
	[sflag:s4] =	ssyncset.s32 $0xFFFFF086  }
0x25: {  	[simem:s6], [sflag:s4] =	dma.local [hbm:s3], $0xF7A  }
0x26: {  	[smem:$0x3F95] =	sst s1;
	(tag) =	ssettag s2;
	_ =	strace s9  }
0x27: {  	s1 =	sld [smem:$0x3FA5]  }
0x28: {  	s2 =	sld [smem:$0x3FA6]  }
0x29: {  	s4 =	sld [smem:$0x3FA8]  }
0x2a: {  	p0 =	seq.s32 s5, $0x0;
	s5 =	sld [smem:$0x3FA9]  }
0x2b: {  	s6 =	sld [smem:$0x3FAA]  }
0x2c: {  	s7 =	sld [smem:$0x3FAB]  }
0x2d: {  	s3 =	simm.s32 $0x108;
	s8 =	sld [smem:$0x3FAC]  }
0x2e: {  	s3 =	simm.s32 @!p0 $0x1082;
	s9 =	sld [smem:$0x3FAD]  }
0x2f: {  	lr =	sadd.s32 s0, s3;
	s0 =	sld [smem:$0x3FA4]  }
0x30: {  	s3 =	sld [smem:$0x3FA7]  }
0x31: {  	[smem:$0x3FB0] =	sst s10  }
0x32: {  	s10 =	sld [smem:$0x3FAE];
	_ =	sdelay $0x3  }
0x33: {  	p0 =	seq.s32 s10, $0x1;
	s10 =	sld [smem:$0x3FB0];
	_ =	sdelay $0x3  }
0x34: {  	[smem:$0x3FB0] =	sst s10  }
0x35: {  	s10 =	sld [smem:$0x3FAF];
	_ =	sdelay $0x3  }
0x36: {  	p1 =	seq.s32 s10, $0x1;
	s10 =	sld [smem:$0x3FB0];
	_ =	sdelay $0x3  }
0x37: {  	[smem:$0x3FB0] =	sst s10  }
0x38: {  	s10 =	sld [smem:$0x3FB1]  }
0x39: {  	_ = 	snop;
	(pc) =	sbr.ind lr, $3  }
0x3a: {  	_ = 	snop  }
0x3b: {  	_ = 	snop  }
0x3c: {  	p2 =	seq.s32 s10, $0x1;
	s10 =	sld [smem:$0x3FB0]  }
0x3d: {  	_ =	shalt  }
0x3e: {  	_ =	shalt  }
0x3f: {  	_ =	shalt  }
0x40: {  	_ =	shalt  }
0x41: {  	_ =	shalt  }
0x42: {  	_ =	shalt  }
0x43: {  	_ =	shalt  }
0x44: {  	_ =	shalt  }
0x45: {  	_ =	shalt  }
0x46: {  	_ =	shalt  }
0x47: {  	_ =	shalt  }
0x48: {  	_ =	shalt  }
0x49: {  	_ =	shalt  }
0x4a: {  	_ =	shalt  }
0x4b: {  	_ =	shalt  }
0x4c: {  	_ =	shalt  }
0x4d: {  	_ =	shalt  }
0x4e: {  	_ =	shalt  }
0x4f: {  	_ =	shalt  }
0x50: {  	_ =	shalt  }
0x51: {  	_ =	shalt  }
0x52: {  	_ =	shalt  }
0x53: {  	_ =	shalt  }
0x54: {  	_ =	shalt  }
0x55: {  	_ =	shalt  }
0x56: {  	_ =	shalt  }
0x57: {  	_ =	shalt  }
0x58: {  	_ =	shalt  }
0x59: {  	_ =	shalt  }
0x5a: {  	_ =	shalt  }
0x5b: {  	_ =	shalt  }
0x5c: {  	_ =	shalt  }
0x5d: {  	_ =	shalt  }
0x5e: {  	_ =	shalt  }
0x5f: {  	_ =	shalt  }
0x60: {  	_ =	shalt  }
0x61: {  	_ =	shalt  }
0x62: {  	_ =	shalt  }
0x63: {  	_ =	shalt  }
0x64: {  	_ =	shalt  }
0x65: {  	_ =	shalt  }
0x66: {  	_ =	shalt  }
0x67: {  	_ =	shalt  }
0x68: {  	_ =	shalt  }
0x69: {  	_ =	shalt  }
0x6a: {  	_ =	shalt  }
0x6b: {  	_ =	shalt  }
0x6c: {  	_ =	shalt  }
0x6d: {  	_ =	shalt  }
0x6e: {  	_ =	shalt  }
0x6f: {  	_ =	shalt  }
0x70: {  	_ =	shalt  }
0x71: {  	_ =	shalt  }
0x72: {  	_ =	shalt  }
0x73: {  	_ =	shalt  }
0x74: {  	_ =	shalt  }
0x75: {  	_ =	shalt  }
0x76: {  	_ =	shalt  }
0x77: {  	_ =	shalt  }
0x78: {  	_ =	shalt  }
0x79: {  	_ =	shalt  }
0x7a: {  	_ =	shalt  }
0x7b: {  	_ =	shalt  }
0x7c: {  	_ =	shalt  }
0x7d: {  	_ =	shalt  }
0x7e: {  	_ =	shalt  }
0x7f: {  	_ =	shalt  }
0x80: {  	_ =	shalt  }
0x81: {  	_ =	shalt  }
0x82: {  	_ =	shalt  }
0x83: {  	_ =	shalt  }
0x84: {  	_ =	shalt  }
0x85: {  	_ =	shalt  }
0x86: {  	_ =	shalt  }
0x87: {  	_ =	shalt  }
.Lfunc_end0:
.L_simem_size_0:
called_computation_lowered:
.L_overlay_start_0:
0x88: {  	s2 =	sld [smem:$0x3FD9]  }
0x89: {  	s3 =	sld [smem:$0x3FFE];
	_ =	sdelay $0x1  }
0x8a: {  	s1 =	srdreg.scid  }
0x8b: {  	s0 =	sand.u32 $0x1, s1  }
0x8c: {  	s16 =	sshll.u32 s0, $0xA;
	s2 =	sadd.s32 s3, s2  }
0x8d: {  	s2 =	sadd.s32 s2, s16  }
0x8e: {  	[smem:$0x3FBC] =	sst s2  }
0x8f: {  	_ = 	snop  }
0x90: {  	(tm) =	ssettm $0x1  }
0x91: {  	s17 =	sld [smem:$0x3FFB];
	_ =	sdelay $0x3  }
0x92: {  	_ =	strace s17  }
0x93: {  	s2 =	sld [smem:$0x3FFC];
	_ =	sdelay $0x3  }
0x94: {  	_ =	strace s2  }
0x95: {  	s2 =	sld [smem:$0x3FFD];
	_ =	sdelay $0x3  }
0x96: {  	_ =	strace s2  }
0x97: {  	_ =	strace $0x8FFFFFFF  }
0x98: {  	s18 =	sld [smem:$0x3FDB];
	_ =	sdelay $0x1  }
0x99: {  	s19 =	simm.s32 $_scs_section_size  }
0x9a: {  	s4 =	simm.s32 $_size__tile_overlayer_lowered;
	s5 =	simm.s32 $_tile_overlayer_lowered  }
0x9b: {  	s22 =	simm.s32 $0x1BFF;
	s21 =	sshll.u32 s5, $0x1;
	s2 =	sadd.s32 s19, s18  }
0x9c: {  	s6 =	simm.s32 $0x0;
	s20 =	sshll.u32 s4, $0x1;
	s4 =	sadd.s32 s21, s2  }
0x9d: {  	[timem:s6], [sflag:s22] =	dma.local [hbm:s4], s20  }
0x9e: {  	_ =	swait.ge [sflag:s22], s20  }
0x9f: {  	s3 =	ssub.s32 $0x0, s20;
	[sflag:s22] =	ssyncset.done $0x0  }
0xa0: {  	[sflag:s22] =	ssyncadd.s32 s3;
	_ =	sdelay $0x1  }
0xa1: {  	s23 =	simm.s32 $0x1B8B  }
0xa2: {  	_ =	swait.ge [sflag:s23], $0x1  }
0xa3: {  	[sflag:s23] =	ssyncset.done $0x0  }
0xa4: {  	s25 =	simm.s32 $0x1B8E;
	s24 =	sld [smem:$0x3FFE];
	[sflag:s23] =	ssyncadd.s32 $0xFFFFFFFF  }
0xa5: {  	s26 =	simm.s32 $execute0_lowered;
	[smem:$0x3FD2] =	sst s25  }
0xa6: {  	s4 =	sshll.u32 s26, $0x1;
	_ =	strace $0x80000046;
	[dreg:$0x1] =	wrdreg $0xFFFFFFFF  }
0xa7: {  	s28 =	simm.s32 $_size_execute0_lowered;
	s2 =	sadd.s32 s2, s4;
	[dreg:$0x0] =	wrdreg $0x0  }
0xa8: {  	s4 =	sshll.u32 s28, $0x1;
	[dreg:$0x2] =	wrdreg s2  }
0xa9: {  	[dreg:$0x3] =	wrdreg s4  }
0xaa: {  	[dreg:$0x4] =	wrdreg $0xC0  }
0xab: {  	_ =	task [dreg:s6], $0x5FFFF  }
0xac: {  	[dreg:$0x1] =	wrdreg $0xFFFFFFFF  }
0xad: {  	[dreg:$0x0] =	wrdreg $0x60  }
0xae: {  	[dreg:$0x2] =	wrdreg s24  }
0xaf: {  	[dreg:$0x3] =	wrdreg $0x60800  }
0xb0: {  	[dreg:$0x4] =	wrdreg $0x9  }
0xb1: {  	_ =	task.clear_ibuf [dreg:s6], $0x5FFFF;
	_ =	strace $0x90000046  }
0xb2: {  	s29 =	simm.s32 $0x9;
	_ =	strace $0x80000048  }
0xb3: {  	_ =	swait.ge [sflag:s29], $0x1  }
0xb4: {  	[sflag:s29] =	ssyncadd.s32 $0xFFFFFFFF  }
0xb5: {  	_ =	strace $0x90000048  }
0xb6: {  	_ =	sfence  }
0xb7: {  	s30 =	sld [smem:$0x0];
	_ =	sdelay $0x2  }
0xb8: {  	s31 =	sshll.u32 s1, $0xD;
	s1 =	sshrl.u32 s1, $0x2  }
0xb9: {  	s3 =	sand.u32 $0x4000, s31;
	s1 =	sadd.s32 s1, s30  }
0xba: {  	s0 =	sor.u32 s3, s0;
	s1 =	sshll.u32 s1, $0x11  }
0xbb: {  	s0 =	sor.u32 s1, s0  }
0xbc: {  	s0 =	sadd.s32 $0x8F2B, s0  }
0xbd: {  	[sflag:s0] =	ssyncadd.remote.s32 $0x1  }
0xbe: {  	_ =	sfence.sel $0xFFFF  }
0xbf: {  	[dreg:$0x0] =	wrdreg $0xFFFFFFFF;
	(pc) =	sbr.abs _section_cstart, $3  }
0xc0: {  	[dreg:$0x1] =	wrdreg $0xFFFFFFFF  }
0xc1: {  	_ =	task.clear_ibuf [dreg:s6], $0x2FFFF;
	_ =	strace $0x9FFFFFFF  }
0xc2: {  	(tm) =	ssettm $0x7FFFFFFF  }
0xc3: {  	_ =	shalt  }
tec
execute0_lowered:
.L_overlay_start_1:
0x0: {  	(tag) =	ssettag $0x1  }
0x1: {  	s6 =	rddreg [dreg:$0x0];
	s0 =	stileid.u32  }
0x2: {  	s1 =	srdreg.scid;
	s2 =	rddreg [dreg:$0x1];
	s3 =	simm.s32 $0x0  }
0x3: {  	s19 =	simm.s32 $0x80;
	s20 =	simm.s32 $0x1;
	s21 =	simm.s32 $0x4080  }
0x4: {  	s4 =	smul.u32 $0xA00, s0;
	s12 =	sand.u32 $0x1, s1;
	s1 =	rddreg [dreg:$0x2]  }
0x5: {  	s24 =	simm.s32 $0x0;
	[smem:$0x7FF] =	sst s3;
	s8 =	smul.u32 $0x14000, s0  }
0x6: {  	s5 =	sadd.s32 $0xE000, s6;
	s10 =	smul.u32 $0x50000, s0;
	s30 =	sshll.u32 s0, $0xD  }
0x7: {  	s22 =	sshll.u32 s0, $0x6;
	s7 =	smul.u32 $0x140000, s12;
	_ =	strace $0x80000047  }
0x8: {  	s29 =	ssub.s32 $0x2, s12;
	s18 =	smul.u32 $0x500, s12;
	s22 =	sor.u32 $0x1C01, s22  }
0x9: {  	s17 =	sadd.s32 s4, s6;
	s4 =	sadd.s32 $0xE400, s6;
	s9 =	sshrl.u32 s29, $0x1  }
0xa: {  	s31 =	sshrl.u32 s10, $0x2;
	s7 =	sadd.s32 s8, s7;
	s8 =	ssub.s32 s29, s9  }
0xb: {  	s23 =	sadd.s32 s31, s2;
	s18 =	sadd.s32 s18, s17;
	s7 =	sshrl.u32 s7, $0x3  }
0xc: {  	s8 =	smax.u32 s8, $0x1;
	s18 =	sadd.s32 $0x4000, s18;
	s7 =	sadd.s32 s7, s6  }
0xd: {  	s23 =	sshrl.u32 s23, $0x3;
	s6 =	sadd.s32 s30, s2;
	s7 =	sadd.s32 $0xEC00, s7  }
0xe: {  	s9 =	sadd.s32 $0x20000, s6;
	s10 =	sadd.s32 $0x40000, s6;
	s11 =	sadd.s32 $0x60000, s6  }
0xf: {  	s12 =	sadd.s32 $0x80000, s6;
	s13 =	sadd.s32 $0xA0000, s6;
	s14 =	sadd.s32 $0xC0000, s6  }
0x10: {  	s15 =	sadd.s32 $0xE0000, s6;
	s16 =	sadd.s32 $0x100000, s6;
	s17 =	sadd.s32 $0x120000, s6  }
.LBB2_1:
0x11: {  	[tilespmem:s19], [sflag:$0x1] =	stream.linear.gather [hbm4b:s4+s3], $0x4000, $0x38;
	[tilespmem:$0x1A080] =	vst v63  }
0x12: {  	_ =	swait.ge [sflag:s20], $0x4000  }
0x13: {  	[sflag:s20] =	ssyncset.done $0x0  }
0x14: {  	[sflag:s20] =	ssyncadd.s32 $0xFFFFC000  }
0x15: {  	[tilespmem:s21], [sflag:$0x1] =	stream.linear.gather [hbm4b:s5+s3], $0x2000, $0x38;
	[tilespmem:$0x1A080] =	vst v63  }
0x16: {  	_ =	swait.ge [sflag:s20], $0x2000  }
0x17: {  	[sflag:s20] =	ssyncset.done $0x0  }
0x18: {  	[sflag:s20] =	ssyncadd.s32 $0xFFFFE000  }
0x19: {  	[spmem:s6] =	stream.linear.scatter [tilespmem:s21], [sflag:$0x1], $0x2000, $0x38;
	[tilespmem:$0x1A080] =	vst v63  }
0x1a: {  	_ =	swait.ge [sflag:s20], $0x2000  }
0x1b: {  	[sflag:s20] =	ssyncset.done $0x0  }
0x1c: {  	[sflag:s20] =	ssyncadd.s32 $0xFFFFE000  }
0x1d: {  	[spmem:s9] =	stream.linear.scatter [tilespmem:s21], [sflag:$0x1], $0x2000, $0x38;
	[tilespmem:$0x1A080] =	vst v63  }
0x1e: {  	_ =	swait.ge [sflag:s20], $0x2000  }
0x1f: {  	[sflag:s20] =	ssyncset.done $0x0  }
0x20: {  	[sflag:s20] =	ssyncadd.s32 $0xFFFFE000  }
0x21: {  	[spmem:s10] =	stream.linear.scatter [tilespmem:s21], [sflag:$0x1], $0x2000, $0x38;
	[tilespmem:$0x1A080] =	vst v63  }
0x22: {  	_ =	swait.ge [sflag:s20], $0x2000  }
0x23: {  	[sflag:s20] =	ssyncset.done $0x0  }
0x24: {  	[sflag:s20] =	ssyncadd.s32 $0xFFFFE000  }
0x25: {  	[spmem:s11] =	stream.linear.scatter [tilespmem:s21], [sflag:$0x1], $0x2000, $0x38;
	[tilespmem:$0x1A080] =	vst v63  }
0x26: {  	_ =	swait.ge [sflag:s20], $0x2000  }
0x27: {  	[sflag:s20] =	ssyncset.done $0x0  }
0x28: {  	[sflag:s20] =	ssyncadd.s32 $0xFFFFE000  }
0x29: {  	[spmem:s12] =	stream.linear.scatter [tilespmem:s21], [sflag:$0x1], $0x2000, $0x38;
	[tilespmem:$0x1A080] =	vst v63  }
0x2a: {  	_ =	swait.ge [sflag:s20], $0x2000  }
0x2b: {  	[sflag:s20] =	ssyncset.done $0x0  }
0x2c: {  	[sflag:s20] =	ssyncadd.s32 $0xFFFFE000  }
0x2d: {  	[spmem:s13] =	stream.linear.scatter [tilespmem:s21], [sflag:$0x1], $0x2000, $0x38;
	[tilespmem:$0x1A080] =	vst v63  }
0x2e: {  	_ =	swait.ge [sflag:s20], $0x2000  }
0x2f: {  	[sflag:s20] =	ssyncset.done $0x0  }
0x30: {  	[sflag:s20] =	ssyncadd.s32 $0xFFFFE000  }
0x31: {  	[spmem:s14] =	stream.linear.scatter [tilespmem:s21], [sflag:$0x1], $0x2000, $0x38;
	[tilespmem:$0x1A080] =	vst v63  }
0x32: {  	_ =	swait.ge [sflag:s20], $0x2000  }
0x33: {  	[sflag:s20] =	ssyncset.done $0x0  }
0x34: {  	[sflag:s20] =	ssyncadd.s32 $0xFFFFE000  }
0x35: {  	[spmem:s15] =	stream.linear.scatter [tilespmem:s21], [sflag:$0x1], $0x2000, $0x38;
	[tilespmem:$0x1A080] =	vst v63  }
0x36: {  	_ =	swait.ge [sflag:s20], $0x2000  }
0x37: {  	[sflag:s20] =	ssyncset.done $0x0  }
0x38: {  	[sflag:s20] =	ssyncadd.s32 $0xFFFFE000  }
0x39: {  	[spmem:s16] =	stream.linear.scatter [tilespmem:s21], [sflag:$0x1], $0x2000, $0x38;
	[tilespmem:$0x1A080] =	vst v63  }
0x3a: {  	_ =	swait.ge [sflag:s20], $0x2000  }
0x3b: {  	[sflag:s20] =	ssyncset.done $0x0  }
0x3c: {  	[sflag:s20] =	ssyncadd.s32 $0xFFFFE000  }
0x3d: {  	[spmem:s17] =	stream.linear.scatter [tilespmem:s21], [sflag:$0x1], $0x2000, $0x38;
	[tilespmem:$0x1A080] =	vst v63  }
0x3e: {  	_ =	swait.ge [sflag:s20], $0x2000  }
0x3f: {  	[sflag:s20] =	ssyncset.done $0x0  }
0x40: {  	[sflag:s20] =	ssyncadd.s32 $0xFFFFE000  }
0x41: {  	s25 =	sadd.s32 $0x0, s18;
	[bflag:$0x0] =	sbarrier.arrive $0xFFFF  }
0x42: {  	[tilespmem:s3], [sflag:$0x1] =	stream.linear.gather [hbm4b:s25+s3], $0x80, $0x38;
	[tilespmem:$0x1A080] =	vst v63  }
0x43: {  	_ =	swait.ge [sflag:s20], $0x80  }
0x44: {  	[sflag:s20] =	ssyncset.done $0x0  }
0x45: {  	[sflag:s20] =	ssyncadd.s32 $0xFFFFFF80  }
0x46: {  	[spmem:s2] =	stream.indirect.scatter.add.f32 [tilespmem:s19], [sflag:$0x1], $0x80, s3, s19, $0xb8;
	[tilespmem:$0x1A080] =	vst v63  }
0x47: {  	_ =	swait.ge [sflag:s20], $0x4000  }
0x48: {  	s26 =	simm.s32 $0x20;
	s25 =	simm.s32 $0x10;
	[sflag:s20] =	ssyncset.done $0x0  }
.LBB2_2:
0x49: {  	s28 =	sadd.s32 s25, s18  }
0x4a: {  	[sflag:s20] =	ssyncadd.s32 $0xFFFFC000;
	s25 =	smov.u32 s26;
	s29 =	sadd.s32 $0x10, s26  }
0x4b: {  	[tilespmem:s3], [sflag:$0x1] =	stream.linear.gather [hbm4b:s28+s3], $0x80, $0x38;
	[tilespmem:$0x1A080] =	vst v63  }
0x4c: {  	p0 =	sne.s32 s26, $0x4F0;
	_ =	swait.ge [sflag:s20], $0x80  }
.Ltmp0:
0x4d: {  	[sflag:s20] =	ssyncset.done $0x0;
	(pc) =	sbr.rel @p0 .LBB2_2-.Ltmp0, $4  }
0x4e: {  	[sflag:s20] =	ssyncadd.s32 $0xFFFFFF80  }
0x4f: {  	[spmem:s2] =	stream.indirect.scatter.add.f32 [tilespmem:s19], [sflag:$0x1], $0x80, s3, s19, $0xb8;
	[tilespmem:$0x1A080] =	vst v63  }
0x50: {  	_ =	swait.ge [sflag:s20], $0x4000  }
0x51: {  	s26 =	smov.u32 s29;
	[sflag:s20] =	ssyncset.done $0x0  }
0x52: {  	s25 =	sadd.s32 s25, s18;
	[sflag:s20] =	ssyncadd.s32 $0xFFFFC000  }
0x53: {  	[tilespmem:s3], [sflag:$0x1] =	stream.linear.gather [hbm4b:s25+s3], $0x80, $0x38;
	[tilespmem:$0x1A080] =	vst v63  }
0x54: {  	_ =	swait.ge [sflag:s20], $0x80  }
0x55: {  	[sflag:s20] =	ssyncset.done $0x0  }
0x56: {  	[sflag:s20] =	ssyncadd.s32 $0xFFFFFF80  }
0x57: {  	[spmem:s2] =	stream.indirect.scatter.add.f32 [tilespmem:s19], [sflag:$0x1], $0x80, s3, s19, $0xb8;
	[tilespmem:$0x1A080] =	vst v63  }
0x58: {  	_ =	swait.ge [sflag:s20], $0x4000  }
0x59: {  	s24 =	sadd.s32 $0x1, s24;
	[sflag:s20] =	ssyncset.done $0x0  }
0x5a: {  	p0 =	sne.s32 s24, s8;
	[sflag:s20] =	ssyncadd.s32 $0xFFFFC000  }
.Ltmp1:
0x5b: {  	[bflag:$0x0] =	sbarrier.arrive $0xFFFF;
	(pc) =	sbr.rel @p0 .LBB2_1-.Ltmp1, $4  }
0x5c: {  	[hbm:s7], [sflag:s22] =	dma.local [spmem:s23], $0x2800  }
0x5d: {  	_ =	swait.ge [sflag:s20], $0x2800  }
0x5e: {  	[sflag:s20] =	ssyncset.done $0x0  }
0x5f: {  	[sflag:s20] =	ssyncadd.s32 $0xFFFFD800  }
0x60: {  	_ =	sfence.sel $0x180000  }
0x61: {  	[bflag:$0x0] =	sbarrier.arrive $0xFFFF  }
0x62: {  	p0 =	sne.s32 s0, $0x0;
	_ =	strace $0x90000047  }
0x63: {  	s0 =	sadd.s32 @!p0 $0x100000, s1;
	[bflag:$0x2] =	sbarrier.arrive $0xFFFF  }
0x64: {  	[sflag:s0] =	ssyncadd.tile.s32 @!p0 $0x1;
	_ =	shalt  }
.Lfunc_end2:
_tile_overlayer_lowered:
.L_overlay_start_2:
0x65: {  	(tag) =	ssettag $0x2  }
0x66: {  	s0 =	rddreg [dreg:$0x0];
	s2 =	stileid.u32  }
0x67: {  	s1 =	rddreg [dreg:$0x1];
	p0 =	sne.s32 s2, $0x0  }
0x68: {  	s3 =	rddreg [dreg:$0x2];
	[bflag:$0x3] =	sbarrier.arrive $0xFFFF;
	s2 =	simm.s32 @!p0 $0x1C01  }
0x69: {  	[timem:s3], [sflag:s2] =	dma.local @!p0 [hbm:s0], s1  }
0x6a: {  	s0 =	simm.s32 @!p0 $0x1  }
0x6b: {  	_ =	swait.ge @!p0 [sflag:s0], s1  }
0x6c: {  	s1 =	ssub.s32 @!p0 $0x0, s1;
	[sflag:s0] =	ssyncset.done @!p0 $0x0  }
0x6d: {  	[sflag:s0] =	ssyncadd.s32 @!p0 s1  }
0x6e: {  	[bflag:$0x3] =	sbarrier.arrive $0xFFFF  }
0x6f: {  	_ =	shalt  }

// kernel: kernel.19.cloned.1.call-start
scs
__scs_entry_jumppad:
0x0: {  	(pc) =	sbr.rel $0x88, $3  }
0x1: {  	(tag) =	ssettag $0x0;
	lr =	simm.s32 $0x1  }
0x2: {  	[smem:$0x3F95] =	sst lr;
	_ =	strace $0xD0000000  }
0x3: {  	_ = 	snop  }
0x4: {  	_ = 	snop  }
0x5: {  	_ = 	snop  }
0x6: {  	_ = 	snop  }
0x7: {  	_ = 	snop  }
__scs_overlays_trampoline_lowered:
0x8: {  	[smem:$0x3FA4] =	sst s0  }
0x9: {  	[smem:$0x3FA5] =	sst s1  }
0xa: {  	[smem:$0x3FA6] =	sst s2  }
0xb: {  	[smem:$0x3FA7] =	sst s3  }
0xc: {  	[smem:$0x3FA8] =	sst s4  }
0xd: {  	[smem:$0x3FA9] =	sst s5  }
0xe: {  	[smem:$0x3FAA] =	sst s6  }
0xf: {  	[smem:$0x3FAB] =	sst s7  }
0x10: {  	[smem:$0x3FAC] =	sst s8  }
0x11: {  	[smem:$0x3FAD] =	sst s9;
	s0 =	simm.s32 @!p0 $0x0  }
0x12: {  	s1 =	sld [smem:$0x3F93];
	s0 =	simm.s32 @p0 $0x1  }
0x13: {  	[smem:$0x3FAE] =	sst s0;
	s0 =	simm.s32 @!p1 $0x0  }
0x14: {  	s2 =	sld [smem:$0x3F92];
	s0 =	simm.s32 @p1 $0x1  }
0x15: {  	[smem:$0x3FAF] =	sst s0;
	s0 =	simm.s32 @!p2 $0x0  }
0x16: {  	s3 =	sld [smem:$0x3FDB];
	s0 =	simm.s32 @p2 $0x1  }
0x17: {  	s4 =	simm.s32 $0x1BF5;
	[smem:$0x3FB1] =	sst s0  }
0x18: {  	s0 =	sld [smem:$0x3F94];
	_ =	swait.ge [sflag:s4], $0x0  }
0x19: {  	s7 =	sld [smem:$0x3F95]  }
0x1a: {  	s8 =	sadd.s32 $0xFFFFE003, lr  }
0x1b: {  	s9 =	sadd.s32 $0xFFFFFEF7, lr;
	s5 =	simm.s32 $0xFFFFFFFF;
	p2 =	slt.u32 s8, $0xFFFFF086  }
0x1c: {  	p1 =	slt.u32 s9, $0xF7A;
	s5 =	simm.s32 @!p2 $0x0  }
0x1d: {  	s5 =	simm.s32 @p1 $0x1;
	p0 =	seq.s32 s7, s2  }
0x1e: {  	s7 =	smul.u32 @!p0 $0xF7A, s2;
	p2 =	seq.s32 @!p0 s5, $0x0  }
0x1f: {  	s9 =	smul.u32 $0xF7A, s1;
	s8 =	simm.s32 @!p0 $0x1BF5;
	p2 =	por !p2, p0  }
0x20: {  	[sflag:s8] =	ssyncset.s32 @!p0 $0xFFFFF086;
	s6 =	sadd.s32 @!p0 s3, s7;
	s7 =	simm.s32 @!p0 $0x108  }
0x21: {  	s3 =	sadd.s32 s3, s9;
	s6 =	sadd.s32 @!p0 $0x88, s6;
	s7 =	simm.s32 @p2 $0x1082  }
0x22: {  	[simem:s7], [sflag:s8] =	dma.local @!p0 [hbm:s6], $0xF7A  }
0x23: {  	s9 =	sor.u32 $0xD0000000, s2;
	s6 =	simm.s32 $0x108;
	_ =	swait.ge @!p0 [sflag:s8], $0x0  }
0x24: {  	s3 =	sadd.s32 $0x88, s3;
	s6 =	simm.s32 @!p1 $0x1082;
	[sflag:s4] =	ssyncset.s32 $0xFFFFF086  }
0x25: {  	[simem:s6], [sflag:s4] =	dma.local [hbm:s3], $0xF7A  }
0x26: {  	[smem:$0x3F95] =	sst s1;
	(tag) =	ssettag s2;
	_ =	strace s9  }
0x27: {  	s1 =	sld [smem:$0x3FA5]  }
0x28: {  	s2 =	sld [smem:$0x3FA6]  }
0x29: {  	s4 =	sld [smem:$0x3FA8]  }
0x2a: {  	p0 =	seq.s32 s5, $0x0;
	s5 =	sld [smem:$0x3FA9]  }
0x2b: {  	s6 =	sld [smem:$0x3FAA]  }
0x2c: {  	s7 =	sld [smem:$0x3FAB]  }
0x2d: {  	s3 =	simm.s32 $0x108;
	s8 =	sld [smem:$0x3FAC]  }
0x2e: {  	s3 =	simm.s32 @!p0 $0x1082;
	s9 =	sld [smem:$0x3FAD]  }
0x2f: {  	lr =	sadd.s32 s0, s3;
	s0 =	sld [smem:$0x3FA4]  }
0x30: {  	s3 =	sld [smem:$0x3FA7]  }
0x31: {  	[smem:$0x3FB0] =	sst s10  }
0x32: {  	s10 =	sld [smem:$0x3FAE];
	_ =	sdelay $0x3  }
0x33: {  	p0 =	seq.s32 s10, $0x1;
	s10 =	sld [smem:$0x3FB0];
	_ =	sdelay $0x3  }
0x34: {  	[smem:$0x3FB0] =	sst s10  }
0x35: {  	s10 =	sld [smem:$0x3FAF];
	_ =	sdelay $0x3  }
0x36: {  	p1 =	seq.s32 s10, $0x1;
	s10 =	sld [smem:$0x3FB0];
	_ =	sdelay $0x3  }
0x37: {  	[smem:$0x3FB0] =	sst s10  }
0x38: {  	s10 =	sld [smem:$0x3FB1]  }
0x39: {  	_ = 	snop;
	(pc) =	sbr.ind lr, $3  }
0x3a: {  	_ = 	snop  }
0x3b: {  	_ = 	snop  }
0x3c: {  	p2 =	seq.s32 s10, $0x1;
	s10 =	sld [smem:$0x3FB0]  }
0x3d: {  	_ =	shalt  }
0x3e: {  	_ =	shalt  }
0x3f: {  	_ =	shalt  }
0x40: {  	_ =	shalt  }
0x41: {  	_ =	shalt  }
0x42: {  	_ =	shalt  }
0x43: {  	_ =	shalt  }
0x44: {  	_ =	shalt  }
0x45: {  	_ =	shalt  }
0x46: {  	_ =	shalt  }
0x47: {  	_ =	shalt  }
0x48: {  	_ =	shalt  }
0x49: {  	_ =	shalt  }
0x4a: {  	_ =	shalt  }
0x4b: {  	_ =	shalt  }
0x4c: {  	_ =	shalt  }
0x4d: {  	_ =	shalt  }
0x4e: {  	_ =	shalt  }
0x4f: {  	_ =	shalt  }
0x50: {  	_ =	shalt  }
0x51: {  	_ =	shalt  }
0x52: {  	_ =	shalt  }
0x53: {  	_ =	shalt  }
0x54: {  	_ =	shalt  }
0x55: {  	_ =	shalt  }
0x56: {  	_ =	shalt  }
0x57: {  	_ =	shalt  }
0x58: {  	_ =	shalt  }
0x59: {  	_ =	shalt  }
0x5a: {  	_ =	shalt  }
0x5b: {  	_ =	shalt  }
0x5c: {  	_ =	shalt  }
0x5d: {  	_ =	shalt  }
0x5e: {  	_ =	shalt  }
0x5f: {  	_ =	shalt  }
0x60: {  	_ =	shalt  }
0x61: {  	_ =	shalt  }
0x62: {  	_ =	shalt  }
0x63: {  	_ =	shalt  }
0x64: {  	_ =	shalt  }
0x65: {  	_ =	shalt  }
0x66: {  	_ =	shalt  }
0x67: {  	_ =	shalt  }
0x68: {  	_ =	shalt  }
0x69: {  	_ =	shalt  }
0x6a: {  	_ =	shalt  }
0x6b: {  	_ =	shalt  }
0x6c: {  	_ =	shalt  }
0x6d: {  	_ =	shalt  }
0x6e: {  	_ =	shalt  }
0x6f: {  	_ =	shalt  }
0x70: {  	_ =	shalt  }
0x71: {  	_ =	shalt  }
0x72: {  	_ =	shalt  }
0x73: {  	_ =	shalt  }
0x74: {  	_ =	shalt  }
0x75: {  	_ =	shalt  }
0x76: {  	_ =	shalt  }
0x77: {  	_ =	shalt  }
0x78: {  	_ =	shalt  }
0x79: {  	_ =	shalt  }
0x7a: {  	_ =	shalt  }
0x7b: {  	_ =	shalt  }
0x7c: {  	_ =	shalt  }
0x7d: {  	_ =	shalt  }
0x7e: {  	_ =	shalt  }
0x7f: {  	_ =	shalt  }
0x80: {  	_ =	shalt  }
0x81: {  	_ =	shalt  }
0x82: {  	_ =	shalt  }
0x83: {  	_ =	shalt  }
0x84: {  	_ =	shalt  }
0x85: {  	_ =	shalt  }
0x86: {  	_ =	shalt  }
0x87: {  	_ =	shalt  }
.Lfunc_end0:
.L_simem_size_0:
called_computation.1_lowered:
.L_overlay_start_0:
0x88: {  	s2 =	sld [smem:$0x3FD9]  }
0x89: {  	s3 =	sld [smem:$0x3FFE];
	_ =	sdelay $0x1  }
0x8a: {  	s1 =	srdreg.scid  }
0x8b: {  	s0 =	sand.u32 $0x1, s1  }
0x8c: {  	s17 =	sshll.u32 s0, $0xA;
	s2 =	sadd.s32 s3, s2  }
0x8d: {  	s2 =	sadd.s32 s2, s17  }
0x8e: {  	[smem:$0x3FBC] =	sst s2  }
0x8f: {  	_ = 	snop  }
0x90: {  	s18 =	sld [smem:$0x3FC7];
	(tm) =	ssettm $0x1  }
0x91: {  	s19 =	sld [smem:$0x3FFB];
	_ =	sdelay $0x3  }
0x92: {  	_ =	strace s19  }
0x93: {  	s2 =	sld [smem:$0x3FFC];
	_ =	sdelay $0x3  }
0x94: {  	_ =	strace s2  }
0x95: {  	s2 =	sld [smem:$0x3FFD];
	_ =	sdelay $0x3  }
0x96: {  	_ =	strace s2  }
0x97: {  	_ =	strace $0x8FFFFFFF  }
0x98: {  	s20 =	sld [smem:$0x3FDB];
	_ =	sdelay $0x1  }
0x99: {  	s4 =	simm.s32 $_scs_section_size  }
0x9a: {  	s5 =	simm.s32 $_size__tile_overlayer_lowered;
	s6 =	simm.s32 $_tile_overlayer_lowered  }
0x9b: {  	s7 =	simm.s32 $0x1BFF;
	s21 =	sshll.u32 s6, $0x1;
	s4 =	sadd.s32 s4, s20  }
0x9c: {  	s22 =	simm.s32 $0x0;
	s5 =	sshll.u32 s5, $0x1;
	s6 =	sadd.s32 s21, s4  }
0x9d: {  	[timem:s22], [sflag:s7] =	dma.local [hbm:s6], s5  }
0x9e: {  	_ =	swait.ge [sflag:s7], s5  }
0x9f: {  	s5 =	ssub.s32 $0x0, s5;
	[sflag:s7] =	ssyncset.done $0x0  }
0xa0: {  	[sflag:s7] =	ssyncadd.s32 s5;
	_ =	sdelay $0x1  }
0xa1: {  	s23 =	simm.s32 $0x1B8B  }
0xa2: {  	_ =	swait.ge [sflag:s23], $0x1  }
0xa3: {  	[sflag:s23] =	ssyncset.done $0x0  }
0xa4: {  	[sflag:s23] =	ssyncadd.s32 $0xFFFFFFFF  }
0xa5: {  	s5 =	sld [smem:$0x0]  }
0xa6: {  	s6 =	sand.u32 $0xFFFFFFFE, s1  }
0xa7: {  	p0 =	sne.s32 s1, s6  }
0xa8: {  	s6 =	sshll.u32 @p0 s6, $0xE  }
0xa9: {  	s6 =	sadd.s32 @p0 $0x11B8D, s6;
	s7 =	sshll.u32 @p0 s5, $0x11  }
0xaa: {  	s6 =	sor.u32 @p0 s7, s6  }
0xab: {  	[sflag:s6] =	ssyncadd.remote.s32 @p0 $0x1;
	_ =	sdelay $0x1  }
0xac: {  	s6 =	simm.s32 @p0 $0x1B8D  }
0xad: {  	_ =	swait.eq @p0 [sflag:s6], $0x1  }
0xae: {  	[sflag:s6] =	ssyncadd.s32 @p0 $0xFFFFFFFF  }
0xaf: {  	s7 =	sshll.u32 @!p0 s1, $0xE  }
0xb0: {  	s7 =	sor.u32 @!p0 $0x4000, s7;
	s6 =	simm.s32 @!p0 $0x1B8D  }
0xb1: {  	s5 =	sshll.u32 @!p0 s5, $0x11;
	s7 =	sadd.s32 @!p0 $0x11B8D, s7;
	_ =	swait.eq @!p0 [sflag:s6], $0x1  }
0xb2: {  	s5 =	sor.u32 @!p0 s5, s7;
	[sflag:s6] =	ssyncadd.s32 @!p0 $0xFFFFFFFF  }
0xb3: {  	s25 =	simm.s32 $0x1B8E;
	s24 =	sld [smem:$0x3FFE];
	[sflag:s5] =	ssyncadd.remote.s32 @!p0 $0x1  }
0xb4: {  	s26 =	simm.s32 $execute0_lowered;
	[smem:$0x3FD2] =	sst s25  }
0xb5: {  	s6 =	sshll.u32 s26, $0x1;
	_ =	strace $0x8000004C;
	[dreg:$0x1] =	wrdreg $0xFFFFFFFF  }
0xb6: {  	s28 =	simm.s32 $_size_execute0_lowered;
	s4 =	sadd.s32 s4, s6;
	[dreg:$0x0] =	wrdreg $0x0  }
0xb7: {  	s6 =	sshll.u32 s28, $0x1;
	[dreg:$0x2] =	wrdreg s4  }
0xb8: {  	[dreg:$0x3] =	wrdreg s6  }
0xb9: {  	[dreg:$0x4] =	wrdreg $0xC0  }
0xba: {  	_ =	task [dreg:s22], $0x5FFFF  }
0xbb: {  	[dreg:$0x1] =	wrdreg $0xFFFFFFFF  }
0xbc: {  	[dreg:$0x0] =	wrdreg $0x60  }
0xbd: {  	[dreg:$0x2] =	wrdreg s24  }
0xbe: {  	[dreg:$0x3] =	wrdreg s18  }
0xbf: {  	[dreg:$0x4] =	wrdreg $0x9  }
0xc0: {  	_ =	task.clear_ibuf [dreg:s22], $0x5FFFF;
	_ =	strace $0x9000004C  }
0xc1: {  	s29 =	simm.s32 $0x9;
	_ =	strace $0x8000004E  }
0xc2: {  	_ =	swait.ge [sflag:s29], $0x1  }
0xc3: {  	[sflag:s29] =	ssyncadd.s32 $0xFFFFFFFF  }
0xc4: {  	_ =	strace $0x9000004E  }
0xc5: {  	_ =	sfence  }
0xc6: {  	s30 =	sld [smem:$0x0];
	_ =	sdelay $0x2  }
0xc7: {  	s31 =	sshll.u32 s1, $0xD;
	s1 =	sshrl.u32 s1, $0x2  }
0xc8: {  	s4 =	sand.u32 $0x4000, s31;
	s1 =	sadd.s32 s1, s30  }
0xc9: {  	s0 =	sor.u32 s4, s0;
	s1 =	sshll.u32 s1, $0x11  }
0xca: {  	s0 =	sor.u32 s1, s0  }
0xcb: {  	s0 =	sadd.s32 $0x8F2B, s0  }
0xcc: {  	[sflag:s0] =	ssyncadd.remote.s32 $0x1  }
0xcd: {  	_ =	sfence.sel $0xFFFF  }
0xce: {  	[dreg:$0x0] =	wrdreg $0xFFFFFFFF;
	(pc) =	sbr.abs _section_cstart, $3  }
0xcf: {  	[dreg:$0x1] =	wrdreg $0xFFFFFFFF  }
0xd0: {  	_ =	task.clear_ibuf [dreg:s22], $0x2FFFF;
	_ =	strace $0x9FFFFFFF  }
0xd1: {  	(tm) =	ssettm $0x7FFFFFFF  }
tec
execute0_lowered:
.L_overlay_start_1:
0x0: {  	(tag) =	ssettag $0x1  }
0x1: {  	s1 =	srdreg.scid  }
0x2: {  	s0 =	stileid.u32;
	s6 =	rddreg [dreg:$0x0]  }
0x3: {  	s2 =	rddreg [dreg:$0x1];
	s3 =	simm.s32 $0x0;
	s13 =	simm.s32 $0x500  }
0x4: {  	s14 =	simm.s32 $0x5500;
	s15 =	simm.s32 $0x2D00;
	s17 =	simm.s32 $0x1  }
0x5: {  	s18 =	simm.s32 $0x80;
	s19 =	simm.s32 $0x7D00;
	s20 =	simm.s32 $0x0  }
0x6: {  	s7 =	sand.u32 $0x1, s1;
	s4 =	smul.u32 $0x5000, s0;
	s1 =	rddreg [dreg:$0x2]  }
0x7: {  	s8 =	sshll.u32 s0, $0x1;
	[smem:$0x7FF] =	sst s3;
	s5 =	smul.u32 $0x2800, s7  }
0x8: {  	s16 =	sor.u32 s7, s8;
	_ =	strace $0x8000004D;
	s10 =	ssub.s32 $0x2, s7  }
0x9: {  	s8 =	smul.u32 $0x2800, s16;
	s9 =	sshll.u32 s16, $0x4;
	s11 =	sshrl.u32 s10, $0x1  }
0xa: {  	p0 =	sne.s32 s16, $0x0;
	s16 =	simm.s32 $0x300;
	s4 =	sadd.s32 s5, s4  }
0xb: {  	s5 =	sadd.s32 $0xE400, s6;
	s9 =	sadd.s32 s9, s6;
	s10 =	ssub.s32 s10, s11  }
0xc: {  	s4 =	sshrl.u32 s4, $0x3;
	s8 =	sshrl.u32 s8, $0x3;
	s9 =	sadd.s32 $0xEA00, s9  }
0xd: {  	s12 =	sadd.s32 s4, s6;
	s4 =	sadd.s32 $0x158C00, s6;
	s8 =	sadd.s32 s8, s6  }
0xe: {  	s10 =	smax.u32 s10, $0x1;
	s6 =	sadd.s32 $0x16D200, s6;
	s7 =	sadd.s32 $0x163200, s8  }
0xf: {  	v0 =	vlaneseq.u32;
	s8 =	sadd.s32 $0x159200, s8;
	s11 =	sadd.s32 $0x4000, s12;
	s12 =	sadd.s32 $0x5EC00, s12  }
.LBB2_1:
0x10: {  	[tilespmem:s13], [sflag:$0x1] =	stream.linear.gather [hbm4b:s4+s3], $0x2800, $0x38;
	[tilespmem:$0x7D80] =	vst v63  }
0x11: {  	_ =	swait.ge [sflag:s17], $0x2800  }
0x12: {  	[sflag:s17] =	ssyncset.done $0x0  }
0x13: {  	s21 =	simm.s32 $0x100;
	[sflag:s17] =	ssyncadd.s32 $0xFFFFD800  }
0x14: {  	[tilespmem:s21], [sflag:$0x1] =	stream.linear.gather [hbm4b:s2+s3], $0x200, $0x38;
	[tilespmem:$0x7D80] =	vst v63  }
0x15: {  	_ =	swait.ge [sflag:s17], $0x200  }
0x16: {  	[sflag:s17] =	ssyncset.done $0x0  }
0x17: {  	[sflag:s17] =	ssyncadd.s32 $0xFFFFFE00  }
0x18: {  	[tilespmem:s14], [sflag:$0x1] =	stream.linear.gather [hbm4b:s5+s3], $0x2800, $0x38;
	[tilespmem:$0x7D80] =	vst v63  }
0x19: {  	_ =	swait.ge [sflag:s17], $0x2800  }
0x1a: {  	[sflag:s17] =	ssyncset.done $0x0  }
0x1b: {  	[sflag:s17] =	ssyncadd.s32 $0xFFFFD800  }
0x1c: {  	[tilespmem:s15], [sflag:$0x1] =	stream.linear.gather [hbm4b:s4+s3], $0x2800, $0x38;
	[tilespmem:$0x7D80] =	vst v63  }
0x1d: {  	_ =	swait.ge [sflag:s17], $0x2800  }
0x1e: {  	[sflag:s17] =	ssyncset.done $0x0  }
0x1f: {  	[sflag:s17] =	ssyncadd.s32 $0xFFFFD800  }
0x20: {  	s22 =	simm.s32 $0x11;
	s23 =	simm.s32 $0x1;
	v1 =	vld [tilespmem:s21+$0x0]  }
.LBB2_2:
0x21: {  	p1 =	sne.s32 s22, $0x1F1;
	_ =	sdelay $0x3  }
.Ltmp0:
0x22: {  	(pc) =	sbr.rel @p1 .LBB2_2-.Ltmp0, $4  }
0x23: {  	_ = 	snop  }
0x24: {  	v2 =	vadd.s32 s23, v0;
	s23 =	smov.u32 s22  }
0x25: {  	s21 =	sadd.s32 $0x10, s21;
	[tilespmem:v1+s13+$0x0] =	vst.idx.msk $0xffff, v2  }
0x26: {  	s22 =	sadd.s32 $0x10, s22;
	v1 =	vld [tilespmem:s21+$0x0]  }
0x27: {  	_ =	sdelay $0x3  }
.Ltmp1:
0x28: {  	_ = 	snop;
	(pc) =	sbr.rel @p0 .LBB2_7-.Ltmp1, $3  }
0x29: {  	_ =	sdelay $0x1  }
0x2a: {  	v2 =	vadd.s32 s23, v0  }
0x2b: {  	[tilespmem:v1+s13+$0x0] =	vst.idx.msk $0xffff, v2  }
0x2c: {  	s21 =	simm.s32 $0x0  }
0x2d: {  	v1 =	vld [tilespmem:s21+$0x100];
	_ =	sdelay $0x7  }
0x2e: {  	s22 =	simm.s32 $0x10;
	s23 =	simm.s32 $0x80;
	v1 =	vld.idx.msk [tilespmem:v1+s13+$0x0], $0xffff  }
.LBB2_5:
0x2f: {  	p1 =	sne.s32 s23, $0x7C0;
	v2 =	vld [tilespmem:s22+$0x100];
	_ =	sdelay $0x3  }
.Ltmp2:
0x30: {  	(pc) =	sbr.rel @p1 .LBB2_5-.Ltmp2, $3  }
0x31: {  	v1 =	vadd.s32 $0xFFFFFFFF, v1  }
0x32: {  	[tilespmem:s21+$0x300] =	vst v1;
	s21 =	smov.u32 s22;
	_ =	sdelay $0x1  }
0x33: {  	s22 =	sshra.s32 s23, $0x2;
	s23 =	sadd.s32 $0x40, s23;
	v1 =	vld.idx.msk [tilespmem:v2+s13+$0x0], $0xffff  }
0x34: {  	v2 =	vld [tilespmem:s22+$0x100];
	_ =	sdelay $0x5  }
0x35: {  	v1 =	vadd.s32 $0xFFFFFFFF, v1  }
0x36: {  	[tilespmem:s21+$0x300] =	vst v1  }
0x37: {  	v1 =	vld.idx.msk [tilespmem:v2+s13+$0x0], $0xffff;
	_ =	sdelay $0x4  }
0x38: {  	v1 =	vadd.s32 $0xFFFFFFFF, v1  }
0x39: {  	[tilespmem:s22+$0x300] =	vst v1  }
0x3a: {  	[hbm4b:s6+s3] =	stream.linear.scatter [tilespmem:s16], [sflag:$0x1], $0x200, $0x38;
	[tilespmem:$0x7D80] =	vst v63  }
0x3b: {  	_ =	swait.ge [sflag:s17], $0x200  }
0x3c: {  	[sflag:s17] =	ssyncset.done $0x0  }
0x3d: {  	[sflag:s17] =	ssyncadd.s32 $0xFFFFFE00  }
.LBB2_7:
0x3e: {  	s21 =	sadd.s32 $0x0, s12  }
0x3f: {  	[tilespmem:s3], [sflag:$0x1] =	stream.linear.gather [hbm4b:s21+s3], $0x80, $0x38;
	[tilespmem:$0x7D80] =	vst v63  }
0x40: {  	_ =	swait.ge [sflag:s17], $0x80  }
0x41: {  	[sflag:s17] =	ssyncset.done $0x0  }
0x42: {  	s31 =	sadd.s32 $0x0, s11;
	[sflag:s17] =	ssyncadd.s32 $0xFFFFFF80  }
0x43: {  	[tilespmem:s18], [sflag:$0x1] =	stream.linear.gather [hbm4b:s31+s3], $0x80, $0x38;
	[tilespmem:$0x7D80] =	vst v63  }
0x44: {  	_ =	swait.ge [sflag:s17], $0x80  }
0x45: {  	[sflag:s17] =	ssyncset.done $0x0  }
0x46: {  	[sflag:s17] =	ssyncadd.s32 $0xFFFFFF80  }
0x47: {  	v1 =	vld [tilespmem:$0x80];
	_ =	sdelay $0x7  }
0x48: {  	v1 =	vld.idx.msk [tilespmem:v1+s13+$0x0], $0xffff;
	_ =	sdelay $0x1  }
0x49: {  	v2 =	vld [tilespmem:$0x0];
	_ =	sdelay $0x2  }
0x4a: {  	s22 =	simm.s32 $0x0;
	vm0 =	vgt.s32 v1, $0x0;
	v1 =	vadd.s32 $0xFFFFFFFF, v1  }
0x4b: {  	[tilespmem:s22+$0x5500] =	vst.msk vm0, v1;
	v1 =	vmpcnt.ones.xlane vm0  }
0x4c: {  	[tilespmem:s22+$0x2D00] =	vst.msk vm0, v2  }
0x4d: {  	v1 =	vxor.u32 $0x80000000, v1;
	v2 =	vld [tilespmem:$0x90]  }
0x4e: {  	(xrf0) =	vmax.scan.msk.u32 $0xffff, v1;
	_ =	sdelay $0x5  }
0x4f: {  	v1, _, _ =	vpop (xrf0)  }
0x50: {  	v2 =	vld.idx.msk [tilespmem:v2+s13+$0x0], $0xffff;
	(v2sf) =	vpush v1, $0xF;
	_ =	sdelay $0x4  }
0x51: {  	vm9 =	vgt.s32 v2, $0x0  }
0x52: {  	v1 =	vmpcnt.ones.xlane vm9;
	_ =	sdelay $0x1  }
0x53: {  	v1 =	vxor.u32 $0x80000000, v1  }
0x54: {  	(xrf0) =	vmax.scan.msk.u32 $0xffff, v1;
	_ =	sdelay $0x4  }
0x55: {  	v1 =	vld [tilespmem:$0x10]  }
0x56: {  	s23 =	spop (v2sf);
	v3, _, _ =	vpop (xrf0)  }
0x57: {  	s21 =	sadd.s32 $0x0, s23;
	(v2sf) =	vpush v3, $0xF  }
0x58: {  	v2 =	vadd.s32 $0xFFFFFFFF, v2;
	s21 =	sadd.s32 $0x80000000, s21  }
0x59: {  	[tilespmem:s21+$0x5500] =	vst.msk vm9, v2  }
0x5a: {  	[tilespmem:s21+$0x2D00] =	vst.msk vm9, v1  }
0x5b: {  	v1 =	vld [tilespmem:$0xA0];
	_ =	sdelay $0x7  }
0x5c: {  	v1 =	vld.idx.msk [tilespmem:v1+s13+$0x0], $0xffff;
	_ =	sdelay $0x1  }
0x5d: {  	v2 =	vld [tilespmem:$0x20]  }
0x5e: {  	s22 =	spop (v2sf)  }
0x5f: {  	s21 =	sadd.s32 s22, s21  }
0x60: {  	s21 =	sadd.s32 $0x80000000, s21;
	vm10 =	vgt.s32 v1, $0x0;
	v1 =	vadd.s32 $0xFFFFFFFF, v1  }
0x61: {  	[tilespmem:s21+$0x5500] =	vst.msk vm10, v1;
	v1 =	vmpcnt.ones.xlane vm10  }
0x62: {  	[tilespmem:s21+$0x2D00] =	vst.msk vm10, v2  }
0x63: {  	v1 =	vxor.u32 $0x80000000, v1;
	v2 =	vld [tilespmem:$0xB0]  }
0x64: {  	(xrf0) =	vmax.scan.msk.u32 $0xffff, v1;
	_ =	sdelay $0x5  }
0x65: {  	v1, _, _ =	vpop (xrf0)  }
0x66: {  	v2 =	vld.idx.msk [tilespmem:v2+s13+$0x0], $0xffff;
	(v2sf) =	vpush v1, $0xF;
	_ =	sdelay $0x4  }
0x67: {  	vm11 =	vgt.s32 v2, $0x0  }
0x68: {  	v1 =	vmpcnt.ones.xlane vm11;
	_ =	sdelay $0x1  }
0x69: {  	v1 =	vxor.u32 $0x80000000, v1  }
0x6a: {  	(xrf0) =	vmax.scan.msk.u32 $0xffff, v1;
	_ =	sdelay $0x4  }
0x6b: {  	v1 =	vld [tilespmem:$0x30]  }
0x6c: {  	s24 =	spop (v2sf);
	v3, _, _ =	vpop (xrf0)  }
0x6d: {  	s21 =	sadd.s32 s24, s21;
	(v2sf) =	vpush v3, $0xF  }
0x6e: {  	v2 =	vadd.s32 $0xFFFFFFFF, v2;
	s21 =	sadd.s32 $0x80000000, s21  }
0x6f: {  	[tilespmem:s21+$0x5500] =	vst.msk vm11, v2  }
0x70: {  	[tilespmem:s21+$0x2D00] =	vst.msk vm11, v1  }
0x71: {  	v1 =	vld [tilespmem:$0xC0];
	_ =	sdelay $0x7  }
0x72: {  	v1 =	vld.idx.msk [tilespmem:v1+s13+$0x0], $0xffff;
	_ =	sdelay $0x1  }
0x73: {  	v2 =	vld [tilespmem:$0x40]  }
0x74: {  	s25 =	spop (v2sf)  }
0x75: {  	s21 =	sadd.s32 s25, s21  }
0x76: {  	s21 =	sadd.s32 $0x80000000, s21;
	vm12 =	vgt.s32 v1, $0x0;
	v1 =	vadd.s32 $0xFFFFFFFF, v1  }
0x77: {  	[tilespmem:s21+$0x5500] =	vst.msk vm12, v1;
	v1 =	vmpcnt.ones.xlane vm12  }
0x78: {  	[tilespmem:s21+$0x2D00] =	vst.msk vm12, v2  }
0x79: {  	v1 =	vxor.u32 $0x80000000, v1;
	v2 =	vld [tilespmem:$0xD0]  }
0x7a: {  	(xrf0) =	vmax.scan.msk.u32 $0xffff, v1;
	_ =	sdelay $0x5  }
0x7b: {  	v1, _, _ =	vpop (xrf0)  }
0x7c: {  	v2 =	vld.idx.msk [tilespmem:v2+s13+$0x0], $0xffff;
	(v2sf) =	vpush v1, $0xF;
	_ =	sdelay $0x4  }
0x7d: {  	vm13 =	vgt.s32 v2, $0x0  }
0x7e: {  	v1 =	vmpcnt.ones.xlane vm13;
	_ =	sdelay $0x1  }
0x7f: {  	v1 =	vxor.u32 $0x80000000, v1  }
0x80: {  	(xrf0) =	vmax.scan.msk.u32 $0xffff, v1;
	_ =	sdelay $0x4  }
0x81: {  	v1 =	vld [tilespmem:$0x50]  }
0x82: {  	s26 =	spop (v2sf);
	v3, _, _ =	vpop (xrf0)  }
0x83: {  	s21 =	sadd.s32 s26, s21;
	(v2sf) =	vpush v3, $0xF  }
0x84: {  	v2 =	vadd.s32 $0xFFFFFFFF, v2;
	s21 =	sadd.s32 $0x80000000, s21  }
0x85: {  	[tilespmem:s21+$0x5500] =	vst.msk vm13, v2  }
0x86: {  	[tilespmem:s21+$0x2D00] =	vst.msk vm13, v1  }
0x87: {  	v1 =	vld [tilespmem:$0xE0];
	_ =	sdelay $0x7  }
0x88: {  	v1 =	vld.idx.msk [tilespmem:v1+s13+$0x0], $0xffff;
	_ =	sdelay $0x1  }
0x89: {  	v2 =	vld [tilespmem:$0x60]  }
0x8a: {  	s28 =	spop (v2sf)  }
0x8b: {  	s21 =	sadd.s32 s28, s21  }
0x8c: {  	s21 =	sadd.s32 $0x80000000, s21;
	vm14 =	vgt.s32 v1, $0x0;
	v1 =	vadd.s32 $0xFFFFFFFF, v1  }
0x8d: {  	[tilespmem:s21+$0x5500] =	vst.msk vm14, v1  }
0x8e: {  	[tilespmem:s21+$0x2D00] =	vst.msk vm14, v2  }
0x8f: {  	v2 =	vmpcnt.ones.xlane vm14;
	v1 =	vld [tilespmem:$0xF0];
	_ =	sdelay $0x1  }
0x90: {  	v2 =	vxor.u32 $0x80000000, v2  }
0x91: {  	(xrf0) =	vmax.scan.msk.u32 $0xffff, v2;
	_ =	sdelay $0x4  }
0x92: {  	v1 =	vld.idx.msk [tilespmem:v1+s13+$0x0], $0xffff  }
0x93: {  	v2, _, _ =	vpop (xrf0)  }
0x94: {  	(v2sf) =	vpush v2, $0xF;
	_ =	sdelay $0x2  }
0x95: {  	vm15 =	vgt.s32 v1, $0x0  }
0x96: {  	v2 =	vmpcnt.ones.xlane vm15;
	_ =	sdelay $0x1  }
0x97: {  	v2 =	vxor.u32 $0x80000000, v2  }
0x98: {  	(xrf0) =	vmax.scan.msk.u32 $0xffff, v2;
	_ =	sdelay $0x5  }
0x99: {  	v2, _, _ =	vpop (xrf0)  }
0x9a: {  	(v2sf) =	vpush v2, $0xF;
	v2 =	vld [tilespmem:$0x70]  }
0x9b: {  	s29 =	spop (v2sf)  }
0x9c: {  	s21 =	sadd.s32 s29, s21  }
0x9d: {  	v1 =	vadd.s32 $0xFFFFFFFF, v1;
	s22 =	sadd.s32 $0x80000000, s21  }
0x9e: {  	[tilespmem:s22+$0x5500] =	vst.msk vm15, v1  }
0x9f: {  	s30 =	sadd.s32 $0x10, s12;
	[tilespmem:s22+$0x2D00] =	vst.msk vm15, v2  }
0xa0: {  	[tilespmem:s3], [sflag:$0x1] =	stream.linear.gather [hbm4b:s30+s3], $0x80, $0x38;
	[tilespmem:$0x7D80] =	vst v63  }
0xa1: {  	_ =	swait.ge [sflag:s17], $0x80  }
0xa2: {  	[sflag:s17] =	ssyncset.done $0x0  }
0xa3: {  	s31 =	sadd.s32 $0x10, s11;
	[sflag:s17] =	ssyncadd.s32 $0xFFFFFF80  }
0xa4: {  	[tilespmem:s18], [sflag:$0x1] =	stream.linear.gather [hbm4b:s31+s3], $0x80, $0x38;
	[tilespmem:$0x7D80] =	vst v63  }
0xa5: {  	_ =	swait.ge [sflag:s17], $0x80  }
0xa6: {  	[sflag:s17] =	ssyncset.done $0x0  }
0xa7: {  	[sflag:s17] =	ssyncadd.s32 $0xFFFFFF80  }
0xa8: {  	v1 =	vld [tilespmem:$0x80];
	_ =	sdelay $0x2  }
0xa9: {  	s23 =	spop (v2sf)  }
0xaa: {  	s21 =	simm.s32 $0x20;
	s22 =	sadd.s32 s23, s22  }
.LBB2_8:
0xab: {  	p1 =	sne.s32 s21, $0x4F0  }
0xac: {  	s23 =	sadd.s32 $0x80000000, s22;
	s22 =	smov.u32 s21;
	s21 =	sadd.s32 $0x10, s21  }
0xad: {  	_ = 	snop  }
0xae: {  	v1 =	vld.idx.msk [tilespmem:v1+s13+$0x0], $0xffff;
	_ =	sdelay $0x2  }
0xaf: {  	v2 =	vld [tilespmem:$0x0];
	_ =	sdelay $0x2  }
0xb0: {  	vm0 =	vgt.s32 v1, $0x0;
	v1 =	vadd.s32 $0xFFFFFFFF, v1  }
0xb1: {  	[tilespmem:s23+$0x5500] =	vst.msk vm0, v1;
	v1 =	vmpcnt.ones.xlane vm0  }
0xb2: {  	[tilespmem:s23+$0x2D00] =	vst.msk vm0, v2  }
0xb3: {  	v1 =	vxor.u32 $0x80000000, v1;
	v2 =	vld [tilespmem:$0x90]  }
0xb4: {  	(xrf0) =	vmax.scan.msk.u32 $0xffff, v1;
	_ =	sdelay $0x5  }
0xb5: {  	v1, _, _ =	vpop (xrf0)  }
0xb6: {  	v2 =	vld.idx.msk [tilespmem:v2+s13+$0x0], $0xffff;
	(v2sf) =	vpush v1, $0xF;
	_ =	sdelay $0x5  }
0xb7: {  	vm0 =	vgt.s32 v2, $0x0  }
0xb8: {  	v1 =	vmpcnt.ones.xlane vm0;
	_ =	sdelay $0x1  }
0xb9: {  	v1 =	vxor.u32 $0x80000000, v1  }
0xba: {  	(xrf0) =	vmax.scan.msk.u32 $0xffff, v1;
	_ =	sdelay $0x3  }
0xbb: {  	v1 =	vld [tilespmem:$0x10]  }
0xbc: {  	s24 =	spop (v2sf)  }
0xbd: {  	s23 =	sadd.s32 s24, s23;
	v3, _, _ =	vpop (xrf0)  }
0xbe: {  	v2 =	vadd.s32 $0xFFFFFFFF, v2;
	s23 =	sadd.s32 $0x80000000, s23;
	(v2sf) =	vpush v3, $0xF  }
0xbf: {  	[tilespmem:s23+$0x5500] =	vst.msk vm0, v2  }
0xc0: {  	[tilespmem:s23+$0x2D00] =	vst.msk vm0, v1  }
0xc1: {  	v1 =	vld [tilespmem:$0xA0];
	_ =	sdelay $0x7  }
0xc2: {  	v1 =	vld.idx.msk [tilespmem:v1+s13+$0x0], $0xffff;
	_ =	sdelay $0x2  }
0xc3: {  	v2 =	vld [tilespmem:$0x20]  }
0xc4: {  	s24 =	spop (v2sf)  }
0xc5: {  	s23 =	sadd.s32 s24, s23  }
0xc6: {  	vm0 =	vgt.s32 v1, $0x0;
	v1 =	vadd.s32 $0xFFFFFFFF, v1;
	s23 =	sadd.s32 $0x80000000, s23  }
0xc7: {  	[tilespmem:s23+$0x5500] =	vst.msk vm0, v1;
	v1 =	vmpcnt.ones.xlane vm0  }
0xc8: {  	[tilespmem:s23+$0x2D00] =	vst.msk vm0, v2  }
0xc9: {  	v1 =	vxor.u32 $0x80000000, v1;
	v2 =	vld [tilespmem:$0xB0]  }
0xca: {  	(xrf0) =	vmax.scan.msk.u32 $0xffff, v1;
	_ =	sdelay $0x5  }
0xcb: {  	v1, _, _ =	vpop (xrf0)  }
0xcc: {  	v2 =	vld.idx.msk [tilespmem:v2+s13+$0x0], $0xffff;
	(v2sf) =	vpush v1, $0xF;
	_ =	sdelay $0x5  }
0xcd: {  	vm0 =	vgt.s32 v2, $0x0  }
0xce: {  	v1 =	vmpcnt.ones.xlane vm0;
	_ =	sdelay $0x1  }
0xcf: {  	v1 =	vxor.u32 $0x80000000, v1  }
0xd0: {  	(xrf0) =	vmax.scan.msk.u32 $0xffff, v1;
	_ =	sdelay $0x3  }
0xd1: {  	v1 =	vld [tilespmem:$0x30]  }
0xd2: {  	s24 =	spop (v2sf)  }
0xd3: {  	s23 =	sadd.s32 s24, s23;
	v3, _, _ =	vpop (xrf0)  }
0xd4: {  	v2 =	vadd.s32 $0xFFFFFFFF, v2;
	s23 =	sadd.s32 $0x80000000, s23;
	(v2sf) =	vpush v3, $0xF  }
0xd5: {  	[tilespmem:s23+$0x5500] =	vst.msk vm0, v2  }
0xd6: {  	[tilespmem:s23+$0x2D00] =	vst.msk vm0, v1  }
0xd7: {  	v1 =	vld [tilespmem:$0xC0]  }
0xd8: {  	v2 =	vld [tilespmem:$0x40];
	_ =	sdelay $0x6  }
0xd9: {  	v1 =	vld.idx.msk [tilespmem:v1+s13+$0x0], $0xffff;
	_ =	sdelay $0x3  }
0xda: {  	s24 =	spop (v2sf)  }
0xdb: {  	s23 =	sadd.s32 s24, s23  }
0xdc: {  	vm0 =	vgt.s32 v1, $0x0;
	v1 =	vadd.s32 $0xFFFFFFFF, v1;
	s23 =	sadd.s32 $0x80000000, s23  }
0xdd: {  	[tilespmem:s23+$0x5500] =	vst.msk vm0, v1;
	v1 =	vmpcnt.ones.xlane vm0  }
0xde: {  	[tilespmem:s23+$0x2D00] =	vst.msk vm0, v2  }
0xdf: {  	v1 =	vxor.u32 $0x80000000, v1;
	v2 =	vld [tilespmem:$0xD0]  }
0xe0: {  	v3 =	vld [tilespmem:$0x50];
	(xrf0) =	vmax.scan.msk.u32 $0xffff, v1;
	_ =	sdelay $0x5  }
0xe1: {  	v1, _, _ =	vpop (xrf0)  }
0xe2: {  	v2 =	vld.idx.msk [tilespmem:v2+s13+$0x0], $0xffff;
	(v2sf) =	vpush v1, $0xF;
	_ =	sdelay $0x5  }
0xe3: {  	vm0 =	vgt.s32 v2, $0x0  }
0xe4: {  	v1 =	vmpcnt.ones.xlane vm0;
	_ =	sdelay $0x1  }
0xe5: {  	v1 =	vxor.u32 $0x80000000, v1  }
0xe6: {  	(xrf0) =	vmax.scan.msk.u32 $0xffff, v1;
	_ =	sdelay $0x4  }
0xe7: {  	s24 =	spop (v2sf)  }
0xe8: {  	s23 =	sadd.s32 s24, s23;
	v1, _, _ =	vpop (xrf0)  }
0xe9: {  	v2 =	vadd.s32 $0xFFFFFFFF, v2;
	s23 =	sadd.s32 $0x80000000, s23;
	(v2sf) =	vpush v1, $0xF  }
0xea: {  	[tilespmem:s23+$0x5500] =	vst.msk vm0, v2  }
0xeb: {  	[tilespmem:s23+$0x2D00] =	vst.msk vm0, v3  }
0xec: {  	v1 =	vld [tilespmem:$0xE0]  }
0xed: {  	v2 =	vld [tilespmem:$0x60];
	_ =	sdelay $0x6  }
0xee: {  	v1 =	vld.idx.msk [tilespmem:v1+s13+$0x0], $0xffff;
	_ =	sdelay $0x3  }
0xef: {  	s24 =	spop (v2sf)  }
0xf0: {  	s23 =	sadd.s32 s24, s23  }
0xf1: {  	vm0 =	vgt.s32 v1, $0x0;
	v1 =	vadd.s32 $0xFFFFFFFF, v1;
	s23 =	sadd.s32 $0x80000000, s23  }
0xf2: {  	[tilespmem:s23+$0x5500] =	vst.msk vm0, v1;
	v1 =	vmpcnt.ones.xlane vm0  }
0xf3: {  	[tilespmem:s23+$0x2D00] =	vst.msk vm0, v2  }
0xf4: {  	v1 =	vxor.u32 $0x80000000, v1;
	v2 =	vld [tilespmem:$0xF0]  }
0xf5: {  	v3 =	vld [tilespmem:$0x70];
	(xrf0) =	vmax.scan.msk.u32 $0xffff, v1;
	_ =	sdelay $0x5  }
0xf6: {  	v1, _, _ =	vpop (xrf0)  }
0xf7: {  	v2 =	vld.idx.msk [tilespmem:v2+s13+$0x0], $0xffff;
	(v2sf) =	vpush v1, $0xF;
	_ =	sdelay $0x5  }
0xf8: {  	vm0 =	vgt.s32 v2, $0x0  }
0xf9: {  	v1 =	vmpcnt.ones.xlane vm0;
	_ =	sdelay $0x1  }
0xfa: {  	v1 =	vxor.u32 $0x80000000, v1  }
0xfb: {  	(xrf0) =	vmax.scan.msk.u32 $0xffff, v1;
	_ =	sdelay $0x4  }
0xfc: {  	s24 =	spop (v2sf)  }
0xfd: {  	s23 =	sadd.s32 s24, s23;
	v1, _, _ =	vpop (xrf0)  }
0xfe: {  	v2 =	vadd.s32 $0xFFFFFFFF, v2;
	s23 =	sadd.s32 $0x80000000, s23;
	(v2sf) =	vpush v1, $0xF  }
0xff: {  	[tilespmem:s23+$0x5500] =	vst.msk vm0, v2  }
0x100: {  	s24 =	sadd.s32 s22, s12;
	[tilespmem:s23+$0x2D00] =	vst.msk vm0, v3  }
0x101: {  	[tilespmem:s3], [sflag:$0x1] =	stream.linear.gather [hbm4b:s24+s3], $0x80, $0x38;
	[tilespmem:$0x7D80] =	vst v63  }
0x102: {  	_ =	swait.ge [sflag:s17], $0x80  }
0x103: {  	[sflag:s17] =	ssyncset.done $0x0  }
0x104: {  	s22 =	sadd.s32 s22, s11;
	[sflag:s17] =	ssyncadd.s32 $0xFFFFFF80  }
0x105: {  	[tilespmem:s18], [sflag:$0x1] =	stream.linear.gather [hbm4b:s22+s3], $0x80, $0x38;
	[tilespmem:$0x7D80] =	vst v63  }
0x106: {  	_ =	swait.ge [sflag:s17], $0x80  }
0x107: {  	[sflag:s17] =	ssyncset.done $0x0  }
0x108: {  	[sflag:s17] =	ssyncadd.s32 $0xFFFFFF80  }
0x109: {  	v1 =	vld [tilespmem:$0x80]  }
.Ltmp3:
0x10a: {  	(pc) =	sbr.rel @p1 .LBB2_8-.Ltmp3, $3  }
0x10b: {  	_ =	sdelay $0x1  }
0x10c: {  	s22 =	spop (v2sf)  }
0x10d: {  	s22 =	sadd.s32 s22, s23  }
0x10e: {  	_ =	sdelay $0x3  }
0x10f: {  	v1 =	vld.idx.msk [tilespmem:v1+s13+$0x0], $0xffff;
	_ =	sdelay $0x1  }
0x110: {  	v2 =	vld [tilespmem:$0x0];
	_ =	sdelay $0x2  }
0x111: {  	s21 =	sadd.s32 $0x80000000, s22;
	vm0 =	vgt.s32 v1, $0x0;
	v1 =	vadd.s32 $0xFFFFFFFF, v1  }
0x112: {  	[tilespmem:s21+$0x5500] =	vst.msk vm0, v1;
	v1 =	vmpcnt.ones.xlane vm0  }
0x113: {  	[tilespmem:s21+$0x2D00] =	vst.msk vm0, v2  }
0x114: {  	v1 =	vxor.u32 $0x80000000, v1;
	v2 =	vld [tilespmem:$0x90]  }
0x115: {  	(xrf0) =	vmax.scan.msk.u32 $0xffff, v1;
	_ =	sdelay $0x5  }
0x116: {  	v1, _, _ =	vpop (xrf0)  }
0x117: {  	v2 =	vld.idx.msk [tilespmem:v2+s13+$0x0], $0xffff;
	(v2sf) =	vpush v1, $0xF;
	_ =	sdelay $0x4  }
0x118: {  	vm9 =	vgt.s32 v2, $0x0  }
0x119: {  	v1 =	vmpcnt.ones.xlane vm9;
	_ =	sdelay $0x1  }
0x11a: {  	v1 =	vxor.u32 $0x80000000, v1  }
0x11b: {  	(xrf0) =	vmax.scan.msk.u32 $0xffff, v1;
	_ =	sdelay $0x4  }
0x11c: {  	v1 =	vld [tilespmem:$0x10]  }
0x11d: {  	s23 =	spop (v2sf);
	v3, _, _ =	vpop (xrf0)  }
0x11e: {  	s21 =	sadd.s32 s23, s21;
	(v2sf) =	vpush v3, $0xF  }
0x11f: {  	v2 =	vadd.s32 $0xFFFFFFFF, v2;
	s21 =	sadd.s32 $0x80000000, s21  }
0x120: {  	[tilespmem:s21+$0x5500] =	vst.msk vm9, v2  }
0x121: {  	[tilespmem:s21+$0x2D00] =	vst.msk vm9, v1  }
0x122: {  	v1 =	vld [tilespmem:$0xA0];
	_ =	sdelay $0x7  }
0x123: {  	v1 =	vld.idx.msk [tilespmem:v1+s13+$0x0], $0xffff;
	_ =	sdelay $0x1  }
0x124: {  	v2 =	vld [tilespmem:$0x20]  }
0x125: {  	s24 =	spop (v2sf)  }
0x126: {  	s21 =	sadd.s32 s24, s21  }
0x127: {  	s21 =	sadd.s32 $0x80000000, s21;
	vm10 =	vgt.s32 v1, $0x0;
	v1 =	vadd.s32 $0xFFFFFFFF, v1  }
0x128: {  	[tilespmem:s21+$0x5500] =	vst.msk vm10, v1;
	v1 =	vmpcnt.ones.xlane vm10  }
0x129: {  	[tilespmem:s21+$0x2D00] =	vst.msk vm10, v2  }
0x12a: {  	v1 =	vxor.u32 $0x80000000, v1;
	v2 =	vld [tilespmem:$0xB0]  }
0x12b: {  	(xrf0) =	vmax.scan.msk.u32 $0xffff, v1;
	_ =	sdelay $0x5  }
0x12c: {  	v1, _, _ =	vpop (xrf0)  }
0x12d: {  	v2 =	vld.idx.msk [tilespmem:v2+s13+$0x0], $0xffff;
	(v2sf) =	vpush v1, $0xF;
	_ =	sdelay $0x4  }
0x12e: {  	vm11 =	vgt.s32 v2, $0x0  }
0x12f: {  	v1 =	vmpcnt.ones.xlane vm11;
	_ =	sdelay $0x1  }
0x130: {  	v1 =	vxor.u32 $0x80000000, v1  }
0x131: {  	(xrf0) =	vmax.scan.msk.u32 $0xffff, v1;
	_ =	sdelay $0x4  }
0x132: {  	v1 =	vld [tilespmem:$0x30]  }
0x133: {  	s25 =	spop (v2sf);
	v3, _, _ =	vpop (xrf0)  }
0x134: {  	s21 =	sadd.s32 s25, s21;
	(v2sf) =	vpush v3, $0xF  }
0x135: {  	v2 =	vadd.s32 $0xFFFFFFFF, v2;
	s21 =	sadd.s32 $0x80000000, s21  }
0x136: {  	[tilespmem:s21+$0x5500] =	vst.msk vm11, v2  }
0x137: {  	[tilespmem:s21+$0x2D00] =	vst.msk vm11, v1  }
0x138: {  	v1 =	vld [tilespmem:$0xC0];
	_ =	sdelay $0x7  }
0x139: {  	v1 =	vld.idx.msk [tilespmem:v1+s13+$0x0], $0xffff;
	_ =	sdelay $0x1  }
0x13a: {  	v2 =	vld [tilespmem:$0x40]  }
0x13b: {  	s26 =	spop (v2sf)  }
0x13c: {  	s21 =	sadd.s32 s26, s21  }
0x13d: {  	s21 =	sadd.s32 $0x80000000, s21;
	vm12 =	vgt.s32 v1, $0x0;
	v1 =	vadd.s32 $0xFFFFFFFF, v1  }
0x13e: {  	[tilespmem:s21+$0x5500] =	vst.msk vm12, v1;
	v1 =	vmpcnt.ones.xlane vm12  }
0x13f: {  	[tilespmem:s21+$0x2D00] =	vst.msk vm12, v2  }
0x140: {  	v1 =	vxor.u32 $0x80000000, v1;
	v2 =	vld [tilespmem:$0xD0]  }
0x141: {  	(xrf0) =	vmax.scan.msk.u32 $0xffff, v1;
	_ =	sdelay $0x5  }
0x142: {  	v1, _, _ =	vpop (xrf0)  }
0x143: {  	v2 =	vld.idx.msk [tilespmem:v2+s13+$0x0], $0xffff;
	(v2sf) =	vpush v1, $0xF;
	_ =	sdelay $0x4  }
0x144: {  	vm13 =	vgt.s32 v2, $0x0  }
0x145: {  	v1 =	vmpcnt.ones.xlane vm13;
	_ =	sdelay $0x1  }
0x146: {  	v1 =	vxor.u32 $0x80000000, v1  }
0x147: {  	(xrf0) =	vmax.scan.msk.u32 $0xffff, v1;
	_ =	sdelay $0x4  }
0x148: {  	v1 =	vld [tilespmem:$0x50]  }
0x149: {  	s28 =	spop (v2sf);
	v3, _, _ =	vpop (xrf0)  }
0x14a: {  	s21 =	sadd.s32 s28, s21;
	(v2sf) =	vpush v3, $0xF  }
0x14b: {  	v2 =	vadd.s32 $0xFFFFFFFF, v2;
	s21 =	sadd.s32 $0x80000000, s21  }
0x14c: {  	[tilespmem:s21+$0x5500] =	vst.msk vm13, v2  }
0x14d: {  	[tilespmem:s21+$0x2D00] =	vst.msk vm13, v1  }
0x14e: {  	v1 =	vld [tilespmem:$0xE0];
	_ =	sdelay $0x7  }
0x14f: {  	v1 =	vld.idx.msk [tilespmem:v1+s13+$0x0], $0xffff;
	_ =	sdelay $0x1  }
0x150: {  	v2 =	vld [tilespmem:$0x60]  }
0x151: {  	s29 =	spop (v2sf)  }
0x152: {  	s21 =	sadd.s32 s29, s21  }
0x153: {  	s21 =	sadd.s32 $0x80000000, s21;
	vm14 =	vgt.s32 v1, $0x0;
	v1 =	vadd.s32 $0xFFFFFFFF, v1  }
0x154: {  	[tilespmem:s21+$0x5500] =	vst.msk vm14, v1  }
0x155: {  	[tilespmem:s21+$0x2D00] =	vst.msk vm14, v2  }
0x156: {  	v1 =	vld [tilespmem:$0xF0];
	_ =	sdelay $0x7  }
0x157: {  	v1 =	vld.idx.msk [tilespmem:v1+s13+$0x0], $0xffff;
	_ =	sdelay $0x1  }
0x158: {  	v2 =	vmpcnt.ones.xlane vm14;
	_ =	sdelay $0x1  }
0x159: {  	v2 =	vxor.u32 $0x80000000, v2  }
0x15a: {  	(xrf0) =	vmax.scan.msk.u32 $0xffff, v2;
	vm15 =	vgt.s32 v1, $0x0  }
0x15b: {  	v2 =	vmpcnt.ones.xlane vm15;
	_ =	sdelay $0x1  }
0x15c: {  	v2 =	vxor.u32 $0x80000000, v2  }
0x15d: {  	(xrf0) =	vmax.scan.msk.u32 $0xffff, v2;
	_ =	sdelay $0x1  }
0x15e: {  	v2, _, _ =	vpop (xrf0)  }
0x15f: {  	(v2sf) =	vpush v2, $0xF;
	_ =	sdelay $0x2  }
0x160: {  	v2, _, _ =	vpop (xrf0)  }
0x161: {  	(v2sf) =	vpush v2, $0xF;
	_ =	sdelay $0x9  }
0x162: {  	v2 =	vld [tilespmem:$0x70]  }
0x163: {  	s30 =	spop (v2sf)  }
0x164: {  	s21 =	sadd.s32 s30, s21  }
0x165: {  	v1 =	vadd.s32 $0xFFFFFFFF, v1;
	s21 =	sadd.s32 $0x80000000, s21  }
0x166: {  	[tilespmem:s21+$0x5500] =	vst.msk vm15, v1  }
0x167: {  	[tilespmem:s21+$0x2D00] =	vst.msk vm15, v2;
	s31 =	spop (v2sf)  }
0x168: {  	[hbm4b:s7+s3] =	stream.linear.scatter [tilespmem:s14], [sflag:$0x1], $0x2800, $0x38;
	[tilespmem:$0x7D80] =	vst v63  }
0x169: {  	_ =	swait.ge [sflag:s17], $0x2800  }
0x16a: {  	[sflag:s17] =	ssyncset.done $0x0  }
0x16b: {  	[sflag:s17] =	ssyncadd.s32 $0xFFFFD800  }
0x16c: {  	[hbm4b:s8+s3] =	stream.linear.scatter [tilespmem:s15], [sflag:$0x1], $0x2800, $0x38;
	[tilespmem:$0x7D80] =	vst v63  }
0x16d: {  	s21 =	sadd.s32 s31, s21;
	_ =	swait.ge [sflag:s17], $0x2800  }
0x16e: {  	s21 =	sadd.s32 $0x80000000, s21;
	[sflag:s17] =	ssyncset.done $0x0  }
0x16f: {  	v1 =	vmov s21;
	[sflag:s17] =	ssyncadd.s32 $0xFFFFD800  }
0x170: {  	[tilespmem:$0x7D00] =	vst v1  }
0x171: {  	[tilespmem:$0x7D10] =	vst v1  }
0x172: {  	[tilespmem:$0x7D20] =	vst v1  }
0x173: {  	[tilespmem:$0x7D30] =	vst v1  }
0x174: {  	[tilespmem:$0x7D40] =	vst v1  }
0x175: {  	s20 =	sadd.s32 $0x1, s20;
	[tilespmem:$0x7D50] =	vst v1  }
0x176: {  	p1 =	sne.s32 s20, s10;
	[tilespmem:$0x7D60] =	vst v1  }
.Ltmp4:
0x177: {  	[tilespmem:$0x7D70] =	vst v1;
	(pc) =	sbr.rel @p1 .LBB2_1-.Ltmp4, $4  }
0x178: {  	[hbm4b:s9+s3] =	stream.linear.scatter [tilespmem:s19], [sflag:$0x1], $0x80, $0x38;
	[tilespmem:$0x7D80] =	vst v63  }
0x179: {  	_ =	swait.ge [sflag:s17], $0x80  }
0x17a: {  	[sflag:s17] =	ssyncset.done $0x0  }
0x17b: {  	[sflag:s17] =	ssyncadd.s32 $0xFFFFFF80  }
0x17c: {  	_ =	sfence.sel $0x180000  }
0x17d: {  	[bflag:$0x0] =	sbarrier.arrive $0xFFFF  }
0x17e: {  	p0 =	sne.s32 s0, $0x0;
	_ =	strace $0x9000004D  }
0x17f: {  	s0 =	sadd.s32 @!p0 $0x100000, s1;
	[bflag:$0x2] =	sbarrier.arrive $0xFFFF  }
0x180: {  	[sflag:s0] =	ssyncadd.tile.s32 @!p0 $0x1;
	_ =	shalt  }
.Lfunc_end2:
_tile_overlayer_lowered:
.L_overlay_start_2:
0x181: {  	(tag) =	ssettag $0x2  }
0x182: {  	s0 =	rddreg [dreg:$0x0];
	s2 =	stileid.u32  }
0x183: {  	s1 =	rddreg [dreg:$0x1];
	p0 =	sne.s32 s2, $0x0  }
0x184: {  	s3 =	rddreg [dreg:$0x2];
	[bflag:$0x3] =	sbarrier.arrive $0xFFFF;
	s2 =	simm.s32 @!p0 $0x1C01  }
0x185: {  	[timem:s3], [sflag:s2] =	dma.local @!p0 [hbm:s0], s1  }
0x186: {  	s0 =	simm.s32 @!p0 $0x1  }
0x187: {  	_ =	swait.ge @!p0 [sflag:s0], s1  }
0x188: {  	s1 =	ssub.s32 @!p0 $0x0, s1;
	[sflag:s0] =	ssyncset.done @!p0 $0x0  }
0x189: {  	[sflag:s0] =	ssyncadd.s32 @!p0 s1  }
0x18a: {  	[bflag:$0x3] =	sbarrier.arrive $0xFFFF  }
0x18b: {  	_ =	shalt  }

// kernel: kernel.22.cloned.1.call-start
scs
__scs_entry_jumppad:
0x0: {  	(pc) =	sbr.rel $0x88, $3  }
0x1: {  	(tag) =	ssettag $0x0;
	lr =	simm.s32 $0x1  }
0x2: {  	[smem:$0x3F95] =	sst lr;
	_ =	strace $0xD0000000  }
0x3: {  	_ = 	snop  }
0x4: {  	_ = 	snop  }
0x5: {  	_ = 	snop  }
0x6: {  	_ = 	snop  }
0x7: {  	_ = 	snop  }
__scs_overlays_trampoline_lowered:
0x8: {  	[smem:$0x3FA4] =	sst s0  }
0x9: {  	[smem:$0x3FA5] =	sst s1  }
0xa: {  	[smem:$0x3FA6] =	sst s2  }
0xb: {  	[smem:$0x3FA7] =	sst s3  }
0xc: {  	[smem:$0x3FA8] =	sst s4  }
0xd: {  	[smem:$0x3FA9] =	sst s5  }
0xe: {  	[smem:$0x3FAA] =	sst s6  }
0xf: {  	[smem:$0x3FAB] =	sst s7  }
0x10: {  	[smem:$0x3FAC] =	sst s8  }
0x11: {  	[smem:$0x3FAD] =	sst s9;
	s0 =	simm.s32 @!p0 $0x0  }
0x12: {  	s1 =	sld [smem:$0x3F93];
	s0 =	simm.s32 @p0 $0x1  }
0x13: {  	[smem:$0x3FAE] =	sst s0;
	s0 =	simm.s32 @!p1 $0x0  }
0x14: {  	s2 =	sld [smem:$0x3F92];
	s0 =	simm.s32 @p1 $0x1  }
0x15: {  	[smem:$0x3FAF] =	sst s0;
	s0 =	simm.s32 @!p2 $0x0  }
0x16: {  	s3 =	sld [smem:$0x3FDB];
	s0 =	simm.s32 @p2 $0x1  }
0x17: {  	s4 =	simm.s32 $0x1BF5;
	[smem:$0x3FB1] =	sst s0  }
0x18: {  	s0 =	sld [smem:$0x3F94];
	_ =	swait.ge [sflag:s4], $0x0  }
0x19: {  	s7 =	sld [smem:$0x3F95]  }
0x1a: {  	s8 =	sadd.s32 $0xFFFFE003, lr  }
0x1b: {  	s9 =	sadd.s32 $0xFFFFFEF7, lr;
	s5 =	simm.s32 $0xFFFFFFFF;
	p2 =	slt.u32 s8, $0xFFFFF086  }
0x1c: {  	p1 =	slt.u32 s9, $0xF7A;
	s5 =	simm.s32 @!p2 $0x0  }
0x1d: {  	s5 =	simm.s32 @p1 $0x1;
	p0 =	seq.s32 s7, s2  }
0x1e: {  	s7 =	smul.u32 @!p0 $0xF7A, s2;
	p2 =	seq.s32 @!p0 s5, $0x0  }
0x1f: {  	s9 =	smul.u32 $0xF7A, s1;
	s8 =	simm.s32 @!p0 $0x1BF5;
	p2 =	por !p2, p0  }
0x20: {  	[sflag:s8] =	ssyncset.s32 @!p0 $0xFFFFF086;
	s6 =	sadd.s32 @!p0 s3, s7;
	s7 =	simm.s32 @!p0 $0x108  }
0x21: {  	s3 =	sadd.s32 s3, s9;
	s6 =	sadd.s32 @!p0 $0x88, s6;
	s7 =	simm.s32 @p2 $0x1082  }
0x22: {  	[simem:s7], [sflag:s8] =	dma.local @!p0 [hbm:s6], $0xF7A  }
0x23: {  	s9 =	sor.u32 $0xD0000000, s2;
	s6 =	simm.s32 $0x108;
	_ =	swait.ge @!p0 [sflag:s8], $0x0  }
0x24: {  	s3 =	sadd.s32 $0x88, s3;
	s6 =	simm.s32 @!p1 $0x1082;
	[sflag:s4] =	ssyncset.s32 $0xFFFFF086  }
0x25: {  	[simem:s6], [sflag:s4] =	dma.local [hbm:s3], $0xF7A  }
0x26: {  	[smem:$0x3F95] =	sst s1;
	(tag) =	ssettag s2;
	_ =	strace s9  }
0x27: {  	s1 =	sld [smem:$0x3FA5]  }
0x28: {  	s2 =	sld [smem:$0x3FA6]  }
0x29: {  	s4 =	sld [smem:$0x3FA8]  }
0x2a: {  	p0 =	seq.s32 s5, $0x0;
	s5 =	sld [smem:$0x3FA9]  }
0x2b: {  	s6 =	sld [smem:$0x3FAA]  }
0x2c: {  	s7 =	sld [smem:$0x3FAB]  }
0x2d: {  	s3 =	simm.s32 $0x108;
	s8 =	sld [smem:$0x3FAC]  }
0x2e: {  	s3 =	simm.s32 @!p0 $0x1082;
	s9 =	sld [smem:$0x3FAD]  }
0x2f: {  	lr =	sadd.s32 s0, s3;
	s0 =	sld [smem:$0x3FA4]  }
0x30: {  	s3 =	sld [smem:$0x3FA7]  }
0x31: {  	[smem:$0x3FB0] =	sst s10  }
0x32: {  	s10 =	sld [smem:$0x3FAE];
	_ =	sdelay $0x3  }
0x33: {  	p0 =	seq.s32 s10, $0x1;
	s10 =	sld [smem:$0x3FB0];
	_ =	sdelay $0x3  }
0x34: {  	[smem:$0x3FB0] =	sst s10  }
0x35: {  	s10 =	sld [smem:$0x3FAF];
	_ =	sdelay $0x3  }
0x36: {  	p1 =	seq.s32 s10, $0x1;
	s10 =	sld [smem:$0x3FB0];
	_ =	sdelay $0x3  }
0x37: {  	[smem:$0x3FB0] =	sst s10  }
0x38: {  	s10 =	sld [smem:$0x3FB1]  }
0x39: {  	_ = 	snop;
	(pc) =	sbr.ind lr, $3  }
0x3a: {  	_ = 	snop  }
0x3b: {  	_ = 	snop  }
0x3c: {  	p2 =	seq.s32 s10, $0x1;
	s10 =	sld [smem:$0x3FB0]  }
0x3d: {  	_ =	shalt  }
0x3e: {  	_ =	shalt  }
0x3f: {  	_ =	shalt  }
0x40: {  	_ =	shalt  }
0x41: {  	_ =	shalt  }
0x42: {  	_ =	shalt  }
0x43: {  	_ =	shalt  }
0x44: {  	_ =	shalt  }
0x45: {  	_ =	shalt  }
0x46: {  	_ =	shalt  }
0x47: {  	_ =	shalt  }
0x48: {  	_ =	shalt  }
0x49: {  	_ =	shalt  }
0x4a: {  	_ =	shalt  }
0x4b: {  	_ =	shalt  }
0x4c: {  	_ =	shalt  }
0x4d: {  	_ =	shalt  }
0x4e: {  	_ =	shalt  }
0x4f: {  	_ =	shalt  }
0x50: {  	_ =	shalt  }
0x51: {  	_ =	shalt  }
0x52: {  	_ =	shalt  }
0x53: {  	_ =	shalt  }
0x54: {  	_ =	shalt  }
0x55: {  	_ =	shalt  }
0x56: {  	_ =	shalt  }
0x57: {  	_ =	shalt  }
0x58: {  	_ =	shalt  }
0x59: {  	_ =	shalt  }
0x5a: {  	_ =	shalt  }
0x5b: {  	_ =	shalt  }
0x5c: {  	_ =	shalt  }
0x5d: {  	_ =	shalt  }
0x5e: {  	_ =	shalt  }
0x5f: {  	_ =	shalt  }
0x60: {  	_ =	shalt  }
0x61: {  	_ =	shalt  }
0x62: {  	_ =	shalt  }
0x63: {  	_ =	shalt  }
0x64: {  	_ =	shalt  }
0x65: {  	_ =	shalt  }
0x66: {  	_ =	shalt  }
0x67: {  	_ =	shalt  }
0x68: {  	_ =	shalt  }
0x69: {  	_ =	shalt  }
0x6a: {  	_ =	shalt  }
0x6b: {  	_ =	shalt  }
0x6c: {  	_ =	shalt  }
0x6d: {  	_ =	shalt  }
0x6e: {  	_ =	shalt  }
0x6f: {  	_ =	shalt  }
0x70: {  	_ =	shalt  }
0x71: {  	_ =	shalt  }
0x72: {  	_ =	shalt  }
0x73: {  	_ =	shalt  }
0x74: {  	_ =	shalt  }
0x75: {  	_ =	shalt  }
0x76: {  	_ =	shalt  }
0x77: {  	_ =	shalt  }
0x78: {  	_ =	shalt  }
0x79: {  	_ =	shalt  }
0x7a: {  	_ =	shalt  }
0x7b: {  	_ =	shalt  }
0x7c: {  	_ =	shalt  }
0x7d: {  	_ =	shalt  }
0x7e: {  	_ =	shalt  }
0x7f: {  	_ =	shalt  }
0x80: {  	_ =	shalt  }
0x81: {  	_ =	shalt  }
0x82: {  	_ =	shalt  }
0x83: {  	_ =	shalt  }
0x84: {  	_ =	shalt  }
0x85: {  	_ =	shalt  }
0x86: {  	_ =	shalt  }
0x87: {  	_ =	shalt  }
.Lfunc_end0:
.L_simem_size_0:
called_computation.2_lowered:
.L_overlay_start_0:
0x88: {  	s2 =	sld [smem:$0x3FD9]  }
0x89: {  	s3 =	sld [smem:$0x3FFE];
	_ =	sdelay $0x1  }
0x8a: {  	s1 =	srdreg.scid  }
0x8b: {  	s0 =	sand.u32 $0x1, s1  }
0x8c: {  	s16 =	sshll.u32 s0, $0xA;
	s2 =	sadd.s32 s3, s2  }
0x8d: {  	s2 =	sadd.s32 s2, s16  }
0x8e: {  	[smem:$0x3FBC] =	sst s2  }
0x8f: {  	_ = 	snop  }
0x90: {  	(tm) =	ssettm $0x1  }
0x91: {  	s17 =	sld [smem:$0x3FFB];
	_ =	sdelay $0x3  }
0x92: {  	_ =	strace s17  }
0x93: {  	s2 =	sld [smem:$0x3FFC];
	_ =	sdelay $0x3  }
0x94: {  	_ =	strace s2  }
0x95: {  	s2 =	sld [smem:$0x3FFD];
	_ =	sdelay $0x3  }
0x96: {  	_ =	strace s2  }
0x97: {  	_ =	strace $0x8FFFFFFF  }
0x98: {  	s18 =	sld [smem:$0x3FDB];
	_ =	sdelay $0x1  }
0x99: {  	s19 =	simm.s32 $_scs_section_size  }
0x9a: {  	s4 =	simm.s32 $_size__tile_overlayer_lowered;
	s5 =	simm.s32 $_tile_overlayer_lowered  }
0x9b: {  	s22 =	simm.s32 $0x1BFF;
	s21 =	sshll.u32 s5, $0x1;
	s2 =	sadd.s32 s19, s18  }
0x9c: {  	s6 =	simm.s32 $0x0;
	s20 =	sshll.u32 s4, $0x1;
	s4 =	sadd.s32 s21, s2  }
0x9d: {  	[timem:s6], [sflag:s22] =	dma.local [hbm:s4], s20  }
0x9e: {  	_ =	swait.ge [sflag:s22], s20  }
0x9f: {  	s3 =	ssub.s32 $0x0, s20;
	[sflag:s22] =	ssyncset.done $0x0  }
0xa0: {  	[sflag:s22] =	ssyncadd.s32 s3;
	_ =	sdelay $0x1  }
0xa1: {  	s23 =	simm.s32 $0x1B8B  }
0xa2: {  	_ =	swait.ge [sflag:s23], $0x1  }
0xa3: {  	[sflag:s23] =	ssyncset.done $0x0  }
0xa4: {  	s25 =	simm.s32 $0x1B8E;
	s24 =	sld [smem:$0x3FFE];
	[sflag:s23] =	ssyncadd.s32 $0xFFFFFFFF  }
0xa5: {  	s26 =	simm.s32 $execute0_lowered;
	[smem:$0x3FD2] =	sst s25  }
0xa6: {  	s4 =	sshll.u32 s26, $0x1;
	_ =	strace $0x80000049;
	[dreg:$0x1] =	wrdreg $0xFFFFFFFF  }
0xa7: {  	s28 =	simm.s32 $_size_execute0_lowered;
	s2 =	sadd.s32 s2, s4;
	[dreg:$0x0] =	wrdreg $0x0  }
0xa8: {  	s4 =	sshll.u32 s28, $0x1;
	[dreg:$0x2] =	wrdreg s2  }
0xa9: {  	[dreg:$0x3] =	wrdreg s4  }
0xaa: {  	[dreg:$0x4] =	wrdreg $0xC0  }
0xab: {  	_ =	task [dreg:s6], $0x5FFFF  }
0xac: {  	[dreg:$0x1] =	wrdreg $0xFFFFFFFF  }
0xad: {  	[dreg:$0x0] =	wrdreg $0x60  }
0xae: {  	[dreg:$0x2] =	wrdreg s24  }
0xaf: {  	[dreg:$0x3] =	wrdreg $0x61000  }
0xb0: {  	[dreg:$0x4] =	wrdreg $0xA  }
0xb1: {  	_ =	task.clear_ibuf [dreg:s6], $0x5FFFF;
	_ =	strace $0x90000049  }
0xb2: {  	s29 =	simm.s32 $0xA;
	_ =	strace $0x8000004B  }
0xb3: {  	_ =	swait.ge [sflag:s29], $0x1  }
0xb4: {  	[sflag:s29] =	ssyncadd.s32 $0xFFFFFFFF  }
0xb5: {  	_ =	strace $0x9000004B  }
0xb6: {  	_ =	sfence  }
0xb7: {  	s30 =	sld [smem:$0x0];
	_ =	sdelay $0x2  }
0xb8: {  	s31 =	sshll.u32 s1, $0xD;
	s1 =	sshrl.u32 s1, $0x2  }
0xb9: {  	s3 =	sand.u32 $0x4000, s31;
	s1 =	sadd.s32 s1, s30  }
0xba: {  	s0 =	sor.u32 s3, s0;
	s1 =	sshll.u32 s1, $0x11  }
0xbb: {  	s0 =	sor.u32 s1, s0  }
0xbc: {  	s0 =	sadd.s32 $0x8F2B, s0  }
0xbd: {  	[sflag:s0] =	ssyncadd.remote.s32 $0x1  }
0xbe: {  	_ =	sfence.sel $0xFFFF  }
0xbf: {  	[dreg:$0x0] =	wrdreg $0xFFFFFFFF;
	(pc) =	sbr.abs _section_cstart, $3  }
0xc0: {  	[dreg:$0x1] =	wrdreg $0xFFFFFFFF  }
0xc1: {  	_ =	task.clear_ibuf [dreg:s6], $0x2FFFF;
	_ =	strace $0x9FFFFFFF  }
0xc2: {  	(tm) =	ssettm $0x7FFFFFFF  }
0xc3: {  	_ =	shalt  }
tec
execute0_lowered:
.L_overlay_start_1:
0x0: {  	(tag) =	ssettag $0x1  }
0x1: {  	s6 =	rddreg [dreg:$0x0]  }
0x2: {  	s2 =	rddreg [dreg:$0x1]  }
0x3: {  	s0 =	stileid.u32;
	s4 =	srdreg.scid;
	s3 =	simm.s32 $0x0  }
0x4: {  	s20 =	simm.s32 $0x4100;
	s21 =	simm.s32 $0x2;
	s22 =	simm.s32 $0x80  }
0x5: {  	s23 =	simm.s32 $0x100;
	s24 =	simm.s32 $0x1;
	s5 =	smul.u32 $0xA00, s0  }
0x6: {  	s28 =	simm.s32 $0x0;
	s12 =	sand.u32 $0x1, s4;
	s8 =	smul.u32 $0x14000, s0  }
0x7: {  	[smem:$0x7FF] =	sst s3;
	s4 =	sadd.s32 $0x68C00, s6;
	s9 =	smul.u32 $0x50000, s0  }
0x8: {  	s25 =	sshll.u32 s0, $0x6;
	s7 =	smul.u32 $0x140000, s12;
	_ =	strace $0x8000004A  }
0x9: {  	s31 =	ssub.s32 $0x2, s12;
	s19 =	smul.u32 $0x500, s12;
	s25 =	sor.u32 $0x1C02, s25  }
0xa: {  	s17 =	sadd.s32 s5, s6;
	s5 =	sadd.s32 $0xE000, s6;
	s10 =	sshrl.u32 s31, $0x1  }
0xb: {  	s9 =	sshrl.u32 s9, $0x2;
	s7 =	sadd.s32 s8, s7;
	s18 =	ssub.s32 s31, s10  }
0xc: {  	s19 =	sadd.s32 s19, s17;
	s7 =	sshrl.u32 s7, $0x3;
	s17 =	smax.u32 s18, $0x1  }
0xd: {  	s18 =	sadd.s32 $0x4000, s19;
	s16 =	sadd.s32 s7, s6;
	s6 =	sadd.s32 s9, s2  }
0xe: {  	s19 =	sadd.s32 $0x5EC00, s19;
	s7 =	sadd.s32 $0x2000, s6;
	s8 =	sadd.s32 $0x4000, s6  }
0xf: {  	s9 =	sadd.s32 $0x6000, s6;
	s10 =	sadd.s32 $0x8000, s6;
	s11 =	sadd.s32 $0xA000, s6  }
0x10: {  	s12 =	sadd.s32 $0xC000, s6;
	s13 =	sadd.s32 $0xE000, s6;
	s14 =	sadd.s32 $0x10000, s6  }
0x11: {  	s15 =	sadd.s32 $0x12000, s6;
	s16 =	sadd.s32 $0x108C00, s16;
	s26 =	sshrl.u32 s6, $0x3  }
.LBB2_1:
0x12: {  	[tilespmem:s20], [sflag:$0x2] =	stream.linear.gather [hbm4b:s5+s3], $0x2000, $0x38;
	[tilespmem:$0x1A100] =	vst v63  }
0x13: {  	_ =	swait.ge [sflag:s21], $0x2000  }
0x14: {  	[sflag:s21] =	ssyncset.done $0x0  }
0x15: {  	[sflag:s21] =	ssyncadd.s32 $0xFFFFE000  }
0x16: {  	[spmem:s6] =	stream.linear.scatter [tilespmem:s20], [sflag:$0x2], $0x2000, $0x38;
	[tilespmem:$0x1A100] =	vst v63  }
0x17: {  	_ =	swait.ge [sflag:s21], $0x2000  }
0x18: {  	[sflag:s21] =	ssyncset.done $0x0  }
0x19: {  	[sflag:s21] =	ssyncadd.s32 $0xFFFFE000  }
0x1a: {  	[spmem:s7] =	stream.linear.scatter [tilespmem:s20], [sflag:$0x2], $0x2000, $0x38;
	[tilespmem:$0x1A100] =	vst v63  }
0x1b: {  	_ =	swait.ge [sflag:s21], $0x2000  }
0x1c: {  	[sflag:s21] =	ssyncset.done $0x0  }
0x1d: {  	[sflag:s21] =	ssyncadd.s32 $0xFFFFE000  }
0x1e: {  	[spmem:s8] =	stream.linear.scatter [tilespmem:s20], [sflag:$0x2], $0x2000, $0x38;
	[tilespmem:$0x1A100] =	vst v63  }
0x1f: {  	_ =	swait.ge [sflag:s21], $0x2000  }
0x20: {  	[sflag:s21] =	ssyncset.done $0x0  }
0x21: {  	[sflag:s21] =	ssyncadd.s32 $0xFFFFE000  }
0x22: {  	[spmem:s9] =	stream.linear.scatter [tilespmem:s20], [sflag:$0x2], $0x2000, $0x38;
	[tilespmem:$0x1A100] =	vst v63  }
0x23: {  	_ =	swait.ge [sflag:s21], $0x2000  }
0x24: {  	[sflag:s21] =	ssyncset.done $0x0  }
0x25: {  	[sflag:s21] =	ssyncadd.s32 $0xFFFFE000  }
0x26: {  	[spmem:s10] =	stream.linear.scatter [tilespmem:s20], [sflag:$0x2], $0x2000, $0x38;
	[tilespmem:$0x1A100] =	vst v63  }
0x27: {  	_ =	swait.ge [sflag:s21], $0x2000  }
0x28: {  	[sflag:s21] =	ssyncset.done $0x0  }
0x29: {  	[sflag:s21] =	ssyncadd.s32 $0xFFFFE000  }
0x2a: {  	[spmem:s11] =	stream.linear.scatter [tilespmem:s20], [sflag:$0x2], $0x2000, $0x38;
	[tilespmem:$0x1A100] =	vst v63  }
0x2b: {  	_ =	swait.ge [sflag:s21], $0x2000  }
0x2c: {  	[sflag:s21] =	ssyncset.done $0x0  }
0x2d: {  	[sflag:s21] =	ssyncadd.s32 $0xFFFFE000  }
0x2e: {  	[spmem:s12] =	stream.linear.scatter [tilespmem:s20], [sflag:$0x2], $0x2000, $0x38;
	[tilespmem:$0x1A100] =	vst v63  }
0x2f: {  	_ =	swait.ge [sflag:s21], $0x2000  }
0x30: {  	[sflag:s21] =	ssyncset.done $0x0  }
0x31: {  	[sflag:s21] =	ssyncadd.s32 $0xFFFFE000  }
0x32: {  	[spmem:s13] =	stream.linear.scatter [tilespmem:s20], [sflag:$0x2], $0x2000, $0x38;
	[tilespmem:$0x1A100] =	vst v63  }
0x33: {  	_ =	swait.ge [sflag:s21], $0x2000  }
0x34: {  	[sflag:s21] =	ssyncset.done $0x0  }
0x35: {  	[sflag:s21] =	ssyncadd.s32 $0xFFFFE000  }
0x36: {  	[spmem:s14] =	stream.linear.scatter [tilespmem:s20], [sflag:$0x2], $0x2000, $0x38;
	[tilespmem:$0x1A100] =	vst v63  }
0x37: {  	_ =	swait.ge [sflag:s21], $0x2000  }
0x38: {  	[sflag:s21] =	ssyncset.done $0x0  }
0x39: {  	[sflag:s21] =	ssyncadd.s32 $0xFFFFE000  }
0x3a: {  	[spmem:s15] =	stream.linear.scatter [tilespmem:s20], [sflag:$0x2], $0x2000, $0x38;
	[tilespmem:$0x1A100] =	vst v63  }
0x3b: {  	_ =	swait.ge [sflag:s21], $0x2000  }
0x3c: {  	[sflag:s21] =	ssyncset.done $0x0  }
0x3d: {  	[sflag:s21] =	ssyncadd.s32 $0xFFFFE000  }
0x3e: {  	s29 =	sadd.s32 $0x0, s19;
	[bflag:$0x0] =	sbarrier.arrive $0xFFFF  }
0x3f: {  	[tilespmem:s3], [sflag:$0x2] =	stream.linear.gather [hbm4b:s29+s3], $0x80, $0x38;
	[tilespmem:$0x1A100] =	vst v63  }
0x40: {  	_ =	swait.ge [sflag:s21], $0x80  }
0x41: {  	[sflag:s21] =	ssyncset.done $0x0  }
0x42: {  	s29 =	sadd.s32 $0x0, s18;
	[sflag:s21] =	ssyncadd.s32 $0xFFFFFF80  }
0x43: {  	[tilespmem:s22], [sflag:$0x2] =	stream.linear.gather [hbm4b:s29+s3], $0x80, $0x38;
	[tilespmem:$0x1A100] =	vst v63  }
0x44: {  	_ =	swait.ge [sflag:s21], $0x80  }
0x45: {  	[sflag:s21] =	ssyncset.done $0x0  }
0x46: {  	[sflag:s21] =	ssyncadd.s32 $0xFFFFFF80  }
0x47: {  	[tilespmem:s23], [sflag:$0x1] =	stream.indirect.gather [hbm4b:s4+s22], $0x80, s3, s22, $0xb8;
	[tilespmem:$0x1A100] =	vst v63  }
0x48: {  	_ =	swait.ge [sflag:s24], $0x4000  }
0x49: {  	[sflag:s24] =	ssyncset.done $0x0  }
0x4a: {  	[sflag:s24] =	ssyncadd.s32 $0xFFFFC000  }
0x4b: {  	[spmem:s2] =	stream.indirect.scatter.add.f32 [tilespmem:s23], [sflag:$0x2], $0x80, s22, s22, $0xb8;
	[tilespmem:$0x1A100] =	vst v63  }
0x4c: {  	_ =	swait.ge [sflag:s21], $0x4000  }
0x4d: {  	s30 =	simm.s32 $0x20;
	s29 =	simm.s32 $0x10;
	[sflag:s21] =	ssyncset.done $0x0  }
.LBB2_2:
0x4e: {  	s31 =	sadd.s32 s29, s19  }
0x4f: {  	[sflag:s21] =	ssyncadd.s32 $0xFFFFC000;
	s0 =	smov.u32 s30;
	s1 =	sadd.s32 $0x10, s30  }
0x50: {  	[tilespmem:s3], [sflag:$0x2] =	stream.linear.gather [hbm4b:s31+s3], $0x80, $0x38;
	[tilespmem:$0x1A100] =	vst v63  }
0x51: {  	p0 =	sne.s32 s30, $0x4F0;
	_ =	swait.ge [sflag:s21], $0x80  }
0x52: {  	[sflag:s21] =	ssyncset.done $0x0  }
0x53: {  	s30 =	sadd.s32 s29, s18;
	s29 =	smov.u32 s0;
	[sflag:s21] =	ssyncadd.s32 $0xFFFFFF80  }
0x54: {  	[tilespmem:s22], [sflag:$0x2] =	stream.linear.gather [hbm4b:s30+s3], $0x80, $0x38;
	[tilespmem:$0x1A100] =	vst v63  }
0x55: {  	_ =	swait.ge [sflag:s21], $0x80  }
0x56: {  	[sflag:s21] =	ssyncset.done $0x0  }
0x57: {  	[sflag:s21] =	ssyncadd.s32 $0xFFFFFF80  }
0x58: {  	[tilespmem:s23], [sflag:$0x1] =	stream.indirect.gather [hbm4b:s4+s22], $0x80, s3, s22, $0xb8;
	[tilespmem:$0x1A100] =	vst v63  }
0x59: {  	_ =	swait.ge [sflag:s24], $0x4000  }
.Ltmp0:
0x5a: {  	[sflag:s24] =	ssyncset.done $0x0;
	(pc) =	sbr.rel @p0 .LBB2_2-.Ltmp0, $4  }
0x5b: {  	[sflag:s24] =	ssyncadd.s32 $0xFFFFC000  }
0x5c: {  	[spmem:s2] =	stream.indirect.scatter.add.f32 [tilespmem:s23], [sflag:$0x2], $0x80, s22, s22, $0xb8;
	[tilespmem:$0x1A100] =	vst v63  }
0x5d: {  	_ =	swait.ge [sflag:s21], $0x4000  }
0x5e: {  	s30 =	smov.u32 s1;
	[sflag:s21] =	ssyncset.done $0x0  }
0x5f: {  	s0 =	sadd.s32 s29, s19;
	[sflag:s21] =	ssyncadd.s32 $0xFFFFC000  }
0x60: {  	[tilespmem:s3], [sflag:$0x2] =	stream.linear.gather [hbm4b:s0+s3], $0x80, $0x38;
	[tilespmem:$0x1A100] =	vst v63  }
0x61: {  	_ =	swait.ge [sflag:s21], $0x80  }
0x62: {  	[sflag:s21] =	ssyncset.done $0x0  }
0x63: {  	s31 =	sadd.s32 s29, s18;
	[sflag:s21] =	ssyncadd.s32 $0xFFFFFF80  }
0x64: {  	[tilespmem:s22], [sflag:$0x2] =	stream.linear.gather [hbm4b:s31+s3], $0x80, $0x38;
	[tilespmem:$0x1A100] =	vst v63  }
0x65: {  	_ =	swait.ge [sflag:s21], $0x80  }
0x66: {  	[sflag:s21] =	ssyncset.done $0x0  }
0x67: {  	[sflag:s21] =	ssyncadd.s32 $0xFFFFFF80  }
0x68: {  	[tilespmem:s23], [sflag:$0x1] =	stream.indirect.gather [hbm4b:s4+s22], $0x80, s3, s22, $0xb8;
	[tilespmem:$0x1A100] =	vst v63  }
0x69: {  	_ =	swait.ge [sflag:s24], $0x4000  }
0x6a: {  	[sflag:s24] =	ssyncset.done $0x0  }
0x6b: {  	[sflag:s24] =	ssyncadd.s32 $0xFFFFC000  }
0x6c: {  	[spmem:s2] =	stream.indirect.scatter.add.f32 [tilespmem:s23], [sflag:$0x2], $0x80, s22, s22, $0xb8;
	[tilespmem:$0x1A100] =	vst v63  }
0x6d: {  	_ =	swait.ge [sflag:s21], $0x4000  }
0x6e: {  	s28 =	sadd.s32 $0x1, s28;
	[sflag:s21] =	ssyncset.done $0x0  }
0x6f: {  	p0 =	sne.s32 s28, s17;
	[sflag:s21] =	ssyncadd.s32 $0xFFFFC000  }
.Ltmp1:
0x70: {  	[bflag:$0x0] =	sbarrier.arrive $0xFFFF;
	(pc) =	sbr.rel @p0 .LBB2_1-.Ltmp1, $4  }
0x71: {  	[hbm:s16], [sflag:s25] =	dma.local [spmem:s26], $0x2800  }
0x72: {  	_ =	swait.ge [sflag:s21], $0x2800  }
0x73: {  	[sflag:s21] =	ssyncset.done $0x0  }
0x74: {  	[sflag:s21] =	ssyncadd.s32 $0xFFFFD800  }
0x75: {  	_ =	sfence.sel $0x180000  }
0x76: {  	[bflag:$0x0] =	sbarrier.arrive $0xFFFF  }
0x77: {  	_ =	strace $0x9000004A  }
0x78: {  	s0 =	stileid.u32;
	[bflag:$0x2] =	sbarrier.arrive $0xFFFF  }
0x79: {  	p0 =	sne.s32 s0, $0x0;
	s0 =	rddreg [dreg:$0x2]  }
0x7a: {  	s0 =	sadd.s32 @!p0 $0x100000, s0  }
0x7b: {  	[sflag:s0] =	ssyncadd.tile.s32 @!p0 $0x1;
	_ =	shalt  }
.Lfunc_end2:
_tile_overlayer_lowered:
.L_overlay_start_2:
0x7c: {  	(tag) =	ssettag $0x2  }
0x7d: {  	s0 =	rddreg [dreg:$0x0];
	s2 =	stileid.u32  }
0x7e: {  	s1 =	rddreg [dreg:$0x1];
	p0 =	sne.s32 s2, $0x0  }
0x7f: {  	s3 =	rddreg [dreg:$0x2];
	[bflag:$0x3] =	sbarrier.arrive $0xFFFF;
	s2 =	simm.s32 @!p0 $0x1C02  }
0x80: {  	[timem:s3], [sflag:s2] =	dma.local @!p0 [hbm:s0], s1  }
0x81: {  	s0 =	simm.s32 @!p0 $0x2  }
0x82: {  	_ =	swait.ge @!p0 [sflag:s0], s1  }
0x83: {  	s1 =	ssub.s32 @!p0 $0x0, s1;
	[sflag:s0] =	ssyncset.done @!p0 $0x0  }
0x84: {  	[sflag:s0] =	ssyncadd.s32 @!p0 s1  }
0x85: {  	[bflag:$0x3] =	sbarrier.arrive $0xFFFF  }
0x86: {  	_ =	shalt  }

// kernel: kernel.25.cloned.1.call-start
scs
__scs_entry_jumppad:
0x0: {  	(pc) =	sbr.rel $0x88, $3  }
0x1: {  	(tag) =	ssettag $0x0;
	lr =	simm.s32 $0x1  }
0x2: {  	[smem:$0x3F95] =	sst lr;
	_ =	strace $0xD0000000  }
0x3: {  	_ = 	snop  }
0x4: {  	_ = 	snop  }
0x5: {  	_ = 	snop  }
0x6: {  	_ = 	snop  }
0x7: {  	_ = 	snop  }
__scs_overlays_trampoline_lowered:
0x8: {  	[smem:$0x3FA4] =	sst s0  }
0x9: {  	[smem:$0x3FA5] =	sst s1  }
0xa: {  	[smem:$0x3FA6] =	sst s2  }
0xb: {  	[smem:$0x3FA7] =	sst s3  }
0xc: {  	[smem:$0x3FA8] =	sst s4  }
0xd: {  	[smem:$0x3FA9] =	sst s5  }
0xe: {  	[smem:$0x3FAA] =	sst s6  }
0xf: {  	[smem:$0x3FAB] =	sst s7  }
0x10: {  	[smem:$0x3FAC] =	sst s8  }
0x11: {  	[smem:$0x3FAD] =	sst s9;
	s0 =	simm.s32 @!p0 $0x0  }
0x12: {  	s1 =	sld [smem:$0x3F93];
	s0 =	simm.s32 @p0 $0x1  }
0x13: {  	[smem:$0x3FAE] =	sst s0;
	s0 =	simm.s32 @!p1 $0x0  }
0x14: {  	s2 =	sld [smem:$0x3F92];
	s0 =	simm.s32 @p1 $0x1  }
0x15: {  	[smem:$0x3FAF] =	sst s0;
	s0 =	simm.s32 @!p2 $0x0  }
0x16: {  	s3 =	sld [smem:$0x3FDB];
	s0 =	simm.s32 @p2 $0x1  }
0x17: {  	s4 =	simm.s32 $0x1BF5;
	[smem:$0x3FB1] =	sst s0  }
0x18: {  	s0 =	sld [smem:$0x3F94];
	_ =	swait.ge [sflag:s4], $0x0  }
0x19: {  	s7 =	sld [smem:$0x3F95]  }
0x1a: {  	s8 =	sadd.s32 $0xFFFFE003, lr  }
0x1b: {  	s9 =	sadd.s32 $0xFFFFFEF7, lr;
	s5 =	simm.s32 $0xFFFFFFFF;
	p2 =	slt.u32 s8, $0xFFFFF086  }
0x1c: {  	p1 =	slt.u32 s9, $0xF7A;
	s5 =	simm.s32 @!p2 $0x0  }
0x1d: {  	s5 =	simm.s32 @p1 $0x1;
	p0 =	seq.s32 s7, s2  }
0x1e: {  	s7 =	smul.u32 @!p0 $0xF7A, s2;
	p2 =	seq.s32 @!p0 s5, $0x0  }
0x1f: {  	s9 =	smul.u32 $0xF7A, s1;
	s8 =	simm.s32 @!p0 $0x1BF5;
	p2 =	por !p2, p0  }
0x20: {  	[sflag:s8] =	ssyncset.s32 @!p0 $0xFFFFF086;
	s6 =	sadd.s32 @!p0 s3, s7;
	s7 =	simm.s32 @!p0 $0x108  }
0x21: {  	s3 =	sadd.s32 s3, s9;
	s6 =	sadd.s32 @!p0 $0x88, s6;
	s7 =	simm.s32 @p2 $0x1082  }
0x22: {  	[simem:s7], [sflag:s8] =	dma.local @!p0 [hbm:s6], $0xF7A  }
0x23: {  	s9 =	sor.u32 $0xD0000000, s2;
	s6 =	simm.s32 $0x108;
	_ =	swait.ge @!p0 [sflag:s8], $0x0  }
0x24: {  	s3 =	sadd.s32 $0x88, s3;
	s6 =	simm.s32 @!p1 $0x1082;
	[sflag:s4] =	ssyncset.s32 $0xFFFFF086  }
0x25: {  	[simem:s6], [sflag:s4] =	dma.local [hbm:s3], $0xF7A  }
0x26: {  	[smem:$0x3F95] =	sst s1;
	(tag) =	ssettag s2;
	_ =	strace s9  }
0x27: {  	s1 =	sld [smem:$0x3FA5]  }
0x28: {  	s2 =	sld [smem:$0x3FA6]  }
0x29: {  	s4 =	sld [smem:$0x3FA8]  }
0x2a: {  	p0 =	seq.s32 s5, $0x0;
	s5 =	sld [smem:$0x3FA9]  }
0x2b: {  	s6 =	sld [smem:$0x3FAA]  }
0x2c: {  	s7 =	sld [smem:$0x3FAB]  }
0x2d: {  	s3 =	simm.s32 $0x108;
	s8 =	sld [smem:$0x3FAC]  }
0x2e: {  	s3 =	simm.s32 @!p0 $0x1082;
	s9 =	sld [smem:$0x3FAD]  }
0x2f: {  	lr =	sadd.s32 s0, s3;
	s0 =	sld [smem:$0x3FA4]  }
0x30: {  	s3 =	sld [smem:$0x3FA7]  }
0x31: {  	[smem:$0x3FB0] =	sst s10  }
0x32: {  	s10 =	sld [smem:$0x3FAE];
	_ =	sdelay $0x3  }
0x33: {  	p0 =	seq.s32 s10, $0x1;
	s10 =	sld [smem:$0x3FB0];
	_ =	sdelay $0x3  }
0x34: {  	[smem:$0x3FB0] =	sst s10  }
0x35: {  	s10 =	sld [smem:$0x3FAF];
	_ =	sdelay $0x3  }
0x36: {  	p1 =	seq.s32 s10, $0x1;
	s10 =	sld [smem:$0x3FB0];
	_ =	sdelay $0x3  }
0x37: {  	[smem:$0x3FB0] =	sst s10  }
0x38: {  	s10 =	sld [smem:$0x3FB1]  }
0x39: {  	_ = 	snop;
	(pc) =	sbr.ind lr, $3  }
0x3a: {  	_ = 	snop  }
0x3b: {  	_ = 	snop  }
0x3c: {  	p2 =	seq.s32 s10, $0x1;
	s10 =	sld [smem:$0x3FB0]  }
0x3d: {  	_ =	shalt  }
0x3e: {  	_ =	shalt  }
0x3f: {  	_ =	shalt  }
0x40: {  	_ =	shalt  }
0x41: {  	_ =	shalt  }
0x42: {  	_ =	shalt  }
0x43: {  	_ =	shalt  }
0x44: {  	_ =	shalt  }
0x45: {  	_ =	shalt  }
0x46: {  	_ =	shalt  }
0x47: {  	_ =	shalt  }
0x48: {  	_ =	shalt  }
0x49: {  	_ =	shalt  }
0x4a: {  	_ =	shalt  }
0x4b: {  	_ =	shalt  }
0x4c: {  	_ =	shalt  }
0x4d: {  	_ =	shalt  }
0x4e: {  	_ =	shalt  }
0x4f: {  	_ =	shalt  }
0x50: {  	_ =	shalt  }
0x51: {  	_ =	shalt  }
0x52: {  	_ =	shalt  }
0x53: {  	_ =	shalt  }
0x54: {  	_ =	shalt  }
0x55: {  	_ =	shalt  }
0x56: {  	_ =	shalt  }
0x57: {  	_ =	shalt  }
0x58: {  	_ =	shalt  }
0x59: {  	_ =	shalt  }
0x5a: {  	_ =	shalt  }
0x5b: {  	_ =	shalt  }
0x5c: {  	_ =	shalt  }
0x5d: {  	_ =	shalt  }
0x5e: {  	_ =	shalt  }
0x5f: {  	_ =	shalt  }
0x60: {  	_ =	shalt  }
0x61: {  	_ =	shalt  }
0x62: {  	_ =	shalt  }
0x63: {  	_ =	shalt  }
0x64: {  	_ =	shalt  }
0x65: {  	_ =	shalt  }
0x66: {  	_ =	shalt  }
0x67: {  	_ =	shalt  }
0x68: {  	_ =	shalt  }
0x69: {  	_ =	shalt  }
0x6a: {  	_ =	shalt  }
0x6b: {  	_ =	shalt  }
0x6c: {  	_ =	shalt  }
0x6d: {  	_ =	shalt  }
0x6e: {  	_ =	shalt  }
0x6f: {  	_ =	shalt  }
0x70: {  	_ =	shalt  }
0x71: {  	_ =	shalt  }
0x72: {  	_ =	shalt  }
0x73: {  	_ =	shalt  }
0x74: {  	_ =	shalt  }
0x75: {  	_ =	shalt  }
0x76: {  	_ =	shalt  }
0x77: {  	_ =	shalt  }
0x78: {  	_ =	shalt  }
0x79: {  	_ =	shalt  }
0x7a: {  	_ =	shalt  }
0x7b: {  	_ =	shalt  }
0x7c: {  	_ =	shalt  }
0x7d: {  	_ =	shalt  }
0x7e: {  	_ =	shalt  }
0x7f: {  	_ =	shalt  }
0x80: {  	_ =	shalt  }
0x81: {  	_ =	shalt  }
0x82: {  	_ =	shalt  }
0x83: {  	_ =	shalt  }
0x84: {  	_ =	shalt  }
0x85: {  	_ =	shalt  }
0x86: {  	_ =	shalt  }
0x87: {  	_ =	shalt  }
.Lfunc_end0:
.L_simem_size_0:
called_computation.3_lowered:
.L_overlay_start_0:
0x88: {  	s2 =	sld [smem:$0x3FD9]  }
0x89: {  	s3 =	sld [smem:$0x3FFE];
	_ =	sdelay $0x1  }
0x8a: {  	s1 =	srdreg.scid  }
0x8b: {  	s0 =	sand.u32 $0x1, s1  }
0x8c: {  	s16 =	sshll.u32 s0, $0xA;
	s2 =	sadd.s32 s3, s2  }
0x8d: {  	s2 =	sadd.s32 s2, s16  }
0x8e: {  	[smem:$0x3FBC] =	sst s2  }
0x8f: {  	_ = 	snop  }
0x90: {  	(tm) =	ssettm $0x1  }
0x91: {  	s17 =	sld [smem:$0x3FFB];
	_ =	sdelay $0x3  }
0x92: {  	_ =	strace s17  }
0x93: {  	s2 =	sld [smem:$0x3FFC];
	_ =	sdelay $0x3  }
0x94: {  	_ =	strace s2  }
0x95: {  	s2 =	sld [smem:$0x3FFD];
	_ =	sdelay $0x3  }
0x96: {  	_ =	strace s2  }
0x97: {  	_ =	strace $0x8FFFFFFF  }
0x98: {  	s18 =	sld [smem:$0x3FDB];
	_ =	sdelay $0x1  }
0x99: {  	s19 =	simm.s32 $_scs_section_size  }
0x9a: {  	s4 =	simm.s32 $_size__tile_overlayer_lowered;
	s5 =	simm.s32 $_tile_overlayer_lowered  }
0x9b: {  	s22 =	simm.s32 $0x1BFF;
	s21 =	sshll.u32 s5, $0x1;
	s2 =	sadd.s32 s19, s18  }
0x9c: {  	s6 =	simm.s32 $0x0;
	s20 =	sshll.u32 s4, $0x1;
	s4 =	sadd.s32 s21, s2  }
0x9d: {  	[timem:s6], [sflag:s22] =	dma.local [hbm:s4], s20  }
0x9e: {  	_ =	swait.ge [sflag:s22], s20  }
0x9f: {  	s3 =	ssub.s32 $0x0, s20;
	[sflag:s22] =	ssyncset.done $0x0  }
0xa0: {  	[sflag:s22] =	ssyncadd.s32 s3;
	_ =	sdelay $0x1  }
0xa1: {  	s23 =	simm.s32 $0x1B8B  }
0xa2: {  	_ =	swait.ge [sflag:s23], $0x1  }
0xa3: {  	[sflag:s23] =	ssyncset.done $0x0  }
0xa4: {  	s25 =	simm.s32 $0x1B8E;
	s24 =	sld [smem:$0x3FFE];
	[sflag:s23] =	ssyncadd.s32 $0xFFFFFFFF  }
0xa5: {  	s26 =	simm.s32 $execute0_lowered;
	[smem:$0x3FD2] =	sst s25  }
0xa6: {  	s4 =	sshll.u32 s26, $0x1;
	_ =	strace $0x8000004F;
	[dreg:$0x1] =	wrdreg $0xFFFFFFFF  }
0xa7: {  	s28 =	simm.s32 $_size_execute0_lowered;
	s2 =	sadd.s32 s2, s4;
	[dreg:$0x0] =	wrdreg $0x0  }
0xa8: {  	s4 =	sshll.u32 s28, $0x1;
	[dreg:$0x2] =	wrdreg s2  }
0xa9: {  	[dreg:$0x3] =	wrdreg s4  }
0xaa: {  	[dreg:$0x4] =	wrdreg $0xC0  }
0xab: {  	_ =	task [dreg:s6], $0x5FFFF  }
0xac: {  	[dreg:$0x1] =	wrdreg $0xFFFFFFFF  }
0xad: {  	[dreg:$0x0] =	wrdreg $0x60  }
0xae: {  	[dreg:$0x2] =	wrdreg s24  }
0xaf: {  	[dreg:$0x3] =	wrdreg $0x61000  }
0xb0: {  	[dreg:$0x4] =	wrdreg $0x9  }
0xb1: {  	_ =	task.clear_ibuf [dreg:s6], $0x5FFFF;
	_ =	strace $0x9000004F  }
0xb2: {  	s29 =	simm.s32 $0x9;
	_ =	strace $0x80000051  }
0xb3: {  	_ =	swait.ge [sflag:s29], $0x1  }
0xb4: {  	[sflag:s29] =	ssyncadd.s32 $0xFFFFFFFF  }
0xb5: {  	_ =	strace $0x90000051  }
0xb6: {  	_ =	sfence  }
0xb7: {  	s30 =	sld [smem:$0x0];
	_ =	sdelay $0x2  }
0xb8: {  	s31 =	sshll.u32 s1, $0xD;
	s1 =	sshrl.u32 s1, $0x2  }
0xb9: {  	s3 =	sand.u32 $0x4000, s31;
	s1 =	sadd.s32 s1, s30  }
0xba: {  	s0 =	sor.u32 s3, s0;
	s1 =	sshll.u32 s1, $0x11  }
0xbb: {  	s0 =	sor.u32 s1, s0  }
0xbc: {  	s0 =	sadd.s32 $0x8F2B, s0  }
0xbd: {  	[sflag:s0] =	ssyncadd.remote.s32 $0x1  }
0xbe: {  	_ =	sfence.sel $0xFFFF  }
0xbf: {  	[dreg:$0x0] =	wrdreg $0xFFFFFFFF;
	(pc) =	sbr.abs _section_cstart, $3  }
0xc0: {  	[dreg:$0x1] =	wrdreg $0xFFFFFFFF  }
0xc1: {  	_ =	task.clear_ibuf [dreg:s6], $0x2FFFF;
	_ =	strace $0x9FFFFFFF  }
0xc2: {  	(tm) =	ssettm $0x7FFFFFFF  }
0xc3: {  	_ =	shalt  }
tec
execute0_lowered:
.L_overlay_start_1:
0x0: {  	(tag) =	ssettag $0x1  }
0x1: {  	s6 =	rddreg [dreg:$0x0]  }
0x2: {  	s2 =	rddreg [dreg:$0x1]  }
0x3: {  	s0 =	rddreg [dreg:$0x2];
	s3 =	simm.s32 $0x0  }
0x4: {  	s1 =	stileid.u32;
	s4 =	srdreg.scid;
	s13 =	simm.s32 $0x2  }
0x5: {  	s14 =	simm.s32 $0x7500;
	s15 =	simm.s32 $0x1;
	s16 =	simm.s32 $0x80  }
0x6: {  	s17 =	simm.s32 $0x100;
	s20 =	simm.s32 $0x0;
	s5 =	smul.u32 $0xA00, s1  }
0x7: {  	[smem:$0x7FF] =	sst s3;
	s7 =	sand.u32 $0x1, s4;
	s11 =	smul.u32 $0x1400, s1  }
0x8: {  	s4 =	sadd.s32 $0x90C00, s6;
	s9 =	sshll.u32 s1, $0x5;
	s29 =	smul.u32 $0x5000, s1  }
0x9: {  	s18 =	sshll.u32 s1, $0x6;
	_ =	strace $0x80000050;
	s8 =	smul.u32 $0x14000, s7  }
0xa: {  	s10 =	sshll.u32 s7, $0x4;
	s30 =	ssub.s32 $0x2, s7;
	s7 =	smul.u32 $0x500, s7  }
0xb: {  	s18 =	sor.u32 $0x1C02, s18;
	s12 =	sadd.s32 s5, s6;
	s5 =	sadd.s32 $0xE000, s6  }
0xc: {  	s9 =	sor.u32 s10, s9;
	s31 =	sshrl.u32 s30, $0x1;
	s10 =	sshrl.u32 s29, $0x2  }
.Ltmp0:
0xd: {  	s9 =	sadd.s32 s9, s6;
	s8 =	sadd.s32 s11, s8;
	(pc) =	sbr.rel .LBB2_1-.Ltmp0, $4  }
0xe: {  	s11 =	ssub.s32 s30, s31;
	s12 =	sadd.s32 s7, s12;
	s8 =	sshrl.u32 s8, $0x3  }
0xf: {  	s7 =	sadd.s32 $0xEA00, s9;
	s9 =	sadd.s32 $0x163200, s12;
	s8 =	sadd.s32 s8, s6  }
0x10: {  	s6 =	sadd.s32 s10, s2;
	s10 =	smax.u32 s11, $0x1;
	s11 =	sadd.s32 $0x159200, s12  }
0x11: {  	s12 =	simm.s32 $0x4100;
	s8 =	sadd.s32 $0x4000, s8;
	s19 =	sshrl.u32 s6, $0x3  }
.LBB2_4:
0x12: {  	[sflag:s13] =	ssyncadd.s32 $0xFFFFC000  }
.LBB2_5:
0x13: {  	s20 =	sadd.s32 $0x1, s20  }
0x14: {  	p0 =	sne.s32 s20, s10  }
.Ltmp1:
0x15: {  	[bflag:$0x0] =	sbarrier.arrive $0xFFFF;
	(pc) =	sbr.rel @!p0 .LBB2_6-.Ltmp1, $4  }
0x16: {  	[hbm:s8], [sflag:s18] =	dma.local [spmem:s19], $0x280  }
0x17: {  	_ =	swait.ge [sflag:s13], $0x280  }
0x18: {  	[sflag:s13] =	ssyncset.done $0x0  }
0x19: {  	[sflag:s13] =	ssyncadd.s32 $0xFFFFFD80  }
.LBB2_1:
0x1a: {  	[tilespmem:s12], [sflag:$0x2] =	stream.linear.gather [hbm4b:s5+s3], $0x2000, $0x38;
	[tilespmem:$0x7580] =	vst v63  }
0x1b: {  	_ =	swait.ge [sflag:s13], $0x2000  }
0x1c: {  	[sflag:s13] =	ssyncset.done $0x0  }
0x1d: {  	[sflag:s13] =	ssyncadd.s32 $0xFFFFE000  }
0x1e: {  	[spmem:s6] =	stream.linear.scatter [tilespmem:s12], [sflag:$0x2], $0x1400, $0x38;
	[tilespmem:$0x7580] =	vst v63  }
0x1f: {  	_ =	swait.ge [sflag:s13], $0x1400  }
0x20: {  	[sflag:s13] =	ssyncset.done $0x0  }
0x21: {  	[sflag:s13] =	ssyncadd.s32 $0xFFFFEC00  }
0x22: {  	[bflag:$0x0] =	sbarrier.arrive $0xFFFF  }
0x23: {  	[tilespmem:s14], [sflag:$0x2] =	stream.linear.gather [hbm4b:s7+s3], $0x80, $0x38;
	[tilespmem:$0x7580] =	vst v63  }
0x24: {  	_ =	swait.ge [sflag:s13], $0x80  }
0x25: {  	[sflag:s13] =	ssyncset.done $0x0  }
0x26: {  	[sflag:s13] =	ssyncadd.s32 $0xFFFFFF80  }
0x27: {  	v0 =	vld [tilespmem:$0x7500];
	_ =	sdelay $0x4  }
0x28: {  	v0 =	vxor.u32 $0x80000000, v0  }
0x29: {  	(xrf0) =	vmax.scan.msk.u32 $0xffff, v0;
	_ =	sdelay $0x5  }
0x2a: {  	v0, _, _ =	vpop (xrf0)  }
0x2b: {  	(v2sf) =	vpush v0, $0xF;
	_ =	sdelay $0xe  }
0x2c: {  	s21 =	spop (v2sf)  }
0x2d: {  	s21 =	sadd.s32 $0x8000007F, s21  }
0x2e: {  	s22 =	sand.u32 $0x7F, s21  }
0x2f: {  	s31 =	sshra.s32 s21, $0x1F;
	p1 =	slt.s32 s21, $0x1;
	p0 =	sne.s32 s22, $0x0  }
0x30: {  	s22 =	sshrl.u32 s31, $0x19;
	p0 =	por !p1, !p0  }
0x31: {  	s21 =	sadd.s32 s22, s21;
	s22 =	simm.s32 $0x1;
	p0 =	por !p0, !p0  }
0x32: {  	s21 =	sshra.s32 s21, $0x7;
	s22 =	simm.s32 @!p0 $0x0  }
0x33: {  	s21 =	ssub.s32 s21, s22  }
0x34: {  	p0 =	slt.s32 s21, $0x1  }
.Ltmp2:
0x35: {  	_ = 	snop;
	(pc) =	sbr.rel @p0 .LBB2_5-.Ltmp2, $1  }
0x36: {  	_ =	sdelay $0x3  }
0x37: {  	[tilespmem:s3], [sflag:$0x2] =	stream.linear.gather [hbm4b:s11+s3], $0x80, $0x38;
	[tilespmem:$0x7580] =	vst v63  }
0x38: {  	_ =	swait.ge [sflag:s13], $0x80  }
0x39: {  	[sflag:s13] =	ssyncset.done $0x0  }
0x3a: {  	[sflag:s13] =	ssyncadd.s32 $0xFFFFFF80  }
0x3b: {  	[tilespmem:s16], [sflag:$0x2] =	stream.linear.gather [hbm4b:s9+s3], $0x80, $0x38;
	[tilespmem:$0x7580] =	vst v63  }
0x3c: {  	_ =	swait.ge [sflag:s13], $0x80  }
0x3d: {  	[sflag:s13] =	ssyncset.done $0x0  }
0x3e: {  	[sflag:s13] =	ssyncadd.s32 $0xFFFFFF80  }
0x3f: {  	[tilespmem:s17], [sflag:$0x1] =	stream.indirect.gather [hbm4b:s4+s16], $0x80, s3, s16, $0xb8;
	[tilespmem:$0x7580] =	vst v63  }
0x40: {  	p0 =	sne.s32 s21, $0x1;
	_ =	swait.ge [sflag:s15], $0x4000  }
.Ltmp3:
0x41: {  	[sflag:s15] =	ssyncset.done $0x0;
	(pc) =	sbr.rel @!p0 .LBB2_4-.Ltmp3, $4  }
0x42: {  	[sflag:s15] =	ssyncadd.s32 $0xFFFFC000  }
0x43: {  	[spmem:s2] =	stream.indirect.scatter.add.f32 [tilespmem:s17], [sflag:$0x2], $0x80, s16, s16, $0xb8;
	[tilespmem:$0x7580] =	vst v63  }
0x44: {  	s21 =	sadd.s32 $0xFFFFFFFF, s21;
	_ =	swait.ge [sflag:s13], $0x4000  }
0x45: {  	s22 =	smov.u32 s9;
	s23 =	smov.u32 s11;
	[sflag:s13] =	ssyncset.done $0x0  }
.LBB2_3:
0x46: {  	[sflag:s13] =	ssyncadd.s32 $0xFFFFC000;
	s22 =	sadd.s32 $0x10, s22;
	s23 =	sadd.s32 $0x10, s23  }
0x47: {  	[tilespmem:s3], [sflag:$0x2] =	stream.linear.gather [hbm4b:s23+s3], $0x80, $0x38;
	[tilespmem:$0x7580] =	vst v63  }
0x48: {  	p0 =	sne.s32 s21, $0x1;
	s21 =	sadd.s32 $0xFFFFFFFF, s21;
	_ =	swait.ge [sflag:s13], $0x80  }
0x49: {  	[sflag:s13] =	ssyncset.done $0x0  }
0x4a: {  	[sflag:s13] =	ssyncadd.s32 $0xFFFFFF80  }
0x4b: {  	[tilespmem:s16], [sflag:$0x2] =	stream.linear.gather [hbm4b:s22+s3], $0x80, $0x38;
	[tilespmem:$0x7580] =	vst v63  }
0x4c: {  	_ =	swait.ge [sflag:s13], $0x80  }
0x4d: {  	[sflag:s13] =	ssyncset.done $0x0  }
0x4e: {  	[sflag:s13] =	ssyncadd.s32 $0xFFFFFF80  }
0x4f: {  	[tilespmem:s17], [sflag:$0x1] =	stream.indirect.gather [hbm4b:s4+s16], $0x80, s3, s16, $0xb8;
	[tilespmem:$0x7580] =	vst v63  }
0x50: {  	_ =	swait.ge [sflag:s15], $0x4000  }
.Ltmp4:
0x51: {  	[sflag:s15] =	ssyncset.done $0x0;
	(pc) =	sbr.rel @p0 .LBB2_3-.Ltmp4, $4  }
0x52: {  	[sflag:s15] =	ssyncadd.s32 $0xFFFFC000  }
0x53: {  	[spmem:s2] =	stream.indirect.scatter.add.f32 [tilespmem:s17], [sflag:$0x2], $0x80, s16, s16, $0xb8;
	[tilespmem:$0x7580] =	vst v63  }
0x54: {  	_ =	swait.ge [sflag:s13], $0x4000  }
0x55: {  	[sflag:s13] =	ssyncset.done $0x0  }
.Ltmp5:
0x56: {  	_ = 	snop;
	(pc) =	sbr.rel .LBB2_4-.Ltmp5, $1  }
0x57: {  	_ =	sdelay $0x3  }
.LBB2_6:
0x58: {  	_ =	sfence.sel $0x180000  }
0x59: {  	[bflag:$0x0] =	sbarrier.arrive $0xFFFF  }
0x5a: {  	p0 =	sne.s32 s1, $0x0;
	_ =	strace $0x90000050  }
0x5b: {  	s0 =	sadd.s32 @!p0 $0x100000, s0;
	[bflag:$0x2] =	sbarrier.arrive $0xFFFF  }
0x5c: {  	[sflag:s0] =	ssyncadd.tile.s32 @!p0 $0x1;
	_ =	shalt  }
.Lfunc_end2:
_tile_overlayer_lowered:
.L_overlay_start_2:
0x5d: {  	(tag) =	ssettag $0x2  }
0x5e: {  	s0 =	rddreg [dreg:$0x0];
	s2 =	stileid.u32  }
0x5f: {  	s1 =	rddreg [dreg:$0x1];
	p0 =	sne.s32 s2, $0x0  }
0x60: {  	s3 =	rddreg [dreg:$0x2];
	[bflag:$0x3] =	sbarrier.arrive $0xFFFF;
	s2 =	simm.s32 @!p0 $0x1C02  }
0x61: {  	[timem:s3], [sflag:s2] =	dma.local @!p0 [hbm:s0], s1  }
0x62: {  	s0 =	simm.s32 @!p0 $0x2  }
0x63: {  	_ =	swait.ge @!p0 [sflag:s0], s1  }
0x64: {  	s1 =	ssub.s32 @!p0 $0x0, s1;
	[sflag:s0] =	ssyncset.done @!p0 $0x0  }
0x65: {  	[sflag:s0] =	ssyncadd.s32 @!p0 s1  }
0x66: {  	[bflag:$0x3] =	sbarrier.arrive $0xFFFF  }
0x67: {  	_ =	shalt  }

// kernel: kernel.28.cloned.1.call-start
scs
__scs_entry_jumppad:
0x0: {  	(pc) =	sbr.rel $0x88, $3  }
0x1: {  	(tag) =	ssettag $0x0;
	lr =	simm.s32 $0x1  }
0x2: {  	[smem:$0x3F95] =	sst lr;
	_ =	strace $0xD0000000  }
0x3: {  	_ = 	snop  }
0x4: {  	_ = 	snop  }
0x5: {  	_ = 	snop  }
0x6: {  	_ = 	snop  }
0x7: {  	_ = 	snop  }
__scs_overlays_trampoline_lowered:
0x8: {  	[smem:$0x3FA4] =	sst s0  }
0x9: {  	[smem:$0x3FA5] =	sst s1  }
0xa: {  	[smem:$0x3FA6] =	sst s2  }
0xb: {  	[smem:$0x3FA7] =	sst s3  }
0xc: {  	[smem:$0x3FA8] =	sst s4  }
0xd: {  	[smem:$0x3FA9] =	sst s5  }
0xe: {  	[smem:$0x3FAA] =	sst s6  }
0xf: {  	[smem:$0x3FAB] =	sst s7  }
0x10: {  	[smem:$0x3FAC] =	sst s8  }
0x11: {  	[smem:$0x3FAD] =	sst s9;
	s0 =	simm.s32 @!p0 $0x0  }
0x12: {  	s1 =	sld [smem:$0x3F93];
	s0 =	simm.s32 @p0 $0x1  }
0x13: {  	[smem:$0x3FAE] =	sst s0;
	s0 =	simm.s32 @!p1 $0x0  }
0x14: {  	s2 =	sld [smem:$0x3F92];
	s0 =	simm.s32 @p1 $0x1  }
0x15: {  	[smem:$0x3FAF] =	sst s0;
	s0 =	simm.s32 @!p2 $0x0  }
0x16: {  	s3 =	sld [smem:$0x3FDB];
	s0 =	simm.s32 @p2 $0x1  }
0x17: {  	s4 =	simm.s32 $0x1BF5;
	[smem:$0x3FB1] =	sst s0  }
0x18: {  	s0 =	sld [smem:$0x3F94];
	_ =	swait.ge [sflag:s4], $0x0  }
0x19: {  	s7 =	sld [smem:$0x3F95]  }
0x1a: {  	s8 =	sadd.s32 $0xFFFFE003, lr  }
0x1b: {  	s9 =	sadd.s32 $0xFFFFFEF7, lr;
	s5 =	simm.s32 $0xFFFFFFFF;
	p2 =	slt.u32 s8, $0xFFFFF086  }
0x1c: {  	p1 =	slt.u32 s9, $0xF7A;
	s5 =	simm.s32 @!p2 $0x0  }
0x1d: {  	s5 =	simm.s32 @p1 $0x1;
	p0 =	seq.s32 s7, s2  }
0x1e: {  	s7 =	smul.u32 @!p0 $0xF7A, s2;
	p2 =	seq.s32 @!p0 s5, $0x0  }
0x1f: {  	s9 =	smul.u32 $0xF7A, s1;
	s8 =	simm.s32 @!p0 $0x1BF5;
	p2 =	por !p2, p0  }
0x20: {  	[sflag:s8] =	ssyncset.s32 @!p0 $0xFFFFF086;
	s6 =	sadd.s32 @!p0 s3, s7;
	s7 =	simm.s32 @!p0 $0x108  }
0x21: {  	s3 =	sadd.s32 s3, s9;
	s6 =	sadd.s32 @!p0 $0x88, s6;
	s7 =	simm.s32 @p2 $0x1082  }
0x22: {  	[simem:s7], [sflag:s8] =	dma.local @!p0 [hbm:s6], $0xF7A  }
0x23: {  	s9 =	sor.u32 $0xD0000000, s2;
	s6 =	simm.s32 $0x108;
	_ =	swait.ge @!p0 [sflag:s8], $0x0  }
0x24: {  	s3 =	sadd.s32 $0x88, s3;
	s6 =	simm.s32 @!p1 $0x1082;
	[sflag:s4] =	ssyncset.s32 $0xFFFFF086  }
0x25: {  	[simem:s6], [sflag:s4] =	dma.local [hbm:s3], $0xF7A  }
0x26: {  	[smem:$0x3F95] =	sst s1;
	(tag) =	ssettag s2;
	_ =	strace s9  }
0x27: {  	s1 =	sld [smem:$0x3FA5]  }
0x28: {  	s2 =	sld [smem:$0x3FA6]  }
0x29: {  	s4 =	sld [smem:$0x3FA8]  }
0x2a: {  	p0 =	seq.s32 s5, $0x0;
	s5 =	sld [smem:$0x3FA9]  }
0x2b: {  	s6 =	sld [smem:$0x3FAA]  }
0x2c: {  	s7 =	sld [smem:$0x3FAB]  }
0x2d: {  	s3 =	simm.s32 $0x108;
	s8 =	sld [smem:$0x3FAC]  }
0x2e: {  	s3 =	simm.s32 @!p0 $0x1082;
	s9 =	sld [smem:$0x3FAD]  }
0x2f: {  	lr =	sadd.s32 s0, s3;
	s0 =	sld [smem:$0x3FA4]  }
0x30: {  	s3 =	sld [smem:$0x3FA7]  }
0x31: {  	[smem:$0x3FB0] =	sst s10  }
0x32: {  	s10 =	sld [smem:$0x3FAE];
	_ =	sdelay $0x3  }
0x33: {  	p0 =	seq.s32 s10, $0x1;
	s10 =	sld [smem:$0x3FB0];
	_ =	sdelay $0x3  }
0x34: {  	[smem:$0x3FB0] =	sst s10  }
0x35: {  	s10 =	sld [smem:$0x3FAF];
	_ =	sdelay $0x3  }
0x36: {  	p1 =	seq.s32 s10, $0x1;
	s10 =	sld [smem:$0x3FB0];
	_ =	sdelay $0x3  }
0x37: {  	[smem:$0x3FB0] =	sst s10  }
0x38: {  	s10 =	sld [smem:$0x3FB1]  }
0x39: {  	_ = 	snop;
	(pc) =	sbr.ind lr, $3  }
0x3a: {  	_ = 	snop  }
0x3b: {  	_ = 	snop  }
0x3c: {  	p2 =	seq.s32 s10, $0x1;
	s10 =	sld [smem:$0x3FB0]  }
0x3d: {  	_ =	shalt  }
0x3e: {  	_ =	shalt  }
0x3f: {  	_ =	shalt  }
0x40: {  	_ =	shalt  }
0x41: {  	_ =	shalt  }
0x42: {  	_ =	shalt  }
0x43: {  	_ =	shalt  }
0x44: {  	_ =	shalt  }
0x45: {  	_ =	shalt  }
0x46: {  	_ =	shalt  }
0x47: {  	_ =	shalt  }
0x48: {  	_ =	shalt  }
0x49: {  	_ =	shalt  }
0x4a: {  	_ =	shalt  }
0x4b: {  	_ =	shalt  }
0x4c: {  	_ =	shalt  }
0x4d: {  	_ =	shalt  }
0x4e: {  	_ =	shalt  }
0x4f: {  	_ =	shalt  }
0x50: {  	_ =	shalt  }
0x51: {  	_ =	shalt  }
0x52: {  	_ =	shalt  }
0x53: {  	_ =	shalt  }
0x54: {  	_ =	shalt  }
0x55: {  	_ =	shalt  }
0x56: {  	_ =	shalt  }
0x57: {  	_ =	shalt  }
0x58: {  	_ =	shalt  }
0x59: {  	_ =	shalt  }
0x5a: {  	_ =	shalt  }
0x5b: {  	_ =	shalt  }
0x5c: {  	_ =	shalt  }
0x5d: {  	_ =	shalt  }
0x5e: {  	_ =	shalt  }
0x5f: {  	_ =	shalt  }
0x60: {  	_ =	shalt  }
0x61: {  	_ =	shalt  }
0x62: {  	_ =	shalt  }
0x63: {  	_ =	shalt  }
0x64: {  	_ =	shalt  }
0x65: {  	_ =	shalt  }
0x66: {  	_ =	shalt  }
0x67: {  	_ =	shalt  }
0x68: {  	_ =	shalt  }
0x69: {  	_ =	shalt  }
0x6a: {  	_ =	shalt  }
0x6b: {  	_ =	shalt  }
0x6c: {  	_ =	shalt  }
0x6d: {  	_ =	shalt  }
0x6e: {  	_ =	shalt  }
0x6f: {  	_ =	shalt  }
0x70: {  	_ =	shalt  }
0x71: {  	_ =	shalt  }
0x72: {  	_ =	shalt  }
0x73: {  	_ =	shalt  }
0x74: {  	_ =	shalt  }
0x75: {  	_ =	shalt  }
0x76: {  	_ =	shalt  }
0x77: {  	_ =	shalt  }
0x78: {  	_ =	shalt  }
0x79: {  	_ =	shalt  }
0x7a: {  	_ =	shalt  }
0x7b: {  	_ =	shalt  }
0x7c: {  	_ =	shalt  }
0x7d: {  	_ =	shalt  }
0x7e: {  	_ =	shalt  }
0x7f: {  	_ =	shalt  }
0x80: {  	_ =	shalt  }
0x81: {  	_ =	shalt  }
0x82: {  	_ =	shalt  }
0x83: {  	_ =	shalt  }
0x84: {  	_ =	shalt  }
0x85: {  	_ =	shalt  }
0x86: {  	_ =	shalt  }
0x87: {  	_ =	shalt  }
.Lfunc_end0:
.L_simem_size_0:
called_computation.4_lowered:
.L_overlay_start_0:
0x88: {  	s2 =	sld [smem:$0x3FD9]  }
0x89: {  	s3 =	sld [smem:$0x3FFE];
	_ =	sdelay $0x1  }
0x8a: {  	s1 =	srdreg.scid  }
0x8b: {  	s0 =	sand.u32 $0x1, s1  }
0x8c: {  	s17 =	sshll.u32 s0, $0xA;
	s2 =	sadd.s32 s3, s2  }
0x8d: {  	s2 =	sadd.s32 s2, s17  }
0x8e: {  	[smem:$0x3FBC] =	sst s2  }
0x8f: {  	_ = 	snop  }
0x90: {  	s18 =	sld [smem:$0x3FC7];
	(tm) =	ssettm $0x1  }
0x91: {  	s19 =	sld [smem:$0x3FFB];
	_ =	sdelay $0x3  }
0x92: {  	_ =	strace s19  }
0x93: {  	s2 =	sld [smem:$0x3FFC];
	_ =	sdelay $0x3  }
0x94: {  	_ =	strace s2  }
0x95: {  	s2 =	sld [smem:$0x3FFD];
	_ =	sdelay $0x3  }
0x96: {  	_ =	strace s2  }
0x97: {  	_ =	strace $0x8FFFFFFF  }
0x98: {  	s20 =	sld [smem:$0x3FDB];
	_ =	sdelay $0x1  }
0x99: {  	s4 =	simm.s32 $_scs_section_size  }
0x9a: {  	s5 =	simm.s32 $_size__tile_overlayer_lowered;
	s6 =	simm.s32 $_tile_overlayer_lowered  }
0x9b: {  	s7 =	simm.s32 $0x1BFF;
	s21 =	sshll.u32 s6, $0x1;
	s4 =	sadd.s32 s4, s20  }
0x9c: {  	s22 =	simm.s32 $0x0;
	s5 =	sshll.u32 s5, $0x1;
	s6 =	sadd.s32 s21, s4  }
0x9d: {  	[timem:s22], [sflag:s7] =	dma.local [hbm:s6], s5  }
0x9e: {  	_ =	swait.ge [sflag:s7], s5  }
0x9f: {  	s5 =	ssub.s32 $0x0, s5;
	[sflag:s7] =	ssyncset.done $0x0  }
0xa0: {  	[sflag:s7] =	ssyncadd.s32 s5;
	_ =	sdelay $0x1  }
0xa1: {  	s23 =	simm.s32 $0x1B8B  }
0xa2: {  	_ =	swait.ge [sflag:s23], $0x1  }
0xa3: {  	[sflag:s23] =	ssyncset.done $0x0  }
0xa4: {  	[sflag:s23] =	ssyncadd.s32 $0xFFFFFFFF  }
0xa5: {  	s5 =	sld [smem:$0x0]  }
0xa6: {  	s6 =	sand.u32 $0xFFFFFFFE, s1  }
0xa7: {  	p0 =	sne.s32 s1, s6  }
0xa8: {  	s6 =	sshll.u32 @p0 s6, $0xE  }
0xa9: {  	s6 =	sadd.s32 @p0 $0x11B8D, s6;
	s7 =	sshll.u32 @p0 s5, $0x11  }
0xaa: {  	s6 =	sor.u32 @p0 s7, s6  }
0xab: {  	[sflag:s6] =	ssyncadd.remote.s32 @p0 $0x1;
	_ =	sdelay $0x1  }
0xac: {  	s6 =	simm.s32 @p0 $0x1B8D  }
0xad: {  	_ =	swait.eq @p0 [sflag:s6], $0x1  }
0xae: {  	[sflag:s6] =	ssyncadd.s32 @p0 $0xFFFFFFFF  }
0xaf: {  	s7 =	sshll.u32 @!p0 s1, $0xE  }
0xb0: {  	s7 =	sor.u32 @!p0 $0x4000, s7;
	s6 =	simm.s32 @!p0 $0x1B8D  }
0xb1: {  	s5 =	sshll.u32 @!p0 s5, $0x11;
	s7 =	sadd.s32 @!p0 $0x11B8D, s7;
	_ =	swait.eq @!p0 [sflag:s6], $0x1  }
0xb2: {  	s5 =	sor.u32 @!p0 s5, s7;
	[sflag:s6] =	ssyncadd.s32 @!p0 $0xFFFFFFFF  }
0xb3: {  	s25 =	simm.s32 $0x1B8E;
	s24 =	sld [smem:$0x3FFE];
	[sflag:s5] =	ssyncadd.remote.s32 @!p0 $0x1  }
0xb4: {  	s26 =	simm.s32 $execute0_lowered;
	[smem:$0x3FD2] =	sst s25  }
0xb5: {  	s6 =	sshll.u32 s26, $0x1;
	_ =	strace $0x80000055;
	[dreg:$0x1] =	wrdreg $0xFFFFFFFF  }
0xb6: {  	s28 =	simm.s32 $_size_execute0_lowered;
	s4 =	sadd.s32 s4, s6;
	[dreg:$0x0] =	wrdreg $0x0  }
0xb7: {  	s6 =	sshll.u32 s28, $0x1;
	[dreg:$0x2] =	wrdreg s4  }
0xb8: {  	[dreg:$0x3] =	wrdreg s6  }
0xb9: {  	[dreg:$0x4] =	wrdreg $0xC0  }
0xba: {  	_ =	task [dreg:s22], $0x5FFFF  }
0xbb: {  	[dreg:$0x1] =	wrdreg $0xFFFFFFFF  }
0xbc: {  	[dreg:$0x0] =	wrdreg $0x60  }
0xbd: {  	[dreg:$0x2] =	wrdreg s24  }
0xbe: {  	[dreg:$0x3] =	wrdreg s18  }
0xbf: {  	[dreg:$0x4] =	wrdreg $0xA  }
0xc0: {  	_ =	task.clear_ibuf [dreg:s22], $0x5FFFF;
	_ =	strace $0x90000055  }
0xc1: {  	s29 =	simm.s32 $0xA;
	_ =	strace $0x80000057  }
0xc2: {  	_ =	swait.ge [sflag:s29], $0x1  }
0xc3: {  	[sflag:s29] =	ssyncadd.s32 $0xFFFFFFFF  }
0xc4: {  	_ =	strace $0x90000057  }
0xc5: {  	_ =	sfence  }
0xc6: {  	s30 =	sld [smem:$0x0];
	_ =	sdelay $0x2  }
0xc7: {  	s31 =	sshll.u32 s1, $0xD;
	s1 =	sshrl.u32 s1, $0x2  }
0xc8: {  	s4 =	sand.u32 $0x4000, s31;
	s1 =	sadd.s32 s1, s30  }
0xc9: {  	s0 =	sor.u32 s4, s0;
	s1 =	sshll.u32 s1, $0x11  }
0xca: {  	s0 =	sor.u32 s1, s0  }
0xcb: {  	s0 =	sadd.s32 $0x8F2B, s0  }
0xcc: {  	[sflag:s0] =	ssyncadd.remote.s32 $0x1  }
0xcd: {  	_ =	sfence.sel $0xFFFF  }
0xce: {  	[dreg:$0x0] =	wrdreg $0xFFFFFFFF;
	(pc) =	sbr.abs _section_cstart, $3  }
0xcf: {  	[dreg:$0x1] =	wrdreg $0xFFFFFFFF  }
0xd0: {  	_ =	task.clear_ibuf [dreg:s22], $0x2FFFF;
	_ =	strace $0x9FFFFFFF  }
0xd1: {  	(tm) =	ssettm $0x7FFFFFFF  }
tec
execute0_lowered:
.L_overlay_start_1:
0x0: {  	(tag) =	ssettag $0x1  }
0x1: {  	s1 =	srdreg.scid;
	s9 =	rddreg [dreg:$0x0]  }
0x2: {  	s0 =	stileid.u32;
	s3 =	rddreg [dreg:$0x1]  }
0x3: {  	s2 =	simm.s32 $0x0;
	s7 =	simm.s32 $0x80;
	s6 =	sand.u32 $0x1, s1  }
0x4: {  	s4 =	sshll.u32 s0, $0x5;
	s1 =	rddreg [dreg:$0x2];
	s5 =	sshll.u32 s6, $0x4  }
0x5: {  	s8 =	simm.s32 $0x1;
	[smem:$0x7FF] =	sst s2;
	s10 =	sor.u32 s5, s4  }
0x6: {  	_ =	strace $0x80000056;
	s11 =	ssub.s32 $0x2, s6;
	s4 =	sshrl.u32 s10, $0x3  }
0x7: {  	s6 =	simm.s32 $0x10;
	s4 =	sadd.s32 s3, s4;
	s3 =	simm.s32 $0x2  }
0x8: {  	[tilespmem:s2], [sflag:$0x2] =	stream.linear.gather [hbm4b:s4+s2], $0x10, $0x38;
	[tilespmem:$0x880] =	vst v63  }
0x9: {  	s5 =	sadd.s32 $0x68C00, s9;
	s12 =	sshrl.u32 s11, $0x1;
	_ =	swait.ge [sflag:s3], $0x10  }
0xa: {  	s10 =	sshll.u32 s10, $0x4;
	s31 =	ssub.s32 s11, s12;
	[sflag:s3] =	ssyncset.done $0x0  }
0xb: {  	s9 =	sadd.s32 s10, s9;
	s10 =	smax.u32 s31, $0x1;
	[sflag:s3] =	ssyncadd.s32 $0xFFFFFFF0  }
0xc: {  	[tilespmem:s7], [sflag:$0x1] =	stream.indirect.gather [hbm4b:s5+s6], $0x80, s2, s6, $0xb8;
	[tilespmem:$0x880] =	vst v63  }
0xd: {  	p0 =	sne.s32 s10, $0x1;
	_ =	swait.ge [sflag:s8], $0x800  }
.Ltmp0:
0xe: {  	[sflag:s8] =	ssyncset.done $0x0;
	(pc) =	sbr.rel @!p0 .LBB2_2-.Ltmp0, $4  }
0xf: {  	s9 =	sadd.s32 $0x5EC00, s9;
	[sflag:s8] =	ssyncadd.s32 $0xFFFFF800  }
0x10: {  	[hbm4b:s9+s2] =	stream.linear.scatter [tilespmem:s7], [sflag:$0x2], $0x800, $0x38;
	[tilespmem:$0x880] =	vst v63  }
0x11: {  	_ =	swait.ge [sflag:s3], $0x800  }
0x12: {  	s10 =	sadd.s32 $0xFFFFFFFF, s10;
	[sflag:s3] =	ssyncset.done $0x0  }
.LBB2_1:
0x13: {  	p0 =	sne.s32 s10, $0x1;
	s10 =	sadd.s32 $0xFFFFFFFF, s10;
	[sflag:s3] =	ssyncadd.s32 $0xFFFFF800  }
0x14: {  	[tilespmem:s2], [sflag:$0x2] =	stream.linear.gather [hbm4b:s4+s2], $0x10, $0x38;
	[tilespmem:$0x880] =	vst v63  }
0x15: {  	_ =	swait.ge [sflag:s3], $0x10  }
0x16: {  	[sflag:s3] =	ssyncset.done $0x0  }
0x17: {  	[sflag:s3] =	ssyncadd.s32 $0xFFFFFFF0  }
0x18: {  	[tilespmem:s7], [sflag:$0x1] =	stream.indirect.gather [hbm4b:s5+s6], $0x80, s2, s6, $0xb8;
	[tilespmem:$0x880] =	vst v63  }
0x19: {  	_ =	swait.ge [sflag:s8], $0x800  }
.Ltmp1:
0x1a: {  	[sflag:s8] =	ssyncset.done $0x0;
	(pc) =	sbr.rel @p0 .LBB2_1-.Ltmp1, $4  }
0x1b: {  	[sflag:s8] =	ssyncadd.s32 $0xFFFFF800  }
0x1c: {  	[hbm4b:s9+s2] =	stream.linear.scatter [tilespmem:s7], [sflag:$0x2], $0x800, $0x38;
	[tilespmem:$0x880] =	vst v63  }
0x1d: {  	_ =	swait.ge [sflag:s3], $0x800  }
0x1e: {  	[sflag:s3] =	ssyncset.done $0x0  }
.LBB2_2:
0x1f: {  	[sflag:s3] =	ssyncadd.s32 $0xFFFFF800  }
0x20: {  	_ =	sfence.sel $0x180000  }
0x21: {  	[bflag:$0x0] =	sbarrier.arrive $0xFFFF  }
0x22: {  	p0 =	sne.s32 s0, $0x0;
	_ =	strace $0x90000056  }
0x23: {  	s0 =	sadd.s32 @!p0 $0x100000, s1;
	[bflag:$0x2] =	sbarrier.arrive $0xFFFF  }
0x24: {  	[sflag:s0] =	ssyncadd.tile.s32 @!p0 $0x1;
	_ =	shalt  }
.Lfunc_end2:
_tile_overlayer_lowered:
.L_overlay_start_2:
0x25: {  	(tag) =	ssettag $0x2  }
0x26: {  	s0 =	rddreg [dreg:$0x0];
	s2 =	stileid.u32  }
0x27: {  	s1 =	rddreg [dreg:$0x1];
	p0 =	sne.s32 s2, $0x0  }
0x28: {  	s3 =	rddreg [dreg:$0x2];
	[bflag:$0x3] =	sbarrier.arrive $0xFFFF;
	s2 =	simm.s32 @!p0 $0x1C02  }
0x29: {  	[timem:s3], [sflag:s2] =	dma.local @!p0 [hbm:s0], s1  }
0x2a: {  	s0 =	simm.s32 @!p0 $0x2  }
0x2b: {  	_ =	swait.ge @!p0 [sflag:s0], s1  }
0x2c: {  	s1 =	ssub.s32 @!p0 $0x0, s1;
	[sflag:s0] =	ssyncset.done @!p0 $0x0  }
0x2d: {  	[sflag:s0] =	ssyncadd.s32 @!p0 s1  }
0x2e: {  	[bflag:$0x3] =	sbarrier.arrive $0xFFFF  }
0x2f: {  	_ =	shalt  }

// kernel: kernel.31.cloned.1.call-start
scs
__scs_entry_jumppad:
0x0: {  	(pc) =	sbr.rel $0x88, $3  }
0x1: {  	(tag) =	ssettag $0x0;
	lr =	simm.s32 $0x1  }
0x2: {  	[smem:$0x3F95] =	sst lr;
	_ =	strace $0xD0000000  }
0x3: {  	_ = 	snop  }
0x4: {  	_ = 	snop  }
0x5: {  	_ = 	snop  }
0x6: {  	_ = 	snop  }
0x7: {  	_ = 	snop  }
__scs_overlays_trampoline_lowered:
0x8: {  	[smem:$0x3FA4] =	sst s0  }
0x9: {  	[smem:$0x3FA5] =	sst s1  }
0xa: {  	[smem:$0x3FA6] =	sst s2  }
0xb: {  	[smem:$0x3FA7] =	sst s3  }
0xc: {  	[smem:$0x3FA8] =	sst s4  }
0xd: {  	[smem:$0x3FA9] =	sst s5  }
0xe: {  	[smem:$0x3FAA] =	sst s6  }
0xf: {  	[smem:$0x3FAB] =	sst s7  }
0x10: {  	[smem:$0x3FAC] =	sst s8  }
0x11: {  	[smem:$0x3FAD] =	sst s9;
	s0 =	simm.s32 @!p0 $0x0  }
0x12: {  	s1 =	sld [smem:$0x3F93];
	s0 =	simm.s32 @p0 $0x1  }
0x13: {  	[smem:$0x3FAE] =	sst s0;
	s0 =	simm.s32 @!p1 $0x0  }
0x14: {  	s2 =	sld [smem:$0x3F92];
	s0 =	simm.s32 @p1 $0x1  }
0x15: {  	[smem:$0x3FAF] =	sst s0;
	s0 =	simm.s32 @!p2 $0x0  }
0x16: {  	s3 =	sld [smem:$0x3FDB];
	s0 =	simm.s32 @p2 $0x1  }
0x17: {  	s4 =	simm.s32 $0x1BF5;
	[smem:$0x3FB1] =	sst s0  }
0x18: {  	s0 =	sld [smem:$0x3F94];
	_ =	swait.ge [sflag:s4], $0x0  }
0x19: {  	s7 =	sld [smem:$0x3F95]  }
0x1a: {  	s8 =	sadd.s32 $0xFFFFE003, lr  }
0x1b: {  	s9 =	sadd.s32 $0xFFFFFEF7, lr;
	s5 =	simm.s32 $0xFFFFFFFF;
	p2 =	slt.u32 s8, $0xFFFFF086  }
0x1c: {  	p1 =	slt.u32 s9, $0xF7A;
	s5 =	simm.s32 @!p2 $0x0  }
0x1d: {  	s5 =	simm.s32 @p1 $0x1;
	p0 =	seq.s32 s7, s2  }
0x1e: {  	s7 =	smul.u32 @!p0 $0xF7A, s2;
	p2 =	seq.s32 @!p0 s5, $0x0  }
0x1f: {  	s9 =	smul.u32 $0xF7A, s1;
	s8 =	simm.s32 @!p0 $0x1BF5;
	p2 =	por !p2, p0  }
0x20: {  	[sflag:s8] =	ssyncset.s32 @!p0 $0xFFFFF086;
	s6 =	sadd.s32 @!p0 s3, s7;
	s7 =	simm.s32 @!p0 $0x108  }
0x21: {  	s3 =	sadd.s32 s3, s9;
	s6 =	sadd.s32 @!p0 $0x88, s6;
	s7 =	simm.s32 @p2 $0x1082  }
0x22: {  	[simem:s7], [sflag:s8] =	dma.local @!p0 [hbm:s6], $0xF7A  }
0x23: {  	s9 =	sor.u32 $0xD0000000, s2;
	s6 =	simm.s32 $0x108;
	_ =	swait.ge @!p0 [sflag:s8], $0x0  }
0x24: {  	s3 =	sadd.s32 $0x88, s3;
	s6 =	simm.s32 @!p1 $0x1082;
	[sflag:s4] =	ssyncset.s32 $0xFFFFF086  }
0x25: {  	[simem:s6], [sflag:s4] =	dma.local [hbm:s3], $0xF7A  }
0x26: {  	[smem:$0x3F95] =	sst s1;
	(tag) =	ssettag s2;
	_ =	strace s9  }
0x27: {  	s1 =	sld [smem:$0x3FA5]  }
0x28: {  	s2 =	sld [smem:$0x3FA6]  }
0x29: {  	s4 =	sld [smem:$0x3FA8]  }
0x2a: {  	p0 =	seq.s32 s5, $0x0;
	s5 =	sld [smem:$0x3FA9]  }
0x2b: {  	s6 =	sld [smem:$0x3FAA]  }
0x2c: {  	s7 =	sld [smem:$0x3FAB]  }
0x2d: {  	s3 =	simm.s32 $0x108;
	s8 =	sld [smem:$0x3FAC]  }
0x2e: {  	s3 =	simm.s32 @!p0 $0x1082;
	s9 =	sld [smem:$0x3FAD]  }
0x2f: {  	lr =	sadd.s32 s0, s3;
	s0 =	sld [smem:$0x3FA4]  }
0x30: {  	s3 =	sld [smem:$0x3FA7]  }
0x31: {  	[smem:$0x3FB0] =	sst s10  }
0x32: {  	s10 =	sld [smem:$0x3FAE];
	_ =	sdelay $0x3  }
0x33: {  	p0 =	seq.s32 s10, $0x1;
	s10 =	sld [smem:$0x3FB0];
	_ =	sdelay $0x3  }
0x34: {  	[smem:$0x3FB0] =	sst s10  }
0x35: {  	s10 =	sld [smem:$0x3FAF];
	_ =	sdelay $0x3  }
0x36: {  	p1 =	seq.s32 s10, $0x1;
	s10 =	sld [smem:$0x3FB0];
	_ =	sdelay $0x3  }
0x37: {  	[smem:$0x3FB0] =	sst s10  }
0x38: {  	s10 =	sld [smem:$0x3FB1]  }
0x39: {  	_ = 	snop;
	(pc) =	sbr.ind lr, $3  }
0x3a: {  	_ = 	snop  }
0x3b: {  	_ = 	snop  }
0x3c: {  	p2 =	seq.s32 s10, $0x1;
	s10 =	sld [smem:$0x3FB0]  }
0x3d: {  	_ =	shalt  }
0x3e: {  	_ =	shalt  }
0x3f: {  	_ =	shalt  }
0x40: {  	_ =	shalt  }
0x41: {  	_ =	shalt  }
0x42: {  	_ =	shalt  }
0x43: {  	_ =	shalt  }
0x44: {  	_ =	shalt  }
0x45: {  	_ =	shalt  }
0x46: {  	_ =	shalt  }
0x47: {  	_ =	shalt  }
0x48: {  	_ =	shalt  }
0x49: {  	_ =	shalt  }
0x4a: {  	_ =	shalt  }
0x4b: {  	_ =	shalt  }
0x4c: {  	_ =	shalt  }
0x4d: {  	_ =	shalt  }
0x4e: {  	_ =	shalt  }
0x4f: {  	_ =	shalt  }
0x50: {  	_ =	shalt  }
0x51: {  	_ =	shalt  }
0x52: {  	_ =	shalt  }
0x53: {  	_ =	shalt  }
0x54: {  	_ =	shalt  }
0x55: {  	_ =	shalt  }
0x56: {  	_ =	shalt  }
0x57: {  	_ =	shalt  }
0x58: {  	_ =	shalt  }
0x59: {  	_ =	shalt  }
0x5a: {  	_ =	shalt  }
0x5b: {  	_ =	shalt  }
0x5c: {  	_ =	shalt  }
0x5d: {  	_ =	shalt  }
0x5e: {  	_ =	shalt  }
0x5f: {  	_ =	shalt  }
0x60: {  	_ =	shalt  }
0x61: {  	_ =	shalt  }
0x62: {  	_ =	shalt  }
0x63: {  	_ =	shalt  }
0x64: {  	_ =	shalt  }
0x65: {  	_ =	shalt  }
0x66: {  	_ =	shalt  }
0x67: {  	_ =	shalt  }
0x68: {  	_ =	shalt  }
0x69: {  	_ =	shalt  }
0x6a: {  	_ =	shalt  }
0x6b: {  	_ =	shalt  }
0x6c: {  	_ =	shalt  }
0x6d: {  	_ =	shalt  }
0x6e: {  	_ =	shalt  }
0x6f: {  	_ =	shalt  }
0x70: {  	_ =	shalt  }
0x71: {  	_ =	shalt  }
0x72: {  	_ =	shalt  }
0x73: {  	_ =	shalt  }
0x74: {  	_ =	shalt  }
0x75: {  	_ =	shalt  }
0x76: {  	_ =	shalt  }
0x77: {  	_ =	shalt  }
0x78: {  	_ =	shalt  }
0x79: {  	_ =	shalt  }
0x7a: {  	_ =	shalt  }
0x7b: {  	_ =	shalt  }
0x7c: {  	_ =	shalt  }
0x7d: {  	_ =	shalt  }
0x7e: {  	_ =	shalt  }
0x7f: {  	_ =	shalt  }
0x80: {  	_ =	shalt  }
0x81: {  	_ =	shalt  }
0x82: {  	_ =	shalt  }
0x83: {  	_ =	shalt  }
0x84: {  	_ =	shalt  }
0x85: {  	_ =	shalt  }
0x86: {  	_ =	shalt  }
0x87: {  	_ =	shalt  }
.Lfunc_end0:
.L_simem_size_0:
called_computation.5_lowered:
.L_overlay_start_0:
0x88: {  	s2 =	sld [smem:$0x3FD9]  }
0x89: {  	s3 =	sld [smem:$0x3FFE];
	_ =	sdelay $0x1  }
0x8a: {  	s1 =	srdreg.scid  }
0x8b: {  	s0 =	sand.u32 $0x1, s1  }
0x8c: {  	s17 =	sshll.u32 s0, $0xA;
	s2 =	sadd.s32 s3, s2  }
0x8d: {  	s2 =	sadd.s32 s2, s17  }
0x8e: {  	[smem:$0x3FBC] =	sst s2  }
0x8f: {  	_ = 	snop  }
0x90: {  	s18 =	sld [smem:$0x3FD0];
	(tm) =	ssettm $0x1  }
0x91: {  	s19 =	sld [smem:$0x3FFB];
	_ =	sdelay $0x3  }
0x92: {  	_ =	strace s19  }
0x93: {  	s2 =	sld [smem:$0x3FFC];
	_ =	sdelay $0x3  }
0x94: {  	_ =	strace s2  }
0x95: {  	s2 =	sld [smem:$0x3FFD];
	_ =	sdelay $0x3  }
0x96: {  	_ =	strace s2  }
0x97: {  	_ =	strace $0x8FFFFFFF  }
0x98: {  	s20 =	sld [smem:$0x3FDB];
	_ =	sdelay $0x1  }
0x99: {  	s4 =	simm.s32 $_scs_section_size  }
0x9a: {  	s5 =	simm.s32 $_size__tile_overlayer_lowered;
	s6 =	simm.s32 $_tile_overlayer_lowered  }
0x9b: {  	s7 =	simm.s32 $0x1BFF;
	s21 =	sshll.u32 s6, $0x1;
	s4 =	sadd.s32 s4, s20  }
0x9c: {  	s22 =	simm.s32 $0x0;
	s5 =	sshll.u32 s5, $0x1;
	s6 =	sadd.s32 s21, s4  }
0x9d: {  	[timem:s22], [sflag:s7] =	dma.local [hbm:s6], s5  }
0x9e: {  	_ =	swait.ge [sflag:s7], s5  }
0x9f: {  	s5 =	ssub.s32 $0x0, s5;
	[sflag:s7] =	ssyncset.done $0x0  }
0xa0: {  	[sflag:s7] =	ssyncadd.s32 s5;
	_ =	sdelay $0x1  }
0xa1: {  	s23 =	simm.s32 $0x1B8B  }
0xa2: {  	_ =	swait.ge [sflag:s23], $0x1  }
0xa3: {  	[sflag:s23] =	ssyncset.done $0x0  }
0xa4: {  	[sflag:s23] =	ssyncadd.s32 $0xFFFFFFFF  }
0xa5: {  	s5 =	sld [smem:$0x0]  }
0xa6: {  	s6 =	sand.u32 $0xFFFFFFFE, s1  }
0xa7: {  	p0 =	sne.s32 s1, s6  }
0xa8: {  	s6 =	sshll.u32 @p0 s6, $0xE  }
0xa9: {  	s6 =	sadd.s32 @p0 $0x11B8D, s6;
	s7 =	sshll.u32 @p0 s5, $0x11  }
0xaa: {  	s6 =	sor.u32 @p0 s7, s6  }
0xab: {  	[sflag:s6] =	ssyncadd.remote.s32 @p0 $0x1;
	_ =	sdelay $0x1  }
0xac: {  	s6 =	simm.s32 @p0 $0x1B8D  }
0xad: {  	_ =	swait.eq @p0 [sflag:s6], $0x1  }
0xae: {  	[sflag:s6] =	ssyncadd.s32 @p0 $0xFFFFFFFF  }
0xaf: {  	s7 =	sshll.u32 @!p0 s1, $0xE  }
0xb0: {  	s7 =	sor.u32 @!p0 $0x4000, s7;
	s6 =	simm.s32 @!p0 $0x1B8D  }
0xb1: {  	s5 =	sshll.u32 @!p0 s5, $0x11;
	s7 =	sadd.s32 @!p0 $0x11B8D, s7;
	_ =	swait.eq @!p0 [sflag:s6], $0x1  }
0xb2: {  	s5 =	sor.u32 @!p0 s5, s7;
	[sflag:s6] =	ssyncadd.s32 @!p0 $0xFFFFFFFF  }
0xb3: {  	s25 =	simm.s32 $0x1B8E;
	s24 =	sld [smem:$0x3FFE];
	[sflag:s5] =	ssyncadd.remote.s32 @!p0 $0x1  }
0xb4: {  	s26 =	simm.s32 $execute0_lowered;
	[smem:$0x3FD2] =	sst s25  }
0xb5: {  	s6 =	sshll.u32 s26, $0x1;
	_ =	strace $0x80000052;
	[dreg:$0x1] =	wrdreg $0xFFFFFFFF  }
0xb6: {  	s28 =	simm.s32 $_size_execute0_lowered;
	s4 =	sadd.s32 s4, s6;
	[dreg:$0x0] =	wrdreg $0x0  }
0xb7: {  	s6 =	sshll.u32 s28, $0x1;
	[dreg:$0x2] =	wrdreg s4  }
0xb8: {  	[dreg:$0x3] =	wrdreg s6  }
0xb9: {  	[dreg:$0x4] =	wrdreg $0xC0  }
0xba: {  	_ =	task [dreg:s22], $0x5FFFF  }
0xbb: {  	[dreg:$0x1] =	wrdreg $0xFFFFFFFF  }
0xbc: {  	[dreg:$0x0] =	wrdreg $0x60  }
0xbd: {  	[dreg:$0x2] =	wrdreg s24  }
0xbe: {  	[dreg:$0x3] =	wrdreg s18  }
0xbf: {  	[dreg:$0x4] =	wrdreg $0xB  }
0xc0: {  	_ =	task.clear_ibuf [dreg:s22], $0x5FFFF;
	_ =	strace $0x90000052  }
0xc1: {  	s29 =	simm.s32 $0xB;
	_ =	strace $0x80000054  }
0xc2: {  	_ =	swait.ge [sflag:s29], $0x1  }
0xc3: {  	[sflag:s29] =	ssyncadd.s32 $0xFFFFFFFF  }
0xc4: {  	_ =	strace $0x90000054  }
0xc5: {  	_ =	sfence  }
0xc6: {  	s30 =	sld [smem:$0x0];
	_ =	sdelay $0x2  }
0xc7: {  	s31 =	sshll.u32 s1, $0xD;
	s1 =	sshrl.u32 s1, $0x2  }
0xc8: {  	s4 =	sand.u32 $0x4000, s31;
	s1 =	sadd.s32 s1, s30  }
0xc9: {  	s0 =	sor.u32 s4, s0;
	s1 =	sshll.u32 s1, $0x11  }
0xca: {  	s0 =	sor.u32 s1, s0  }
0xcb: {  	s0 =	sadd.s32 $0x8F2B, s0  }
0xcc: {  	[sflag:s0] =	ssyncadd.remote.s32 $0x1  }
0xcd: {  	_ =	sfence.sel $0xFFFF  }
0xce: {  	[dreg:$0x0] =	wrdreg $0xFFFFFFFF;
	(pc) =	sbr.abs _section_cstart, $3  }
0xcf: {  	[dreg:$0x1] =	wrdreg $0xFFFFFFFF  }
0xd0: {  	_ =	task.clear_ibuf [dreg:s22], $0x2FFFF;
	_ =	strace $0x9FFFFFFF  }
0xd1: {  	(tm) =	ssettm $0x7FFFFFFF  }
tec
execute0_lowered:
.L_overlay_start_1:
0x0: {  	(tag) =	ssettag $0x1  }
0x1: {  	s1 =	srdreg.scid;
	s9 =	rddreg [dreg:$0x0]  }
0x2: {  	s0 =	stileid.u32;
	s3 =	rddreg [dreg:$0x1]  }
0x3: {  	s2 =	simm.s32 $0x0;
	s7 =	simm.s32 $0x80;
	s6 =	sand.u32 $0x1, s1  }
0x4: {  	s4 =	sshll.u32 s0, $0x6;
	s1 =	rddreg [dreg:$0x2];
	s5 =	sshll.u32 s6, $0x5  }
0x5: {  	s8 =	simm.s32 $0x1;
	[smem:$0x7FF] =	sst s2;
	s10 =	sor.u32 s5, s4  }
0x6: {  	_ =	strace $0x80000053;
	s11 =	ssub.s32 $0x2, s6;
	s4 =	sshrl.u32 s10, $0x3  }
0x7: {  	s6 =	simm.s32 $0x20;
	s4 =	sadd.s32 s3, s4;
	s3 =	simm.s32 $0x2  }
0x8: {  	[tilespmem:s2], [sflag:$0x2] =	stream.linear.gather [hbm4b:s4+s2], $0x20, $0x38;
	[tilespmem:$0x1080] =	vst v63  }
0x9: {  	s5 =	sadd.s32 $0xEC00, s9;
	s12 =	sshrl.u32 s11, $0x1;
	_ =	swait.ge [sflag:s3], $0x20  }
0xa: {  	s10 =	sshll.u32 s10, $0x4;
	s31 =	ssub.s32 s11, s12;
	[sflag:s3] =	ssyncset.done $0x0  }
0xb: {  	s9 =	sadd.s32 s10, s9;
	s10 =	smax.u32 s31, $0x1;
	[sflag:s3] =	ssyncadd.s32 $0xFFFFFFE0  }
0xc: {  	[tilespmem:s7], [sflag:$0x1] =	stream.indirect.gather [hbm4b:s5+s6], $0x80, s2, s6, $0xb8;
	[tilespmem:$0x1080] =	vst v63  }
0xd: {  	p0 =	sne.s32 s10, $0x1;
	_ =	swait.ge [sflag:s8], $0x1000  }
.Ltmp0:
0xe: {  	[sflag:s8] =	ssyncset.done $0x0;
	(pc) =	sbr.rel @!p0 .LBB2_2-.Ltmp0, $4  }
0xf: {  	s9 =	sadd.s32 $0x9000, s9;
	[sflag:s8] =	ssyncadd.s32 $0xFFFFF000  }
0x10: {  	[hbm4b:s9+s2] =	stream.linear.scatter [tilespmem:s7], [sflag:$0x2], $0x1000, $0x38;
	[tilespmem:$0x1080] =	vst v63  }
0x11: {  	_ =	swait.ge [sflag:s3], $0x1000  }
0x12: {  	s10 =	sadd.s32 $0xFFFFFFFF, s10;
	[sflag:s3] =	ssyncset.done $0x0  }
.LBB2_1:
0x13: {  	p0 =	sne.s32 s10, $0x1;
	s10 =	sadd.s32 $0xFFFFFFFF, s10;
	[sflag:s3] =	ssyncadd.s32 $0xFFFFF000  }
0x14: {  	[tilespmem:s2], [sflag:$0x2] =	stream.linear.gather [hbm4b:s4+s2], $0x20, $0x38;
	[tilespmem:$0x1080] =	vst v63  }
0x15: {  	_ =	swait.ge [sflag:s3], $0x20  }
0x16: {  	[sflag:s3] =	ssyncset.done $0x0  }
0x17: {  	[sflag:s3] =	ssyncadd.s32 $0xFFFFFFE0  }
0x18: {  	[tilespmem:s7], [sflag:$0x1] =	stream.indirect.gather [hbm4b:s5+s6], $0x80, s2, s6, $0xb8;
	[tilespmem:$0x1080] =	vst v63  }
0x19: {  	_ =	swait.ge [sflag:s8], $0x1000  }
.Ltmp1:
0x1a: {  	[sflag:s8] =	ssyncset.done $0x0;
	(pc) =	sbr.rel @p0 .LBB2_1-.Ltmp1, $4  }
0x1b: {  	[sflag:s8] =	ssyncadd.s32 $0xFFFFF000  }
0x1c: {  	[hbm4b:s9+s2] =	stream.linear.scatter [tilespmem:s7], [sflag:$0x2], $0x1000, $0x38;
	[tilespmem:$0x1080] =	vst v63  }
0x1d: {  	_ =	swait.ge [sflag:s3], $0x1000  }
0x1e: {  	[sflag:s3] =	ssyncset.done $0x0  }
.LBB2_2:
0x1f: {  	[sflag:s3] =	ssyncadd.s32 $0xFFFFF000  }
0x20: {  	_ =	sfence.sel $0x180000  }
0x21: {  	[bflag:$0x0] =	sbarrier.arrive $0xFFFF  }
0x22: {  	p0 =	sne.s32 s0, $0x0;
	_ =	strace $0x90000053  }
0x23: {  	s0 =	sadd.s32 @!p0 $0x100000, s1;
	[bflag:$0x2] =	sbarrier.arrive $0xFFFF  }
0x24: {  	[sflag:s0] =	ssyncadd.tile.s32 @!p0 $0x1;
	_ =	shalt  }
.Lfunc_end2:
_tile_overlayer_lowered:
.L_overlay_start_2:
0x25: {  	(tag) =	ssettag $0x2  }
0x26: {  	s0 =	rddreg [dreg:$0x0];
	s2 =	stileid.u32  }
0x27: {  	s1 =	rddreg [dreg:$0x1];
	p0 =	sne.s32 s2, $0x0  }
0x28: {  	s3 =	rddreg [dreg:$0x2];
	[bflag:$0x3] =	sbarrier.arrive $0xFFFF;
	s2 =	simm.s32 @!p0 $0x1C02  }
0x29: {  	[timem:s3], [sflag:s2] =	dma.local @!p0 [hbm:s0], s1  }
0x2a: {  	s0 =	simm.s32 @!p0 $0x2  }
0x2b: {  	_ =	swait.ge @!p0 [sflag:s0], s1  }
0x2c: {  	s1 =	ssub.s32 @!p0 $0x0, s1;
	[sflag:s0] =	ssyncset.done @!p0 $0x0  }
0x2d: {  	[sflag:s0] =	ssyncadd.s32 @!p0 s1  }
0x2e: {  	[bflag:$0x3] =	sbarrier.arrive $0xFFFF  }
0x2f: {  	_ =	shalt  }

// kernel: kernel.34.cloned.1.call-start
scs
__scs_entry_jumppad:
0x0: {  	(pc) =	sbr.rel $0x88, $3  }
0x1: {  	(tag) =	ssettag $0x0;
	lr =	simm.s32 $0x1  }
0x2: {  	[smem:$0x3F95] =	sst lr;
	_ =	strace $0xD0000000  }
0x3: {  	_ = 	snop  }
0x4: {  	_ = 	snop  }
0x5: {  	_ = 	snop  }
0x6: {  	_ = 	snop  }
0x7: {  	_ = 	snop  }
__scs_overlays_trampoline_lowered:
0x8: {  	[smem:$0x3FA4] =	sst s0  }
0x9: {  	[smem:$0x3FA5] =	sst s1  }
0xa: {  	[smem:$0x3FA6] =	sst s2  }
0xb: {  	[smem:$0x3FA7] =	sst s3  }
0xc: {  	[smem:$0x3FA8] =	sst s4  }
0xd: {  	[smem:$0x3FA9] =	sst s5  }
0xe: {  	[smem:$0x3FAA] =	sst s6  }
0xf: {  	[smem:$0x3FAB] =	sst s7  }
0x10: {  	[smem:$0x3FAC] =	sst s8  }
0x11: {  	[smem:$0x3FAD] =	sst s9;
	s0 =	simm.s32 @!p0 $0x0  }
0x12: {  	s1 =	sld [smem:$0x3F93];
	s0 =	simm.s32 @p0 $0x1  }
0x13: {  	[smem:$0x3FAE] =	sst s0;
	s0 =	simm.s32 @!p1 $0x0  }
0x14: {  	s2 =	sld [smem:$0x3F92];
	s0 =	simm.s32 @p1 $0x1  }
0x15: {  	[smem:$0x3FAF] =	sst s0;
	s0 =	simm.s32 @!p2 $0x0  }
0x16: {  	s3 =	sld [smem:$0x3FDB];
	s0 =	simm.s32 @p2 $0x1  }
0x17: {  	s4 =	simm.s32 $0x1BF5;
	[smem:$0x3FB1] =	sst s0  }
0x18: {  	s0 =	sld [smem:$0x3F94];
	_ =	swait.ge [sflag:s4], $0x0  }
0x19: {  	s7 =	sld [smem:$0x3F95]  }
0x1a: {  	s8 =	sadd.s32 $0xFFFFE003, lr  }
0x1b: {  	s9 =	sadd.s32 $0xFFFFFEF7, lr;
	s5 =	simm.s32 $0xFFFFFFFF;
	p2 =	slt.u32 s8, $0xFFFFF086  }
0x1c: {  	p1 =	slt.u32 s9, $0xF7A;
	s5 =	simm.s32 @!p2 $0x0  }
0x1d: {  	s5 =	simm.s32 @p1 $0x1;
	p0 =	seq.s32 s7, s2  }
0x1e: {  	s7 =	smul.u32 @!p0 $0xF7A, s2;
	p2 =	seq.s32 @!p0 s5, $0x0  }
0x1f: {  	s9 =	smul.u32 $0xF7A, s1;
	s8 =	simm.s32 @!p0 $0x1BF5;
	p2 =	por !p2, p0  }
0x20: {  	[sflag:s8] =	ssyncset.s32 @!p0 $0xFFFFF086;
	s6 =	sadd.s32 @!p0 s3, s7;
	s7 =	simm.s32 @!p0 $0x108  }
0x21: {  	s3 =	sadd.s32 s3, s9;
	s6 =	sadd.s32 @!p0 $0x88, s6;
	s7 =	simm.s32 @p2 $0x1082  }
0x22: {  	[simem:s7], [sflag:s8] =	dma.local @!p0 [hbm:s6], $0xF7A  }
0x23: {  	s9 =	sor.u32 $0xD0000000, s2;
	s6 =	simm.s32 $0x108;
	_ =	swait.ge @!p0 [sflag:s8], $0x0  }
0x24: {  	s3 =	sadd.s32 $0x88, s3;
	s6 =	simm.s32 @!p1 $0x1082;
	[sflag:s4] =	ssyncset.s32 $0xFFFFF086  }
0x25: {  	[simem:s6], [sflag:s4] =	dma.local [hbm:s3], $0xF7A  }
0x26: {  	[smem:$0x3F95] =	sst s1;
	(tag) =	ssettag s2;
	_ =	strace s9  }
0x27: {  	s1 =	sld [smem:$0x3FA5]  }
0x28: {  	s2 =	sld [smem:$0x3FA6]  }
0x29: {  	s4 =	sld [smem:$0x3FA8]  }
0x2a: {  	p0 =	seq.s32 s5, $0x0;
	s5 =	sld [smem:$0x3FA9]  }
0x2b: {  	s6 =	sld [smem:$0x3FAA]  }
0x2c: {  	s7 =	sld [smem:$0x3FAB]  }
0x2d: {  	s3 =	simm.s32 $0x108;
	s8 =	sld [smem:$0x3FAC]  }
0x2e: {  	s3 =	simm.s32 @!p0 $0x1082;
	s9 =	sld [smem:$0x3FAD]  }
0x2f: {  	lr =	sadd.s32 s0, s3;
	s0 =	sld [smem:$0x3FA4]  }
0x30: {  	s3 =	sld [smem:$0x3FA7]  }
0x31: {  	[smem:$0x3FB0] =	sst s10  }
0x32: {  	s10 =	sld [smem:$0x3FAE];
	_ =	sdelay $0x3  }
0x33: {  	p0 =	seq.s32 s10, $0x1;
	s10 =	sld [smem:$0x3FB0];
	_ =	sdelay $0x3  }
0x34: {  	[smem:$0x3FB0] =	sst s10  }
0x35: {  	s10 =	sld [smem:$0x3FAF];
	_ =	sdelay $0x3  }
0x36: {  	p1 =	seq.s32 s10, $0x1;
	s10 =	sld [smem:$0x3FB0];
	_ =	sdelay $0x3  }
0x37: {  	[smem:$0x3FB0] =	sst s10  }
0x38: {  	s10 =	sld [smem:$0x3FB1]  }
0x39: {  	_ = 	snop;
	(pc) =	sbr.ind lr, $3  }
0x3a: {  	_ = 	snop  }
0x3b: {  	_ = 	snop  }
0x3c: {  	p2 =	seq.s32 s10, $0x1;
	s10 =	sld [smem:$0x3FB0]  }
0x3d: {  	_ =	shalt  }
0x3e: {  	_ =	shalt  }
0x3f: {  	_ =	shalt  }
0x40: {  	_ =	shalt  }
0x41: {  	_ =	shalt  }
0x42: {  	_ =	shalt  }
0x43: {  	_ =	shalt  }
0x44: {  	_ =	shalt  }
0x45: {  	_ =	shalt  }
0x46: {  	_ =	shalt  }
0x47: {  	_ =	shalt  }
0x48: {  	_ =	shalt  }
0x49: {  	_ =	shalt  }
0x4a: {  	_ =	shalt  }
0x4b: {  	_ =	shalt  }
0x4c: {  	_ =	shalt  }
0x4d: {  	_ =	shalt  }
0x4e: {  	_ =	shalt  }
0x4f: {  	_ =	shalt  }
0x50: {  	_ =	shalt  }
0x51: {  	_ =	shalt  }
0x52: {  	_ =	shalt  }
0x53: {  	_ =	shalt  }
0x54: {  	_ =	shalt  }
0x55: {  	_ =	shalt  }
0x56: {  	_ =	shalt  }
0x57: {  	_ =	shalt  }
0x58: {  	_ =	shalt  }
0x59: {  	_ =	shalt  }
0x5a: {  	_ =	shalt  }
0x5b: {  	_ =	shalt  }
0x5c: {  	_ =	shalt  }
0x5d: {  	_ =	shalt  }
0x5e: {  	_ =	shalt  }
0x5f: {  	_ =	shalt  }
0x60: {  	_ =	shalt  }
0x61: {  	_ =	shalt  }
0x62: {  	_ =	shalt  }
0x63: {  	_ =	shalt  }
0x64: {  	_ =	shalt  }
0x65: {  	_ =	shalt  }
0x66: {  	_ =	shalt  }
0x67: {  	_ =	shalt  }
0x68: {  	_ =	shalt  }
0x69: {  	_ =	shalt  }
0x6a: {  	_ =	shalt  }
0x6b: {  	_ =	shalt  }
0x6c: {  	_ =	shalt  }
0x6d: {  	_ =	shalt  }
0x6e: {  	_ =	shalt  }
0x6f: {  	_ =	shalt  }
0x70: {  	_ =	shalt  }
0x71: {  	_ =	shalt  }
0x72: {  	_ =	shalt  }
0x73: {  	_ =	shalt  }
0x74: {  	_ =	shalt  }
0x75: {  	_ =	shalt  }
0x76: {  	_ =	shalt  }
0x77: {  	_ =	shalt  }
0x78: {  	_ =	shalt  }
0x79: {  	_ =	shalt  }
0x7a: {  	_ =	shalt  }
0x7b: {  	_ =	shalt  }
0x7c: {  	_ =	shalt  }
0x7d: {  	_ =	shalt  }
0x7e: {  	_ =	shalt  }
0x7f: {  	_ =	shalt  }
0x80: {  	_ =	shalt  }
0x81: {  	_ =	shalt  }
0x82: {  	_ =	shalt  }
0x83: {  	_ =	shalt  }
0x84: {  	_ =	shalt  }
0x85: {  	_ =	shalt  }
0x86: {  	_ =	shalt  }
0x87: {  	_ =	shalt  }
.Lfunc_end0:
.L_simem_size_0:
called_computation.6_lowered:
.L_overlay_start_0:
0x88: {  	s2 =	sld [smem:$0x3FD9]  }
0x89: {  	s3 =	sld [smem:$0x3FFE];
	_ =	sdelay $0x1  }
0x8a: {  	s1 =	srdreg.scid  }
0x8b: {  	s0 =	sand.u32 $0x1, s1  }
0x8c: {  	s16 =	sshll.u32 s0, $0xA;
	s2 =	sadd.s32 s3, s2  }
0x8d: {  	s2 =	sadd.s32 s2, s16  }
0x8e: {  	[smem:$0x3FBC] =	sst s2  }
0x8f: {  	_ = 	snop  }
0x90: {  	(tm) =	ssettm $0x1  }
0x91: {  	s17 =	sld [smem:$0x3FFB];
	_ =	sdelay $0x3  }
0x92: {  	_ =	strace s17  }
0x93: {  	s2 =	sld [smem:$0x3FFC];
	_ =	sdelay $0x3  }
0x94: {  	_ =	strace s2  }
0x95: {  	s2 =	sld [smem:$0x3FFD];
	_ =	sdelay $0x3  }
0x96: {  	_ =	strace s2  }
0x97: {  	_ =	strace $0x8FFFFFFF  }
0x98: {  	s18 =	sld [smem:$0x3FDB];
	_ =	sdelay $0x1  }
0x99: {  	s19 =	simm.s32 $_scs_section_size  }
0x9a: {  	s4 =	simm.s32 $_size__tile_overlayer_lowered;
	s5 =	simm.s32 $_tile_overlayer_lowered  }
0x9b: {  	s22 =	simm.s32 $0x1BFF;
	s21 =	sshll.u32 s5, $0x1;
	s2 =	sadd.s32 s19, s18  }
0x9c: {  	s6 =	simm.s32 $0x0;
	s20 =	sshll.u32 s4, $0x1;
	s4 =	sadd.s32 s21, s2  }
0x9d: {  	[timem:s6], [sflag:s22] =	dma.local [hbm:s4], s20  }
0x9e: {  	_ =	swait.ge [sflag:s22], s20  }
0x9f: {  	s3 =	ssub.s32 $0x0, s20;
	[sflag:s22] =	ssyncset.done $0x0  }
0xa0: {  	[sflag:s22] =	ssyncadd.s32 s3;
	_ =	sdelay $0x1  }
0xa1: {  	s23 =	simm.s32 $0x1B8B  }
0xa2: {  	_ =	swait.ge [sflag:s23], $0x1  }
0xa3: {  	[sflag:s23] =	ssyncset.done $0x0  }
0xa4: {  	s25 =	simm.s32 $0x1B8E;
	s24 =	sld [smem:$0x3FFE];
	[sflag:s23] =	ssyncadd.s32 $0xFFFFFFFF  }
0xa5: {  	s26 =	simm.s32 $execute0_lowered;
	[smem:$0x3FD2] =	sst s25  }
0xa6: {  	s4 =	sshll.u32 s26, $0x1;
	_ =	strace $0x80000058;
	[dreg:$0x1] =	wrdreg $0xFFFFFFFF  }
0xa7: {  	s28 =	simm.s32 $_size_execute0_lowered;
	s2 =	sadd.s32 s2, s4;
	[dreg:$0x0] =	wrdreg $0x0  }
0xa8: {  	s4 =	sshll.u32 s28, $0x1;
	[dreg:$0x2] =	wrdreg s2  }
0xa9: {  	[dreg:$0x3] =	wrdreg s4  }
0xaa: {  	[dreg:$0x4] =	wrdreg $0xC0  }
0xab: {  	_ =	task [dreg:s6], $0x5FFFF  }
0xac: {  	[dreg:$0x1] =	wrdreg $0xFFFFFFFF  }
0xad: {  	[dreg:$0x0] =	wrdreg $0x60  }
0xae: {  	[dreg:$0x2] =	wrdreg s24  }
0xaf: {  	[dreg:$0x3] =	wrdreg $0x9  }
0xb0: {  	_ =	task.clear_ibuf [dreg:s6], $0x4FFFF;
	_ =	strace $0x90000058  }
0xb1: {  	s29 =	simm.s32 $0x9;
	_ =	strace $0x8000005A  }
0xb2: {  	_ =	swait.ge [sflag:s29], $0x1  }
0xb3: {  	[sflag:s29] =	ssyncadd.s32 $0xFFFFFFFF  }
0xb4: {  	_ =	strace $0x9000005A  }
0xb5: {  	_ =	sfence  }
0xb6: {  	s30 =	sld [smem:$0x0];
	_ =	sdelay $0x2  }
0xb7: {  	s31 =	sshll.u32 s1, $0xD;
	s1 =	sshrl.u32 s1, $0x2  }
0xb8: {  	s3 =	sand.u32 $0x4000, s31;
	s1 =	sadd.s32 s1, s30  }
0xb9: {  	s0 =	sor.u32 s3, s0;
	s1 =	sshll.u32 s1, $0x11  }
0xba: {  	s0 =	sor.u32 s1, s0  }
0xbb: {  	s0 =	sadd.s32 $0x8F2B, s0  }
0xbc: {  	[sflag:s0] =	ssyncadd.remote.s32 $0x1  }
0xbd: {  	_ =	sfence.sel $0xFFFF  }
0xbe: {  	[dreg:$0x0] =	wrdreg $0xFFFFFFFF;
	(pc) =	sbr.abs _section_cstart, $3  }
0xbf: {  	[dreg:$0x1] =	wrdreg $0xFFFFFFFF  }
0xc0: {  	_ =	task.clear_ibuf [dreg:s6], $0x2FFFF;
	_ =	strace $0x9FFFFFFF  }
0xc1: {  	(tm) =	ssettm $0x7FFFFFFF  }
tec
execute0_lowered:
.L_overlay_start_1:
0x0: {  	(tag) =	ssettag $0x1  }
0x1: {  	s1 =	srdreg.scid  }
0x2: {  	s0 =	stileid.u32;
	s9 =	rddreg [dreg:$0x0];
	s6 =	sand.u32 $0x1, s1  }
0x3: {  	s7 =	simm.s32 $0x80;
	s30 =	sshll.u32 s0, $0x5;
	s2 =	sshll.u32 s6, $0x4  }
0x4: {  	s8 =	simm.s32 $0x1;
	s1 =	rddreg [dreg:$0x1];
	s10 =	sor.u32 s2, s30  }
0x5: {  	s5 =	sadd.s32 $0x4000, s9;
	s2 =	simm.s32 $0x0;
	s3 =	sshrl.u32 s10, $0x3  }
0x6: {  	s11 =	ssub.s32 $0x2, s6;
	[smem:$0x7FF] =	sst s2;
	s3 =	sadd.s32 s3, s9  }
0x7: {  	_ =	strace $0x80000059;
	s4 =	sadd.s32 $0x16D200, s3;
	s3 =	simm.s32 $0x2  }
0x8: {  	[tilespmem:s2], [sflag:$0x2] =	stream.linear.gather [hbm4b:s4+s2], $0x10, $0x38;
	[tilespmem:$0x880] =	vst v63  }
0x9: {  	s6 =	simm.s32 $0x10;
	s12 =	sshrl.u32 s11, $0x1;
	_ =	swait.ge [sflag:s3], $0x10  }
0xa: {  	s10 =	sshll.u32 s10, $0x4;
	s31 =	ssub.s32 s11, s12;
	[sflag:s3] =	ssyncset.done $0x0  }
0xb: {  	s9 =	sadd.s32 s10, s9;
	s10 =	smax.u32 s31, $0x1;
	[sflag:s3] =	ssyncadd.s32 $0xFFFFFFF0  }
0xc: {  	[tilespmem:s7], [sflag:$0x1] =	stream.indirect.gather [hbm4b:s5+s6], $0x80, s2, s6, $0xb8;
	[tilespmem:$0x880] =	vst v63  }
0xd: {  	p0 =	sne.s32 s10, $0x1;
	_ =	swait.ge [sflag:s8], $0x800  }
.Ltmp0:
0xe: {  	[sflag:s8] =	ssyncset.done $0x0;
	(pc) =	sbr.rel @!p0 .LBB2_2-.Ltmp0, $4  }
0xf: {  	s9 =	sadd.s32 $0x6000, s9;
	[sflag:s8] =	ssyncadd.s32 $0xFFFFF800  }
0x10: {  	[hbm4b:s9+s2] =	stream.linear.scatter [tilespmem:s7], [sflag:$0x2], $0x800, $0x38;
	[tilespmem:$0x880] =	vst v63  }
0x11: {  	_ =	swait.ge [sflag:s3], $0x800  }
0x12: {  	s10 =	sadd.s32 $0xFFFFFFFF, s10;
	[sflag:s3] =	ssyncset.done $0x0  }
.LBB2_1:
0x13: {  	p0 =	sne.s32 s10, $0x1;
	s10 =	sadd.s32 $0xFFFFFFFF, s10;
	[sflag:s3] =	ssyncadd.s32 $0xFFFFF800  }
0x14: {  	[tilespmem:s2], [sflag:$0x2] =	stream.linear.gather [hbm4b:s4+s2], $0x10, $0x38;
	[tilespmem:$0x880] =	vst v63  }
0x15: {  	_ =	swait.ge [sflag:s3], $0x10  }
0x16: {  	[sflag:s3] =	ssyncset.done $0x0  }
0x17: {  	[sflag:s3] =	ssyncadd.s32 $0xFFFFFFF0  }
0x18: {  	[tilespmem:s7], [sflag:$0x1] =	stream.indirect.gather [hbm4b:s5+s6], $0x80, s2, s6, $0xb8;
	[tilespmem:$0x880] =	vst v63  }
0x19: {  	_ =	swait.ge [sflag:s8], $0x800  }
.Ltmp1:
0x1a: {  	[sflag:s8] =	ssyncset.done $0x0;
	(pc) =	sbr.rel @p0 .LBB2_1-.Ltmp1, $4  }
0x1b: {  	[sflag:s8] =	ssyncadd.s32 $0xFFFFF800  }
0x1c: {  	[hbm4b:s9+s2] =	stream.linear.scatter [tilespmem:s7], [sflag:$0x2], $0x800, $0x38;
	[tilespmem:$0x880] =	vst v63  }
0x1d: {  	_ =	swait.ge [sflag:s3], $0x800  }
0x1e: {  	[sflag:s3] =	ssyncset.done $0x0  }
.LBB2_2:
0x1f: {  	[sflag:s3] =	ssyncadd.s32 $0xFFFFF800  }
0x20: {  	_ =	sfence.sel $0x180000  }
0x21: {  	[bflag:$0x0] =	sbarrier.arrive $0xFFFF  }
0x22: {  	p0 =	sne.s32 s0, $0x0;
	_ =	strace $0x90000059  }
0x23: {  	s0 =	sadd.s32 @!p0 $0x100000, s1;
	[bflag:$0x2] =	sbarrier.arrive $0xFFFF  }
0x24: {  	[sflag:s0] =	ssyncadd.tile.s32 @!p0 $0x1;
	_ =	shalt  }
.Lfunc_end2:
_tile_overlayer_lowered:
.L_overlay_start_2:
0x25: {  	(tag) =	ssettag $0x2  }
0x26: {  	s0 =	rddreg [dreg:$0x0];
	s2 =	stileid.u32  }
0x27: {  	s1 =	rddreg [dreg:$0x1];
	p0 =	sne.s32 s2, $0x0  }
0x28: {  	s3 =	rddreg [dreg:$0x2];
	[bflag:$0x3] =	sbarrier.arrive $0xFFFF;
	s2 =	simm.s32 @!p0 $0x1C02  }
0x29: {  	[timem:s3], [sflag:s2] =	dma.local @!p0 [hbm:s0], s1  }
0x2a: {  	s0 =	simm.s32 @!p0 $0x2  }
0x2b: {  	_ =	swait.ge @!p0 [sflag:s0], s1  }
0x2c: {  	s1 =	ssub.s32 @!p0 $0x0, s1;
	[sflag:s0] =	ssyncset.done @!p0 $0x0  }
0x2d: {  	[sflag:s0] =	ssyncadd.s32 @!p0 s1  }
0x2e: {  	[bflag:$0x3] =	sbarrier.arrive $0xFFFF  }
0x2f: {  	_ =	shalt  }

</sc_bundles>
